<compile_context>
chip_gen: v7x
topology: tpu7x:2x2x1
jax: 0.10.2.dev20260603
libtpu: 0.0.44.dev20260713+nightly
codegen_flags: <defaults>
</compile_context>

<pallas_src>
import jax
import jax.numpy as jnp
from jax import lax
from jax.experimental import pallas as pl
from jax.experimental.pallas import tpu as pltpu
from jax.experimental.pallas import tpu_sc as plsc

B = 16
S = 512
HID = 1024
VOCAB = 250002
CT = 123
CW = CT * 128
NT = 16
TAIL = VOCAB - 15 * CW - 108 * 128


def _tw_body(x_ref, w_ref, b_ref, m_ref, o_ref):
    x = x_ref[0]
    w = w_ref[...]
    y = jnp.sum(x * w, axis=1)
    y = (y + b_ref[0, 0]) * m_ref[0, 0]
    o_ref[...] = jnp.maximum(y, 0.0)[None, None]


def _token_weights(hidden_states, W, b, attention_mask):
    return pl.pallas_call(
        _tw_body,
        grid=(B,),
        in_specs=[
            pl.BlockSpec((1, S, HID), lambda i: (i, 0, 0)),
            pl.BlockSpec((1, HID), lambda i: (0, 0)),
            pl.BlockSpec((1, 1), lambda i: (0, 0)),
            pl.BlockSpec((1, 1, S), lambda i: (i, 0, 0)),
        ],
        out_specs=pl.BlockSpec((1, 1, S), lambda i: (i, 0, 0)),
        out_shape=jax.ShapeDtypeStruct((B, 1, S), jnp.float32),
    )(hidden_states, W.reshape(1, HID), b.reshape(1, 1),
      attention_mask.reshape(B, 1, S))


def _scatter_body(tw_hbm, ids_hbm, out_hbm, tail_hbm, idx_v, val_v, buf,
                  lsem, wsem):
    g = lax.axis_index("c")
    t = lax.axis_index("s")
    base = t * CW
    row0 = pl.multiple_of(g * 8, 8)

    pltpu.async_copy(ids_hbm.at[pl.ds(row0 * S, S)], idx_v.at[0], lsem)
    pltpu.async_copy(tw_hbm.at[pl.ds(row0 * S, S)], val_v.at[0], lsem)

    def _zero(i, carry):
        for r in range(8):
            for u in range(8):
                buf[r, pl.ds(i * 128 + u * 16, 16)] = jnp.zeros((16,),
                                                               jnp.float32)
        return carry
    lax.fori_loop(0, CT, _zero, 0)

    lane = jax.lax.iota(jnp.int32, 16)

    for r in range(8):
        p = r % 2
        pltpu.make_async_copy(ids_hbm.at[pl.ds(row0 * S, S)],
                              idx_v.at[p], lsem).wait()
        pltpu.make_async_copy(tw_hbm.at[pl.ds(row0 * S, S)],
                              val_v.at[p], lsem).wait()
        if r < 7:
            nxt = (row0 + r + 1) * S
            pltpu.async_copy(ids_hbm.at[pl.ds(nxt, S)],
                             idx_v.at[1 - p], lsem)
            pltpu.async_copy(tw_hbm.at[pl.ds(nxt, S)],
                             val_v.at[1 - p], lsem)
        rr = jnp.full((16,), r, jnp.int32)

        def _scat(k, carry, p=p, rr=rr):
            col = idx_v[p, pl.ds(k * 16, 16)] - base
            ok = (col >= 0) & (col < CW)
            col = jnp.where(ok, col, 0)
            val = val_v[p, pl.ds(k * 16, 16)]
            for l in range(16):
                plsc.addupdate_scatter(buf, [rr, col], val,
                                       mask=ok & (lane == l))
            return carry
        lax.fori_loop(0, S // 16, _scat, 0)

    col0 = pl.multiple_of(base, 128)

    @pl.when(t < NT - 1)
    def _():
        pltpu.sync_copy(buf, out_hbm.at[pl.ds(row0, 8), pl.ds(col0, CW)])

    @pl.when(t == NT - 1)
    def _():
        pltpu.async_copy(buf.at[:, pl.ds(0, 108 * 128)],
                         out_hbm.at[pl.ds(row0, 8), pl.ds(col0, 108 * 128)],
                         wsem)
        pltpu.async_copy(buf.at[:, pl.ds(108 * 128, 128)],
                         tail_hbm.at[pl.ds(row0, 8), pl.ds(0, 128)], wsem)
        pltpu.make_async_copy(
            buf.at[:, pl.ds(0, 108 * 128)],
            out_hbm.at[pl.ds(row0, 8), pl.ds(col0, 108 * 128)], wsem).wait()
        pltpu.make_async_copy(
            buf.at[:, pl.ds(108 * 128, 128)],
            tail_hbm.at[pl.ds(row0, 8), pl.ds(0, 128)], wsem).wait()


def _scatter(tw_flat, ids_flat):
    mesh = plsc.VectorSubcoreMesh(core_axis_name="c", subcore_axis_name="s")
    return pl.kernel(
        _scatter_body,
        out_type=(jax.ShapeDtypeStruct((B, VOCAB), jnp.float32),
                  jax.ShapeDtypeStruct((B, 128), jnp.float32)),
        mesh=mesh,
        scratch_types=[
            pltpu.VMEM((2, S), jnp.int32),
            pltpu.VMEM((2, S), jnp.float32),
            pltpu.VMEM((8, CW), jnp.float32),
            pltpu.SemaphoreType.DMA,
            pltpu.SemaphoreType.DMA,
        ],
        compiler_params=pltpu.CompilerParams(needs_layout_passes=False),
    )(tw_flat, ids_flat)


def kernel(hidden_states, input_ids, attention_mask, W, b):
    tw = _token_weights(hidden_states, W, b, attention_mask)
    main, tail = _scatter(tw.reshape(B * S), input_ids.reshape(B * S))
    return lax.dynamic_update_slice(main, tail[:, :TAIL], (0, 15 * CW + 108 * 128))

# --- scband reference (transcript-rebuilt; emitter-appended) ---
"""Pipeline reference for scband-sparse-embedding-head-39659728011418 (READ-ONLY COPY).

The authoritative reference and input builder live on the scoring server;
editing this copy changes nothing except your own understanding.
"""

import jax, jax.numpy as jnp
import numpy as np

VOCAB = 250002
HID = 1024
B, S = 16, 512


def setup_inputs(seed: int = 0) -> dict:
    key = jax.random.key(seed)
    k1, k2, k3, k4 = jax.random.split(key, 4)
    hidden_states = jax.random.normal(k1, (B, S, HID), dtype=jnp.float32)
    input_ids = jax.random.randint(k2, (B, S), 0, VOCAB, dtype=jnp.int32)
    attention_mask = jnp.ones((B, S), dtype=jnp.float32)
    W = jax.random.normal(k3, (HID,), dtype=jnp.float32) * 0.02
    b = jnp.zeros((), dtype=jnp.float32)
    return {"hidden_states": hidden_states, "input_ids": input_ids, "attention_mask": attention_mask, "W": W, "b": b}


def reference(hidden_states, input_ids, attention_mask, W, b):
    # token_weights = Linear(hidden_size, 1)(hidden_states).squeeze(-1)
    token_weights = jnp.einsum('bsh,h->bs', hidden_states, W) + b
    # mask then relu (masked positions -> 0, so scatter-add of them is a no-op,
    # matching the torch loop which skips mask==0 positions)
    token_weights = token_weights * attention_mask
    token_weights = jax.nn.relu(token_weights)
    batch_size, seq_len = input_ids.shape
    rows = jnp.broadcast_to(jnp.arange(batch_size)[:, None], (batch_size, seq_len))
    sparse_embedding = jnp.zeros((batch_size, VOCAB), dtype=token_weights.dtype)
    sparse_embedding = sparse_embedding.at[rows, input_ids].add(token_weights)
    return sparse_embedding

if __name__ == "__main__":
    import jax
    _d = setup_inputs()
    print(jax.jit(kernel)(*tuple(_d.values())))

</pallas_src>

<mosaic_0001>
#map = affine_map<(d0, d1) -> (0)>
#map1 = affine_map<(d0, d1) -> (0, 0)>
module attributes {stable_mosaic.version = 14 : i64} {
  func.func @_scatter_body(%arg0: i32, %arg1: i32, %arg2: memref<8192xf32, #tpu.memory_space<hbm>>, %arg3: memref<8192xi32, #tpu.memory_space<hbm>>, %arg4: memref<16x250002xf32, #tpu.memory_space<hbm>>, %arg5: memref<16x128xf32, #tpu.memory_space<hbm>>, %arg6: memref<2x512xi32, #tpu.memory_space<vmem>>, %arg7: memref<2x512xf32, #tpu.memory_space<vmem>>, %arg8: memref<8x15744xf32, #tpu.memory_space<vmem>>, %arg9: memref<!tpu.dma_semaphore, #tpu.memory_space<semaphore_mem>>, %arg10: memref<!tpu.dma_semaphore, #tpu.memory_space<semaphore_mem>>) attributes {dimension_semantics = [#tpu.dimension_semantics<core_parallel>, #tpu.dimension_semantics<subcore_parallel>], iteration_bounds = array<i64: 2, 16>, scalar_prefetch = 0 : i64, scratch_operands = 5 : i64, tpu.core_type = #tpu.core_type<sc_vector_subcore>, window_params = [{transform_indices = #map}, {transform_indices = #map}, {transform_indices = #map1}, {transform_indices = #map1}]} {
    %mul3A = arith.constant 15744 : i32
    %mul3A_0 = arith.muli %arg1, %mul3A : i32
    %mul3A_1 = arith.constant 8 : i32
    %mul3A_2 = arith.muli %arg0, %mul3A_1 : i32
    %multiple_of3A = tpu.assume_multiple %mul3A_2, 8 : i32
    %mul3A_3 = arith.constant 512 : i32
    %mul3A_4 = arith.muli %multiple_of3A, %mul3A_3 : i32
    %dma_start3A = arith.constant 0 : i32
    %dma_start3A_5 = arith.constant 0 : i32
    %dma_start3A_6 = tpu.memref_slice %arg6[%dma_start3A, %dma_start3A_5] : memref<2x512xi32, #tpu.memory_space<vmem>> -> memref<1x512xi32, #tpu.memory_space<vmem>>
    %dma_start3A_7 = tpu.memref_squeeze %dma_start3A_6 : memref<1x512xi32, #tpu.memory_space<vmem>> -> memref<512xi32, #tpu.memory_space<vmem>>
    %dma_start3A_8 = tpu.memref_slice %arg3[%mul3A_4] : memref<8192xi32, #tpu.memory_space<hbm>> -> memref<512xi32, #tpu.memory_space<hbm>>
    %dma_start3A_9 = arith.constant 0 : i32
    %dma_start3A_10 = tpu.memref_slice %arg6[%dma_start3A, %dma_start3A_9] : memref<2x512xi32, #tpu.memory_space<vmem>> -> memref<1x512xi32, #tpu.memory_space<vmem>>
    %dma_start3A_11 = tpu.memref_squeeze %dma_start3A_10 : memref<1x512xi32, #tpu.memory_space<vmem>> -> memref<512xi32, #tpu.memory_space<vmem>>
    %dma_start3A_12 = tpu.memref_slice %arg3[%mul3A_4] : memref<8192xi32, #tpu.memory_space<hbm>> -> memref<512xi32, #tpu.memory_space<hbm>>
    tpu.enqueue_dma source(%dma_start3A_12 : memref<512xi32, #tpu.memory_space<hbm>>) target(%dma_start3A_11 : memref<512xi32, #tpu.memory_space<vmem>>) target_semaphore(%arg9 : memref<!tpu.dma_semaphore, #tpu.memory_space<semaphore_mem>>)
    %mul3A_13 = arith.constant 512 : i32
    %mul3A_14 = arith.muli %multiple_of3A, %mul3A_13 : i32
    %dma_start3A_15 = arith.constant 0 : i32
    %dma_start3A_16 = arith.constant 0 : i32
    %dma_start3A_17 = tpu.memref_slice %arg7[%dma_start3A_15, %dma_start3A_16] : memref<2x512xf32, #tpu.memory_space<vmem>> -> memref<1x512xf32, #tpu.memory_space<vmem>>
    %dma_start3A_18 = tpu.memref_squeeze %dma_start3A_17 : memref<1x512xf32, #tpu.memory_space<vmem>> -> memref<512xf32, #tpu.memory_space<vmem>>
    %dma_start3A_19 = tpu.memref_slice %arg2[%mul3A_14] : memref<8192xf32, #tpu.memory_space<hbm>> -> memref<512xf32, #tpu.memory_space<hbm>>
    %dma_start3A_20 = arith.constant 0 : i32
    %dma_start3A_21 = tpu.memref_slice %arg7[%dma_start3A_15, %dma_start3A_20] : memref<2x512xf32, #tpu.memory_space<vmem>> -> memref<1x512xf32, #tpu.memory_space<vmem>>
    %dma_start3A_22 = tpu.memref_squeeze %dma_start3A_21 : memref<1x512xf32, #tpu.memory_space<vmem>> -> memref<512xf32, #tpu.memory_space<vmem>>
    %dma_start3A_23 = tpu.memref_slice %arg2[%mul3A_14] : memref<8192xf32, #tpu.memory_space<hbm>> -> memref<512xf32, #tpu.memory_space<hbm>>
    tpu.enqueue_dma source(%dma_start3A_23 : memref<512xf32, #tpu.memory_space<hbm>>) target(%dma_start3A_22 : memref<512xf32, #tpu.memory_space<vmem>>) target_semaphore(%arg9 : memref<!tpu.dma_semaphore, #tpu.memory_space<semaphore_mem>>)
    %scan3A = arith.constant 0 : i32
    %scan3A_24 = arith.constant 0 : i32
    %scan3A_25 = arith.constant 123 : i32
    %scan3A_26 = arith.addi %scan3A_24, %scan3A_25 : i32
    %scan3A_27 = arith.constant 1 : i32
    scf.for %scan3A_441 = %scan3A_24 to %scan3A_26 step %scan3A_27  : i32 {
      %broadcast_in_dim3A_442 = arith.constant 0.000000e+00 : f32
      %broadcast_in_dim3A_443 = vector.broadcast %broadcast_in_dim3A_442 : f32 to vector<16xf32>
      %mul3A_444 = arith.constant 128 : i32
      %mul3A_445 = arith.muli %scan3A_441, %mul3A_444 : i32
      %add3A_446 = arith.constant 0 : i32
      %add3A_447 = arith.addi %mul3A_445, %add3A_446 : i32
      %swap3A = arith.constant 0 : i32
      %swap3A_448 = arith.index_cast %swap3A : i32 to index
      %swap3A_449 = arith.index_cast %add3A_447 : i32 to index
      %swap3A_450 = tpu.vector_load %arg8[%swap3A_448, %swap3A_449] {strides = array<i32>} : memref<8x15744xf32, #tpu.memory_space<vmem>>, vector<16xf32>,
      tpu.vector_store %arg8[%swap3A_448, %swap3A_449], %broadcast_in_dim3A_443 {strides = array<i32>} : memref<8x15744xf32, #tpu.memory_space<vmem>>, vector<16xf32>,
      %broadcast_in_dim3A_451 = arith.constant 0.000000e+00 : f32
      %broadcast_in_dim3A_452 = vector.broadcast %broadcast_in_dim3A_451 : f32 to vector<16xf32>
      %mul3A_453 = arith.constant 128 : i32
      %mul3A_454 = arith.muli %scan3A_441, %mul3A_453 : i32
      %add3A_455 = arith.constant 16 : i32
      %add3A_456 = arith.addi %mul3A_454, %add3A_455 : i32
      %swap3A_457 = arith.constant 0 : i32
      %swap3A_458 = arith.index_cast %swap3A_457 : i32 to index
      %swap3A_459 = arith.index_cast %add3A_456 : i32 to index
      %swap3A_460 = tpu.vector_load %arg8[%swap3A_458, %swap3A_459] {strides = array<i32>} : memref<8x15744xf32, #tpu.memory_space<vmem>>, vector<16xf32>,
      tpu.vector_store %arg8[%swap3A_458, %swap3A_459], %broadcast_in_dim3A_452 {strides = array<i32>} : memref<8x15744xf32, #tpu.memory_space<vmem>>, vector<16xf32>,
      %broadcast_in_dim3A_461 = arith.constant 0.000000e+00 : f32
      %broadcast_in_dim3A_462 = vector.broadcast %broadcast_in_dim3A_461 : f32 to vector<16xf32>
      %mul3A_463 = arith.constant 128 : i32
      %mul3A_464 = arith.muli %scan3A_441, %mul3A_463 : i32
      %add3A_465 = arith.constant 32 : i32
      %add3A_466 = arith.addi %mul3A_464, %add3A_465 : i32
      %swap3A_467 = arith.constant 0 : i32
      %swap3A_468 = arith.index_cast %swap3A_467 : i32 to index
      %swap3A_469 = arith.index_cast %add3A_466 : i32 to index
      %swap3A_470 = tpu.vector_load %arg8[%swap3A_468, %swap3A_469] {strides = array<i32>} : memref<8x15744xf32, #tpu.memory_space<vmem>>, vector<16xf32>,
      tpu.vector_store %arg8[%swap3A_468, %swap3A_469], %broadcast_in_dim3A_462 {strides = array<i32>} : memref<8x15744xf32, #tpu.memory_space<vmem>>, vector<16xf32>,
      %broadcast_in_dim3A_471 = arith.constant 0.000000e+00 : f32
      %broadcast_in_dim3A_472 = vector.broadcast %broadcast_in_dim3A_471 : f32 to vector<16xf32>
      %mul3A_473 = arith.constant 128 : i32
      %mul3A_474 = arith.muli %scan3A_441, %mul3A_473 : i32
      %add3A_475 = arith.constant 48 : i32
      %add3A_476 = arith.addi %mul3A_474, %add3A_475 : i32
      %swap3A_477 = arith.constant 0 : i32
      %swap3A_478 = arith.index_cast %swap3A_477 : i32 to index
      %swap3A_479 = arith.index_cast %add3A_476 : i32 to index
      %swap3A_480 = tpu.vector_load %arg8[%swap3A_478, %swap3A_479] {strides = array<i32>} : memref<8x15744xf32, #tpu.memory_space<vmem>>, vector<16xf32>,
      tpu.vector_store %arg8[%swap3A_478, %swap3A_479], %broadcast_in_dim3A_472 {strides = array<i32>} : memref<8x15744xf32, #tpu.memory_space<vmem>>, vector<16xf32>,
      %broadcast_in_dim3A_481 = arith.constant 0.000000e+00 : f32
      %broadcast_in_dim3A_482 = vector.broadcast %broadcast_in_dim3A_481 : f32 to vector<16xf32>
      %mul3A_483 = arith.constant 128 : i32
      %mul3A_484 = arith.muli %scan3A_441, %mul3A_483 : i32
      %add3A_485 = arith.constant 64 : i32
      %add3A_486 = arith.addi %mul3A_484, %add3A_485 : i32
      %swap3A_487 = arith.constant 0 : i32
      %swap3A_488 = arith.index_cast %swap3A_487 : i32 to index
      %swap3A_489 = arith.index_cast %add3A_486 : i32 to index
      %swap3A_490 = tpu.vector_load %arg8[%swap3A_488, %swap3A_489] {strides = array<i32>} : memref<8x15744xf32, #tpu.memory_space<vmem>>, vector<16xf32>,
      tpu.vector_store %arg8[%swap3A_488, %swap3A_489], %broadcast_in_dim3A_482 {strides = array<i32>} : memref<8x15744xf32, #tpu.memory_space<vmem>>, vector<16xf32>,
      %broadcast_in_dim3A_491 = arith.constant 0.000000e+00 : f32
      %broadcast_in_dim3A_492 = vector.broadcast %broadcast_in_dim3A_491 : f32 to vector<16xf32>
      %mul3A_493 = arith.constant 128 : i32
      %mul3A_494 = arith.muli %scan3A_441, %mul3A_493 : i32
      %add3A_495 = arith.constant 80 : i32
      %add3A_496 = arith.addi %mul3A_494, %add3A_495 : i32
      %swap3A_497 = arith.constant 0 : i32
      %swap3A_498 = arith.index_cast %swap3A_497 : i32 to index
      %swap3A_499 = arith.index_cast %add3A_496 : i32 to index
      %swap3A_500 = tpu.vector_load %arg8[%swap3A_498, %swap3A_499] {strides = array<i32>} : memref<8x15744xf32, #tpu.memory_space<vmem>>, vector<16xf32>,
      tpu.vector_store %arg8[%swap3A_498, %swap3A_499], %broadcast_in_dim3A_492 {strides = array<i32>} : memref<8x15744xf32, #tpu.memory_space<vmem>>, vector<16xf32>,
      %broadcast_in_dim3A_501 = arith.constant 0.000000e+00 : f32
      %broadcast_in_dim3A_502 = vector.broadcast %broadcast_in_dim3A_501 : f32 to vector<16xf32>
      %mul3A_503 = arith.constant 128 : i32
      %mul3A_504 = arith.muli %scan3A_441, %mul3A_503 : i32
      %add3A_505 = arith.constant 96 : i32
      %add3A_506 = arith.addi %mul3A_504, %add3A_505 : i32
      %swap3A_507 = arith.constant 0 : i32
      %swap3A_508 = arith.index_cast %swap3A_507 : i32 to index
      %swap3A_509 = arith.index_cast %add3A_506 : i32 to index
      %swap3A_510 = tpu.vector_load %arg8[%swap3A_508, %swap3A_509] {strides = array<i32>} : memref<8x15744xf32, #tpu.memory_space<vmem>>, vector<16xf32>,
      tpu.vector_store %arg8[%swap3A_508, %swap3A_509], %broadcast_in_dim3A_502 {strides = array<i32>} : memref<8x15744xf32, #tpu.memory_space<vmem>>, vector<16xf32>,
      %broadcast_in_dim3A_511 = arith.constant 0.000000e+00 : f32
      %broadcast_in_dim3A_512 = vector.broadcast %broadcast_in_dim3A_511 : f32 to vector<16xf32>
      %mul3A_513 = arith.constant 128 : i32
      %mul3A_514 = arith.muli %scan3A_441, %mul3A_513 : i32
      %add3A_515 = arith.constant 112 : i32
      %add3A_516 = arith.addi %mul3A_514, %add3A_515 : i32
      %swap3A_517 = arith.constant 0 : i32
      %swap3A_518 = arith.index_cast %swap3A_517 : i32 to index
      %swap3A_519 = arith.index_cast %add3A_516 : i32 to index
      %swap3A_520 = tpu.vector_load %arg8[%swap3A_518, %swap3A_519] {strides = array<i32>} : memref<8x15744xf32, #tpu.memory_space<vmem>>, vector<16xf32>,
      tpu.vector_store %arg8[%swap3A_518, %swap3A_519], %broadcast_in_dim3A_512 {strides = array<i32>} : memref<8x15744xf32, #tpu.memory_space<vmem>>, vector<16xf32>,
      %broadcast_in_dim3A_521 = arith.constant 0.000000e+00 : f32
      %broadcast_in_dim3A_522 = vector.broadcast %broadcast_in_dim3A_521 : f32 to vector<16xf32>
      %mul3A_523 = arith.constant 128 : i32
      %mul3A_524 = arith.muli %scan3A_441, %mul3A_523 : i32
      %add3A_525 = arith.constant 0 : i32
      %add3A_526 = arith.addi %mul3A_524, %add3A_525 : i32
      %swap3A_527 = arith.constant 1 : i32
      %swap3A_528 = arith.index_cast %swap3A_527 : i32 to index
      %swap3A_529 = arith.index_cast %add3A_526 : i32 to index
      %swap3A_530 = tpu.vector_load %arg8[%swap3A_528, %swap3A_529] {strides = array<i32>} : memref<8x15744xf32, #tpu.memory_space<vmem>>, vector<16xf32>,
      tpu.vector_store %arg8[%swap3A_528, %swap3A_529], %broadcast_in_dim3A_522 {strides = array<i32>} : memref<8x15744xf32, #tpu.memory_space<vmem>>, vector<16xf32>,
      %broadcast_in_dim3A_531 = arith.constant 0.000000e+00 : f32
      %broadcast_in_dim3A_532 = vector.broadcast %broadcast_in_dim3A_531 : f32 to vector<16xf32>
      %mul3A_533 = arith.constant 128 : i32
      %mul3A_534 = arith.muli %scan3A_441, %mul3A_533 : i32
      %add3A_535 = arith.constant 16 : i32
      %add3A_536 = arith.addi %mul3A_534, %add3A_535 : i32
      %swap3A_537 = arith.constant 1 : i32
      %swap3A_538 = arith.index_cast %swap3A_537 : i32 to index
      %swap3A_539 = arith.index_cast %add3A_536 : i32 to index
      %swap3A_540 = tpu.vector_load %arg8[%swap3A_538, %swap3A_539] {strides = array<i32>} : memref<8x15744xf32, #tpu.memory_space<vmem>>, vector<16xf32>,
      tpu.vector_store %arg8[%swap3A_538, %swap3A_539], %broadcast_in_dim3A_532 {strides = array<i32>} : memref<8x15744xf32, #tpu.memory_space<vmem>>, vector<16xf32>,
      %broadcast_in_dim3A_541 = arith.constant 0.000000e+00 : f32
      %broadcast_in_dim3A_542 = vector.broadcast %broadcast_in_dim3A_541 : f32 to vector<16xf32>
      %mul3A_543 = arith.constant 128 : i32
      %mul3A_544 = arith.muli %scan3A_441, %mul3A_543 : i32
      %add3A_545 = arith.constant 32 : i32
      %add3A_546 = arith.addi %mul3A_544, %add3A_545 : i32
      %swap3A_547 = arith.constant 1 : i32
      %swap3A_548 = arith.index_cast %swap3A_547 : i32 to index
      %swap3A_549 = arith.index_cast %add3A_546 : i32 to index
      %swap3A_550 = tpu.vector_load %arg8[%swap3A_548, %swap3A_549] {strides = array<i32>} : memref<8x15744xf32, #tpu.memory_space<vmem>>, vector<16xf32>,
      tpu.vector_store %arg8[%swap3A_548, %swap3A_549], %broadcast_in_dim3A_542 {strides = array<i32>} : memref<8x15744xf32, #tpu.memory_space<vmem>>, vector<16xf32>,
      %broadcast_in_dim3A_551 = arith.constant 0.000000e+00 : f32
      %broadcast_in_dim3A_552 = vector.broadcast %broadcast_in_dim3A_551 : f32 to vector<16xf32>
      %mul3A_553 = arith.constant 128 : i32
      %mul3A_554 = arith.muli %scan3A_441, %mul3A_553 : i32
      %add3A_555 = arith.constant 48 : i32
      %add3A_556 = arith.addi %mul3A_554, %add3A_555 : i32
      %swap3A_557 = arith.constant 1 : i32
      %swap3A_558 = arith.index_cast %swap3A_557 : i32 to index
      %swap3A_559 = arith.index_cast %add3A_556 : i32 to index
      %swap3A_560 = tpu.vector_load %arg8[%swap3A_558, %swap3A_559] {strides = array<i32>} : memref<8x15744xf32, #tpu.memory_space<vmem>>, vector<16xf32>,
      tpu.vector_store %arg8[%swap3A_558, %swap3A_559], %broadcast_in_dim3A_552 {strides = array<i32>} : memref<8x15744xf32, #tpu.memory_space<vmem>>, vector<16xf32>,
      %broadcast_in_dim3A_561 = arith.constant 0.000000e+00 : f32
      %broadcast_in_dim3A_562 = vector.broadcast %broadcast_in_dim3A_561 : f32 to vector<16xf32>
      %mul3A_563 = arith.constant 128 : i32
      %mul3A_564 = arith.muli %scan3A_441, %mul3A_563 : i32
      %add3A_565 = arith.constant 64 : i32
      %add3A_566 = arith.addi %mul3A_564, %add3A_565 : i32
      %swap3A_567 = arith.constant 1 : i32
      %swap3A_568 = arith.index_cast %swap3A_567 : i32 to index
      %swap3A_569 = arith.index_cast %add3A_566 : i32 to index
      %swap3A_570 = tpu.vector_load %arg8[%swap3A_568, %swap3A_569] {strides = array<i32>} : memref<8x15744xf32, #tpu.memory_space<vmem>>, vector<16xf32>,
      tpu.vector_store %arg8[%swap3A_568, %swap3A_569], %broadcast_in_dim3A_562 {strides = array<i32>} : memref<8x15744xf32, #tpu.memory_space<vmem>>, vector<16xf32>,
      %broadcast_in_dim3A_571 = arith.constant 0.000000e+00 : f32
      %broadcast_in_dim3A_572 = vector.broadcast %broadcast_in_dim3A_571 : f32 to vector<16xf32>
      %mul3A_573 = arith.constant 128 : i32
      %mul3A_574 = arith.muli %scan3A_441, %mul3A_573 : i32
      %add3A_575 = arith.constant 80 : i32
      %add3A_576 = arith.addi %mul3A_574, %add3A_575 : i32
      %swap3A_577 = arith.constant 1 : i32
      %swap3A_578 = arith.index_cast %swap3A_577 : i32 to index
      %swap3A_579 = arith.index_cast %add3A_576 : i32 to index
      %swap3A_580 = tpu.vector_load %arg8[%swap3A_578, %swap3A_579] {strides = array<i32>} : memref<8x15744xf32, #tpu.memory_space<vmem>>, vector<16xf32>,
      tpu.vector_store %arg8[%swap3A_578, %swap3A_579], %broadcast_in_dim3A_572 {strides = array<i32>} : memref<8x15744xf32, #tpu.memory_space<vmem>>, vector<16xf32>,
      %broadcast_in_dim3A_581 = arith.constant 0.000000e+00 : f32
      %broadcast_in_dim3A_582 = vector.broadcast %broadcast_in_dim3A_581 : f32 to vector<16xf32>
      %mul3A_583 = arith.constant 128 : i32
      %mul3A_584 = arith.muli %scan3A_441, %mul3A_583 : i32
      %add3A_585 = arith.constant 96 : i32
      %add3A_586 = arith.addi %mul3A_584, %add3A_585 : i32
      %swap3A_587 = arith.constant 1 : i32
      %swap3A_588 = arith.index_cast %swap3A_587 : i32 to index
      %swap3A_589 = arith.index_cast %add3A_586 : i32 to index
      %swap3A_590 = tpu.vector_load %arg8[%swap3A_588, %swap3A_589] {strides = array<i32>} : memref<8x15744xf32, #tpu.memory_space<vmem>>, vector<16xf32>,
      tpu.vector_store %arg8[%swap3A_588, %swap3A_589], %broadcast_in_dim3A_582 {strides = array<i32>} : memref<8x15744xf32, #tpu.memory_space<vmem>>, vector<16xf32>,
      %broadcast_in_dim3A_591 = arith.constant 0.000000e+00 : f32
      %broadcast_in_dim3A_592 = vector.broadcast %broadcast_in_dim3A_591 : f32 to vector<16xf32>
      %mul3A_593 = arith.constant 128 : i32
      %mul3A_594 = arith.muli %scan3A_441, %mul3A_593 : i32
      %add3A_595 = arith.constant 112 : i32
      %add3A_596 = arith.addi %mul3A_594, %add3A_595 : i32
      %swap3A_597 = arith.constant 1 : i32
      %swap3A_598 = arith.index_cast %swap3A_597 : i32 to index
      %swap3A_599 = arith.index_cast %add3A_596 : i32 to index
      %swap3A_600 = tpu.vector_load %arg8[%swap3A_598, %swap3A_599] {strides = array<i32>} : memref<8x15744xf32, #tpu.memory_space<vmem>>, vector<16xf32>,
      tpu.vector_store %arg8[%swap3A_598, %swap3A_599], %broadcast_in_dim3A_592 {strides = array<i32>} : memref<8x15744xf32, #tpu.memory_space<vmem>>, vector<16xf32>,
      %broadcast_in_dim3A_601 = arith.constant 0.000000e+00 : f32
      %broadcast_in_dim3A_602 = vector.broadcast %broadcast_in_dim3A_601 : f32 to vector<16xf32>
      %mul3A_603 = arith.constant 128 : i32
      %mul3A_604 = arith.muli %scan3A_441, %mul3A_603 : i32
      %add3A_605 = arith.constant 0 : i32
      %add3A_606 = arith.addi %mul3A_604, %add3A_605 : i32
      %swap3A_607 = arith.constant 2 : i32
      %swap3A_608 = arith.index_cast %swap3A_607 : i32 to index
      %swap3A_609 = arith.index_cast %add3A_606 : i32 to index
      %swap3A_610 = tpu.vector_load %arg8[%swap3A_608, %swap3A_609] {strides = array<i32>} : memref<8x15744xf32, #tpu.memory_space<vmem>>, vector<16xf32>,
      tpu.vector_store %arg8[%swap3A_608, %swap3A_609], %broadcast_in_dim3A_602 {strides = array<i32>} : memref<8x15744xf32, #tpu.memory_space<vmem>>, vector<16xf32>,
      %broadcast_in_dim3A_611 = arith.constant 0.000000e+00 : f32
      %broadcast_in_dim3A_612 = vector.broadcast %broadcast_in_dim3A_611 : f32 to vector<16xf32>
      %mul3A_613 = arith.constant 128 : i32
      %mul3A_614 = arith.muli %scan3A_441, %mul3A_613 : i32
      %add3A_615 = arith.constant 16 : i32
      %add3A_616 = arith.addi %mul3A_614, %add3A_615 : i32
      %swap3A_617 = arith.constant 2 : i32
      %swap3A_618 = arith.index_cast %swap3A_617 : i32 to index
      %swap3A_619 = arith.index_cast %add3A_616 : i32 to index
      %swap3A_620 = tpu.vector_load %arg8[%swap3A_618, %swap3A_619] {strides = array<i32>} : memref<8x15744xf32, #tpu.memory_space<vmem>>, vector<16xf32>,
      tpu.vector_store %arg8[%swap3A_618, %swap3A_619], %broadcast_in_dim3A_612 {strides = array<i32>} : memref<8x15744xf32, #tpu.memory_space<vmem>>, vector<16xf32>,
      %broadcast_in_dim3A_621 = arith.constant 0.000000e+00 : f32
      %broadcast_in_dim3A_622 = vector.broadcast %broadcast_in_dim3A_621 : f32 to vector<16xf32>
      %mul3A_623 = arith.constant 128 : i32
      %mul3A_624 = arith.muli %scan3A_441, %mul3A_623 : i32
      %add3A_625 = arith.constant 32 : i32
      %add3A_626 = arith.addi %mul3A_624, %add3A_625 : i32
      %swap3A_627 = arith.constant 2 : i32
      %swap3A_628 = arith.index_cast %swap3A_627 : i32 to index
      %swap3A_629 = arith.index_cast %add3A_626 : i32 to index
      %swap3A_630 = tpu.vector_load %arg8[%swap3A_628, %swap3A_629] {strides = array<i32>} : memref<8x15744xf32, #tpu.memory_space<vmem>>, vector<16xf32>,
      tpu.vector_store %arg8[%swap3A_628, %swap3A_629], %broadcast_in_dim3A_622 {strides = array<i32>} : memref<8x15744xf32, #tpu.memory_space<vmem>>, vector<16xf32>,
      %broadcast_in_dim3A_631 = arith.constant 0.000000e+00 : f32
      %broadcast_in_dim3A_632 = vector.broadcast %broadcast_in_dim3A_631 : f32 to vector<16xf32>
      %mul3A_633 = arith.constant 128 : i32
      %mul3A_634 = arith.muli %scan3A_441, %mul3A_633 : i32
      %add3A_635 = arith.constant 48 : i32
      %add3A_636 = arith.addi %mul3A_634, %add3A_635 : i32
      %swap3A_637 = arith.constant 2 : i32
      %swap3A_638 = arith.index_cast %swap3A_637 : i32 to index
      %swap3A_639 = arith.index_cast %add3A_636 : i32 to index
      %swap3A_640 = tpu.vector_load %arg8[%swap3A_638, %swap3A_639] {strides = array<i32>} : memref<8x15744xf32, #tpu.memory_space<vmem>>, vector<16xf32>,
      tpu.vector_store %arg8[%swap3A_638, %swap3A_639], %broadcast_in_dim3A_632 {strides = array<i32>} : memref<8x15744xf32, #tpu.memory_space<vmem>>, vector<16xf32>,
      %broadcast_in_dim3A_641 = arith.constant 0.000000e+00 : f32
      %broadcast_in_dim3A_642 = vector.broadcast %broadcast_in_dim3A_641 : f32 to vector<16xf32>
      %mul3A_643 = arith.constant 128 : i32
      %mul3A_644 = arith.muli %scan3A_441, %mul3A_643 : i32
      %add3A_645 = arith.constant 64 : i32
      %add3A_646 = arith.addi %mul3A_644, %add3A_645 : i32
      %swap3A_647 = arith.constant 2 : i32
      %swap3A_648 = arith.index_cast %swap3A_647 : i32 to index
      %swap3A_649 = arith.index_cast %add3A_646 : i32 to index
      %swap3A_650 = tpu.vector_load %arg8[%swap3A_648, %swap3A_649] {strides = array<i32>} : memref<8x15744xf32, #tpu.memory_space<vmem>>, vector<16xf32>,
      tpu.vector_store %arg8[%swap3A_648, %swap3A_649], %broadcast_in_dim3A_642 {strides = array<i32>} : memref<8x15744xf32, #tpu.memory_space<vmem>>, vector<16xf32>,
      %broadcast_in_dim3A_651 = arith.constant 0.000000e+00 : f32
      %broadcast_in_dim3A_652 = vector.broadcast %broadcast_in_dim3A_651 : f32 to vector<16xf32>
      %mul3A_653 = arith.constant 128 : i32
      %mul3A_654 = arith.muli %scan3A_441, %mul3A_653 : i32
      %add3A_655 = arith.constant 80 : i32
      %add3A_656 = arith.addi %mul3A_654, %add3A_655 : i32
      %swap3A_657 = arith.constant 2 : i32
      %swap3A_658 = arith.index_cast %swap3A_657 : i32 to index
      %swap3A_659 = arith.index_cast %add3A_656 : i32 to index
      %swap3A_660 = tpu.vector_load %arg8[%swap3A_658, %swap3A_659] {strides = array<i32>} : memref<8x15744xf32, #tpu.memory_space<vmem>>, vector<16xf32>,
      tpu.vector_store %arg8[%swap3A_658, %swap3A_659], %broadcast_in_dim3A_652 {strides = array<i32>} : memref<8x15744xf32, #tpu.memory_space<vmem>>, vector<16xf32>,
      %broadcast_in_dim3A_661 = arith.constant 0.000000e+00 : f32
      %broadcast_in_dim3A_662 = vector.broadcast %broadcast_in_dim3A_661 : f32 to vector<16xf32>
      %mul3A_663 = arith.constant 128 : i32
      %mul3A_664 = arith.muli %scan3A_441, %mul3A_663 : i32
      %add3A_665 = arith.constant 96 : i32
      %add3A_666 = arith.addi %mul3A_664, %add3A_665 : i32
      %swap3A_667 = arith.constant 2 : i32
      %swap3A_668 = arith.index_cast %swap3A_667 : i32 to index
      %swap3A_669 = arith.index_cast %add3A_666 : i32 to index
      %swap3A_670 = tpu.vector_load %arg8[%swap3A_668, %swap3A_669] {strides = array<i32>} : memref<8x15744xf32, #tpu.memory_space<vmem>>, vector<16xf32>,
      tpu.vector_store %arg8[%swap3A_668, %swap3A_669], %broadcast_in_dim3A_662 {strides = array<i32>} : memref<8x15744xf32, #tpu.memory_space<vmem>>, vector<16xf32>,
      %broadcast_in_dim3A_671 = arith.constant 0.000000e+00 : f32
      %broadcast_in_dim3A_672 = vector.broadcast %broadcast_in_dim3A_671 : f32 to vector<16xf32>
      %mul3A_673 = arith.constant 128 : i32
      %mul3A_674 = arith.muli %scan3A_441, %mul3A_673 : i32
      %add3A_675 = arith.constant 112 : i32
      %add3A_676 = arith.addi %mul3A_674, %add3A_675 : i32
      %swap3A_677 = arith.constant 2 : i32
      %swap3A_678 = arith.index_cast %swap3A_677 : i32 to index
      %swap3A_679 = arith.index_cast %add3A_676 : i32 to index
      %swap3A_680 = tpu.vector_load %arg8[%swap3A_678, %swap3A_679] {strides = array<i32>} : memref<8x15744xf32, #tpu.memory_space<vmem>>, vector<16xf32>,
      tpu.vector_store %arg8[%swap3A_678, %swap3A_679], %broadcast_in_dim3A_672 {strides = array<i32>} : memref<8x15744xf32, #tpu.memory_space<vmem>>, vector<16xf32>,
      %broadcast_in_dim3A_681 = arith.constant 0.000000e+00 : f32
      %broadcast_in_dim3A_682 = vector.broadcast %broadcast_in_dim3A_681 : f32 to vector<16xf32>
      %mul3A_683 = arith.constant 128 : i32
      %mul3A_684 = arith.muli %scan3A_441, %mul3A_683 : i32
      %add3A_685 = arith.constant 0 : i32
      %add3A_686 = arith.addi %mul3A_684, %add3A_685 : i32
      %swap3A_687 = arith.constant 3 : i32
      %swap3A_688 = arith.index_cast %swap3A_687 : i32 to index
      %swap3A_689 = arith.index_cast %add3A_686 : i32 to index
      %swap3A_690 = tpu.vector_load %arg8[%swap3A_688, %swap3A_689] {strides = array<i32>} : memref<8x15744xf32, #tpu.memory_space<vmem>>, vector<16xf32>,
      tpu.vector_store %arg8[%swap3A_688, %swap3A_689], %broadcast_in_dim3A_682 {strides = array<i32>} : memref<8x15744xf32, #tpu.memory_space<vmem>>, vector<16xf32>,
      %broadcast_in_dim3A_691 = arith.constant 0.000000e+00 : f32
      %broadcast_in_dim3A_692 = vector.broadcast %broadcast_in_dim3A_691 : f32 to vector<16xf32>
      %mul3A_693 = arith.constant 128 : i32
      %mul3A_694 = arith.muli %scan3A_441, %mul3A_693 : i32
      %add3A_695 = arith.constant 16 : i32
      %add3A_696 = arith.addi %mul3A_694, %add3A_695 : i32
      %swap3A_697 = arith.constant 3 : i32
      %swap3A_698 = arith.index_cast %swap3A_697 : i32 to index
      %swap3A_699 = arith.index_cast %add3A_696 : i32 to index
      %swap3A_700 = tpu.vector_load %arg8[%swap3A_698, %swap3A_699] {strides = array<i32>} : memref<8x15744xf32, #tpu.memory_space<vmem>>, vector<16xf32>,
      tpu.vector_store %arg8[%swap3A_698, %swap3A_699], %broadcast_in_dim3A_692 {strides = array<i32>} : memref<8x15744xf32, #tpu.memory_space<vmem>>, vector<16xf32>,
      %broadcast_in_dim3A_701 = arith.constant 0.000000e+00 : f32
      %broadcast_in_dim3A_702 = vector.broadcast %broadcast_in_dim3A_701 : f32 to vector<16xf32>
      %mul3A_703 = arith.constant 128 : i32
      %mul3A_704 = arith.muli %scan3A_441, %mul3A_703 : i32
      %add3A_705 = arith.constant 32 : i32
      %add3A_706 = arith.addi %mul3A_704, %add3A_705 : i32
      %swap3A_707 = arith.constant 3 : i32
      %swap3A_708 = arith.index_cast %swap3A_707 : i32 to index
      %swap3A_709 = arith.index_cast %add3A_706 : i32 to index
      %swap3A_710 = tpu.vector_load %arg8[%swap3A_708, %swap3A_709] {strides = array<i32>} : memref<8x15744xf32, #tpu.memory_space<vmem>>, vector<16xf32>,
      tpu.vector_store %arg8[%swap3A_708, %swap3A_709], %broadcast_in_dim3A_702 {strides = array<i32>} : memref<8x15744xf32, #tpu.memory_space<vmem>>, vector<16xf32>,
      %broadcast_in_dim3A_711 = arith.constant 0.000000e+00 : f32
      %broadcast_in_dim3A_712 = vector.broadcast %broadcast_in_dim3A_711 : f32 to vector<16xf32>
      %mul3A_713 = arith.constant 128 : i32
      %mul3A_714 = arith.muli %scan3A_441, %mul3A_713 : i32
      %add3A_715 = arith.constant 48 : i32
      %add3A_716 = arith.addi %mul3A_714, %add3A_715 : i32
      %swap3A_717 = arith.constant 3 : i32
      %swap3A_718 = arith.index_cast %swap3A_717 : i32 to index
      %swap3A_719 = arith.index_cast %add3A_716 : i32 to index
      %swap3A_720 = tpu.vector_load %arg8[%swap3A_718, %swap3A_719] {strides = array<i32>} : memref<8x15744xf32, #tpu.memory_space<vmem>>, vector<16xf32>,
      tpu.vector_store %arg8[%swap3A_718, %swap3A_719], %broadcast_in_dim3A_712 {strides = array<i32>} : memref<8x15744xf32, #tpu.memory_space<vmem>>, vector<16xf32>,
      %broadcast_in_dim3A_721 = arith.constant 0.000000e+00 : f32
      %broadcast_in_dim3A_722 = vector.broadcast %broadcast_in_dim3A_721 : f32 to vector<16xf32>
      %mul3A_723 = arith.constant 128 : i32
      %mul3A_724 = arith.muli %scan3A_441, %mul3A_723 : i32
      %add3A_725 = arith.constant 64 : i32
      %add3A_726 = arith.addi %mul3A_724, %add3A_725 : i32
      %swap3A_727 = arith.constant 3 : i32
      %swap3A_728 = arith.index_cast %swap3A_727 : i32 to index
      %swap3A_729 = arith.index_cast %add3A_726 : i32 to index
      %swap3A_730 = tpu.vector_load %arg8[%swap3A_728, %swap3A_729] {strides = array<i32>} : memref<8x15744xf32, #tpu.memory_space<vmem>>, vector<16xf32>,
      tpu.vector_store %arg8[%swap3A_728, %swap3A_729], %broadcast_in_dim3A_722 {strides = array<i32>} : memref<8x15744xf32, #tpu.memory_space<vmem>>, vector<16xf32>,
      %broadcast_in_dim3A_731 = arith.constant 0.000000e+00 : f32
      %broadcast_in_dim3A_732 = vector.broadcast %broadcast_in_dim3A_731 : f32 to vector<16xf32>
      %mul3A_733 = arith.constant 128 : i32
      %mul3A_734 = arith.muli %scan3A_441, %mul3A_733 : i32
      %add3A_735 = arith.constant 80 : i32
      %add3A_736 = arith.addi %mul3A_734, %add3A_735 : i32
      %swap3A_737 = arith.constant 3 : i32
      %swap3A_738 = arith.index_cast %swap3A_737 : i32 to index
      %swap3A_739 = arith.index_cast %add3A_736 : i32 to index
      %swap3A_740 = tpu.vector_load %arg8[%swap3A_738, %swap3A_739] {strides = array<i32>} : memref<8x15744xf32, #tpu.memory_space<vmem>>, vector<16xf32>,
      tpu.vector_store %arg8[%swap3A_738, %swap3A_739], %broadcast_in_dim3A_732 {strides = array<i32>} : memref<8x15744xf32, #tpu.memory_space<vmem>>, vector<16xf32>,
      %broadcast_in_dim3A_741 = arith.constant 0.000000e+00 : f32
      %broadcast_in_dim3A_742 = vector.broadcast %broadcast_in_dim3A_741 : f32 to vector<16xf32>
      %mul3A_743 = arith.constant 128 : i32
      %mul3A_744 = arith.muli %scan3A_441, %mul3A_743 : i32
      %add3A_745 = arith.constant 96 : i32
      %add3A_746 = arith.addi %mul3A_744, %add3A_745 : i32
      %swap3A_747 = arith.constant 3 : i32
      %swap3A_748 = arith.index_cast %swap3A_747 : i32 to index
      %swap3A_749 = arith.index_cast %add3A_746 : i32 to index
      %swap3A_750 = tpu.vector_load %arg8[%swap3A_748, %swap3A_749] {strides = array<i32>} : memref<8x15744xf32, #tpu.memory_space<vmem>>, vector<16xf32>,
      tpu.vector_store %arg8[%swap3A_748, %swap3A_749], %broadcast_in_dim3A_742 {strides = array<i32>} : memref<8x15744xf32, #tpu.memory_space<vmem>>, vector<16xf32>,
      %broadcast_in_dim3A_751 = arith.constant 0.000000e+00 : f32
      %broadcast_in_dim3A_752 = vector.broadcast %broadcast_in_dim3A_751 : f32 to vector<16xf32>
      %mul3A_753 = arith.constant 128 : i32
      %mul3A_754 = arith.muli %scan3A_441, %mul3A_753 : i32
      %add3A_755 = arith.constant 112 : i32
      %add3A_756 = arith.addi %mul3A_754, %add3A_755 : i32
      %swap3A_757 = arith.constant 3 : i32
      %swap3A_758 = arith.index_cast %swap3A_757 : i32 to index
      %swap3A_759 = arith.index_cast %add3A_756 : i32 to index
      %swap3A_760 = tpu.vector_load %arg8[%swap3A_758, %swap3A_759] {strides = array<i32>} : memref<8x15744xf32, #tpu.memory_space<vmem>>, vector<16xf32>,
      tpu.vector_store %arg8[%swap3A_758, %swap3A_759], %broadcast_in_dim3A_752 {strides = array<i32>} : memref<8x15744xf32, #tpu.memory_space<vmem>>, vector<16xf32>,
      %broadcast_in_dim3A_761 = arith.constant 0.000000e+00 : f32
      %broadcast_in_dim3A_762 = vector.broadcast %broadcast_in_dim3A_761 : f32 to vector<16xf32>
      %mul3A_763 = arith.constant 128 : i32
      %mul3A_764 = arith.muli %scan3A_441, %mul3A_763 : i32
      %add3A_765 = arith.constant 0 : i32
      %add3A_766 = arith.addi %mul3A_764, %add3A_765 : i32
      %swap3A_767 = arith.constant 4 : i32
      %swap3A_768 = arith.index_cast %swap3A_767 : i32 to index
      %swap3A_769 = arith.index_cast %add3A_766 : i32 to index
      %swap3A_770 = tpu.vector_load %arg8[%swap3A_768, %swap3A_769] {strides = array<i32>} : memref<8x15744xf32, #tpu.memory_space<vmem>>, vector<16xf32>,
      tpu.vector_store %arg8[%swap3A_768, %swap3A_769], %broadcast_in_dim3A_762 {strides = array<i32>} : memref<8x15744xf32, #tpu.memory_space<vmem>>, vector<16xf32>,
      %broadcast_in_dim3A_771 = arith.constant 0.000000e+00 : f32
      %broadcast_in_dim3A_772 = vector.broadcast %broadcast_in_dim3A_771 : f32 to vector<16xf32>
      %mul3A_773 = arith.constant 128 : i32
      %mul3A_774 = arith.muli %scan3A_441, %mul3A_773 : i32
      %add3A_775 = arith.constant 16 : i32
      %add3A_776 = arith.addi %mul3A_774, %add3A_775 : i32
      %swap3A_777 = arith.constant 4 : i32
      %swap3A_778 = arith.index_cast %swap3A_777 : i32 to index
      %swap3A_779 = arith.index_cast %add3A_776 : i32 to index
      %swap3A_780 = tpu.vector_load %arg8[%swap3A_778, %swap3A_779] {strides = array<i32>} : memref<8x15744xf32, #tpu.memory_space<vmem>>, vector<16xf32>,
      tpu.vector_store %arg8[%swap3A_778, %swap3A_779], %broadcast_in_dim3A_772 {strides = array<i32>} : memref<8x15744xf32, #tpu.memory_space<vmem>>, vector<16xf32>,
      %broadcast_in_dim3A_781 = arith.constant 0.000000e+00 : f32
      %broadcast_in_dim3A_782 = vector.broadcast %broadcast_in_dim3A_781 : f32 to vector<16xf32>
      %mul3A_783 = arith.constant 128 : i32
      %mul3A_784 = arith.muli %scan3A_441, %mul3A_783 : i32
      %add3A_785 = arith.constant 32 : i32
      %add3A_786 = arith.addi %mul3A_784, %add3A_785 : i32
      %swap3A_787 = arith.constant 4 : i32
      %swap3A_788 = arith.index_cast %swap3A_787 : i32 to index
      %swap3A_789 = arith.index_cast %add3A_786 : i32 to index
      %swap3A_790 = tpu.vector_load %arg8[%swap3A_788, %swap3A_789] {strides = array<i32>} : memref<8x15744xf32, #tpu.memory_space<vmem>>, vector<16xf32>,
      tpu.vector_store %arg8[%swap3A_788, %swap3A_789], %broadcast_in_dim3A_782 {strides = array<i32>} : memref<8x15744xf32, #tpu.memory_space<vmem>>, vector<16xf32>,
      %broadcast_in_dim3A_791 = arith.constant 0.000000e+00 : f32
      %broadcast_in_dim3A_792 = vector.broadcast %broadcast_in_dim3A_791 : f32 to vector<16xf32>
      %mul3A_793 = arith.constant 128 : i32
      %mul3A_794 = arith.muli %scan3A_441, %mul3A_793 : i32
      %add3A_795 = arith.constant 48 : i32
      %add3A_796 = arith.addi %mul3A_794, %add3A_795 : i32
      %swap3A_797 = arith.constant 4 : i32
      %swap3A_798 = arith.index_cast %swap3A_797 : i32 to index
      %swap3A_799 = arith.index_cast %add3A_796 : i32 to index
      %swap3A_800 = tpu.vector_load %arg8[%swap3A_798, %swap3A_799] {strides = array<i32>} : memref<8x15744xf32, #tpu.memory_space<vmem>>, vector<16xf32>,
      tpu.vector_store %arg8[%swap3A_798, %swap3A_799], %broadcast_in_dim3A_792 {strides = array<i32>} : memref<8x15744xf32, #tpu.memory_space<vmem>>, vector<16xf32>,
      %broadcast_in_dim3A_801 = arith.constant 0.000000e+00 : f32
      %broadcast_in_dim3A_802 = vector.broadcast %broadcast_in_dim3A_801 : f32 to vector<16xf32>
      %mul3A_803 = arith.constant 128 : i32
      %mul3A_804 = arith.muli %scan3A_441, %mul3A_803 : i32
      %add3A_805 = arith.constant 64 : i32
      %add3A_806 = arith.addi %mul3A_804, %add3A_805 : i32
      %swap3A_807 = arith.constant 4 : i32
      %swap3A_808 = arith.index_cast %swap3A_807 : i32 to index
      %swap3A_809 = arith.index_cast %add3A_806 : i32 to index
      %swap3A_810 = tpu.vector_load %arg8[%swap3A_808, %swap3A_809] {strides = array<i32>} : memref<8x15744xf32, #tpu.memory_space<vmem>>, vector<16xf32>,
      tpu.vector_store %arg8[%swap3A_808, %swap3A_809], %broadcast_in_dim3A_802 {strides = array<i32>} : memref<8x15744xf32, #tpu.memory_space<vmem>>, vector<16xf32>,
      %broadcast_in_dim3A_811 = arith.constant 0.000000e+00 : f32
      %broadcast_in_dim3A_812 = vector.broadcast %broadcast_in_dim3A_811 : f32 to vector<16xf32>
      %mul3A_813 = arith.constant 128 : i32
      %mul3A_814 = arith.muli %scan3A_441, %mul3A_813 : i32
      %add3A_815 = arith.constant 80 : i32
      %add3A_816 = arith.addi %mul3A_814, %add3A_815 : i32
      %swap3A_817 = arith.constant 4 : i32
      %swap3A_818 = arith.index_cast %swap3A_817 : i32 to index
      %swap3A_819 = arith.index_cast %add3A_816 : i32 to index
      %swap3A_820 = tpu.vector_load %arg8[%swap3A_818, %swap3A_819] {strides = array<i32>} : memref<8x15744xf32, #tpu.memory_space<vmem>>, vector<16xf32>,
      tpu.vector_store %arg8[%swap3A_818, %swap3A_819], %broadcast_in_dim3A_812 {strides = array<i32>} : memref<8x15744xf32, #tpu.memory_space<vmem>>, vector<16xf32>,
      %broadcast_in_dim3A_821 = arith.constant 0.000000e+00 : f32
      %broadcast_in_dim3A_822 = vector.broadcast %broadcast_in_dim3A_821 : f32 to vector<16xf32>
      %mul3A_823 = arith.constant 128 : i32
      %mul3A_824 = arith.muli %scan3A_441, %mul3A_823 : i32
      %add3A_825 = arith.constant 96 : i32
      %add3A_826 = arith.addi %mul3A_824, %add3A_825 : i32
      %swap3A_827 = arith.constant 4 : i32
      %swap3A_828 = arith.index_cast %swap3A_827 : i32 to index
      %swap3A_829 = arith.index_cast %add3A_826 : i32 to index
      %swap3A_830 = tpu.vector_load %arg8[%swap3A_828, %swap3A_829] {strides = array<i32>} : memref<8x15744xf32, #tpu.memory_space<vmem>>, vector<16xf32>,
      tpu.vector_store %arg8[%swap3A_828, %swap3A_829], %broadcast_in_dim3A_822 {strides = array<i32>} : memref<8x15744xf32, #tpu.memory_space<vmem>>, vector<16xf32>,
      %broadcast_in_dim3A_831 = arith.constant 0.000000e+00 : f32
      %broadcast_in_dim3A_832 = vector.broadcast %broadcast_in_dim3A_831 : f32 to vector<16xf32>
      %mul3A_833 = arith.constant 128 : i32
      %mul3A_834 = arith.muli %scan3A_441, %mul3A_833 : i32
      %add3A_835 = arith.constant 112 : i32
      %add3A_836 = arith.addi %mul3A_834, %add3A_835 : i32
      %swap3A_837 = arith.constant 4 : i32
      %swap3A_838 = arith.index_cast %swap3A_837 : i32 to index
      %swap3A_839 = arith.index_cast %add3A_836 : i32 to index
      %swap3A_840 = tpu.vector_load %arg8[%swap3A_838, %swap3A_839] {strides = array<i32>} : memref<8x15744xf32, #tpu.memory_space<vmem>>, vector<16xf32>,
      tpu.vector_store %arg8[%swap3A_838, %swap3A_839], %broadcast_in_dim3A_832 {strides = array<i32>} : memref<8x15744xf32, #tpu.memory_space<vmem>>, vector<16xf32>,
      %broadcast_in_dim3A_841 = arith.constant 0.000000e+00 : f32
      %broadcast_in_dim3A_842 = vector.broadcast %broadcast_in_dim3A_841 : f32 to vector<16xf32>
      %mul3A_843 = arith.constant 128 : i32
      %mul3A_844 = arith.muli %scan3A_441, %mul3A_843 : i32
      %add3A_845 = arith.constant 0 : i32
      %add3A_846 = arith.addi %mul3A_844, %add3A_845 : i32
      %swap3A_847 = arith.constant 5 : i32
      %swap3A_848 = arith.index_cast %swap3A_847 : i32 to index
      %swap3A_849 = arith.index_cast %add3A_846 : i32 to index
      %swap3A_850 = tpu.vector_load %arg8[%swap3A_848, %swap3A_849] {strides = array<i32>} : memref<8x15744xf32, #tpu.memory_space<vmem>>, vector<16xf32>,
      tpu.vector_store %arg8[%swap3A_848, %swap3A_849], %broadcast_in_dim3A_842 {strides = array<i32>} : memref<8x15744xf32, #tpu.memory_space<vmem>>, vector<16xf32>,
      %broadcast_in_dim3A_851 = arith.constant 0.000000e+00 : f32
      %broadcast_in_dim3A_852 = vector.broadcast %broadcast_in_dim3A_851 : f32 to vector<16xf32>
      %mul3A_853 = arith.constant 128 : i32
      %mul3A_854 = arith.muli %scan3A_441, %mul3A_853 : i32
      %add3A_855 = arith.constant 16 : i32
      %add3A_856 = arith.addi %mul3A_854, %add3A_855 : i32
      %swap3A_857 = arith.constant 5 : i32
      %swap3A_858 = arith.index_cast %swap3A_857 : i32 to index
      %swap3A_859 = arith.index_cast %add3A_856 : i32 to index
      %swap3A_860 = tpu.vector_load %arg8[%swap3A_858, %swap3A_859] {strides = array<i32>} : memref<8x15744xf32, #tpu.memory_space<vmem>>, vector<16xf32>,
      tpu.vector_store %arg8[%swap3A_858, %swap3A_859], %broadcast_in_dim3A_852 {strides = array<i32>} : memref<8x15744xf32, #tpu.memory_space<vmem>>, vector<16xf32>,
      %broadcast_in_dim3A_861 = arith.constant 0.000000e+00 : f32
      %broadcast_in_dim3A_862 = vector.broadcast %broadcast_in_dim3A_861 : f32 to vector<16xf32>
      %mul3A_863 = arith.constant 128 : i32
      %mul3A_864 = arith.muli %scan3A_441, %mul3A_863 : i32
      %add3A_865 = arith.constant 32 : i32
      %add3A_866 = arith.addi %mul3A_864, %add3A_865 : i32
      %swap3A_867 = arith.constant 5 : i32
      %swap3A_868 = arith.index_cast %swap3A_867 : i32 to index
      %swap3A_869 = arith.index_cast %add3A_866 : i32 to index
      %swap3A_870 = tpu.vector_load %arg8[%swap3A_868, %swap3A_869] {strides = array<i32>} : memref<8x15744xf32, #tpu.memory_space<vmem>>, vector<16xf32>,
      tpu.vector_store %arg8[%swap3A_868, %swap3A_869], %broadcast_in_dim3A_862 {strides = array<i32>} : memref<8x15744xf32, #tpu.memory_space<vmem>>, vector<16xf32>,
      %broadcast_in_dim3A_871 = arith.constant 0.000000e+00 : f32
      %broadcast_in_dim3A_872 = vector.broadcast %broadcast_in_dim3A_871 : f32 to vector<16xf32>
      %mul3A_873 = arith.constant 128 : i32
      %mul3A_874 = arith.muli %scan3A_441, %mul3A_873 : i32
      %add3A_875 = arith.constant 48 : i32
      %add3A_876 = arith.addi %mul3A_874, %add3A_875 : i32
      %swap3A_877 = arith.constant 5 : i32
      %swap3A_878 = arith.index_cast %swap3A_877 : i32 to index
      %swap3A_879 = arith.index_cast %add3A_876 : i32 to index
      %swap3A_880 = tpu.vector_load %arg8[%swap3A_878, %swap3A_879] {strides = array<i32>} : memref<8x15744xf32, #tpu.memory_space<vmem>>, vector<16xf32>,
      tpu.vector_store %arg8[%swap3A_878, %swap3A_879], %broadcast_in_dim3A_872 {strides = array<i32>} : memref<8x15744xf32, #tpu.memory_space<vmem>>, vector<16xf32>,
      %broadcast_in_dim3A_881 = arith.constant 0.000000e+00 : f32
      %broadcast_in_dim3A_882 = vector.broadcast %broadcast_in_dim3A_881 : f32 to vector<16xf32>
      %mul3A_883 = arith.constant 128 : i32
      %mul3A_884 = arith.muli %scan3A_441, %mul3A_883 : i32
      %add3A_885 = arith.constant 64 : i32
      %add3A_886 = arith.addi %mul3A_884, %add3A_885 : i32
      %swap3A_887 = arith.constant 5 : i32
      %swap3A_888 = arith.index_cast %swap3A_887 : i32 to index
      %swap3A_889 = arith.index_cast %add3A_886 : i32 to index
      %swap3A_890 = tpu.vector_load %arg8[%swap3A_888, %swap3A_889] {strides = array<i32>} : memref<8x15744xf32, #tpu.memory_space<vmem>>, vector<16xf32>,
      tpu.vector_store %arg8[%swap3A_888, %swap3A_889], %broadcast_in_dim3A_882 {strides = array<i32>} : memref<8x15744xf32, #tpu.memory_space<vmem>>, vector<16xf32>,
      %broadcast_in_dim3A_891 = arith.constant 0.000000e+00 : f32
      %broadcast_in_dim3A_892 = vector.broadcast %broadcast_in_dim3A_891 : f32 to vector<16xf32>
      %mul3A_893 = arith.constant 128 : i32
      %mul3A_894 = arith.muli %scan3A_441, %mul3A_893 : i32
      %add3A_895 = arith.constant 80 : i32
      %add3A_896 = arith.addi %mul3A_894, %add3A_895 : i32
      %swap3A_897 = arith.constant 5 : i32
      %swap3A_898 = arith.index_cast %swap3A_897 : i32 to index
      %swap3A_899 = arith.index_cast %add3A_896 : i32 to index
      %swap3A_900 = tpu.vector_load %arg8[%swap3A_898, %swap3A_899] {strides = array<i32>} : memref<8x15744xf32, #tpu.memory_space<vmem>>, vector<16xf32>,
      tpu.vector_store %arg8[%swap3A_898, %swap3A_899], %broadcast_in_dim3A_892 {strides = array<i32>} : memref<8x15744xf32, #tpu.memory_space<vmem>>, vector<16xf32>,
      %broadcast_in_dim3A_901 = arith.constant 0.000000e+00 : f32
      %broadcast_in_dim3A_902 = vector.broadcast %broadcast_in_dim3A_901 : f32 to vector<16xf32>
      %mul3A_903 = arith.constant 128 : i32
      %mul3A_904 = arith.muli %scan3A_441, %mul3A_903 : i32
      %add3A_905 = arith.constant 96 : i32
      %add3A_906 = arith.addi %mul3A_904, %add3A_905 : i32
      %swap3A_907 = arith.constant 5 : i32
      %swap3A_908 = arith.index_cast %swap3A_907 : i32 to index
      %swap3A_909 = arith.index_cast %add3A_906 : i32 to index
      %swap3A_910 = tpu.vector_load %arg8[%swap3A_908, %swap3A_909] {strides = array<i32>} : memref<8x15744xf32, #tpu.memory_space<vmem>>, vector<16xf32>,
      tpu.vector_store %arg8[%swap3A_908, %swap3A_909], %broadcast_in_dim3A_902 {strides = array<i32>} : memref<8x15744xf32, #tpu.memory_space<vmem>>, vector<16xf32>,
      %broadcast_in_dim3A_911 = arith.constant 0.000000e+00 : f32
      %broadcast_in_dim3A_912 = vector.broadcast %broadcast_in_dim3A_911 : f32 to vector<16xf32>
      %mul3A_913 = arith.constant 128 : i32
      %mul3A_914 = arith.muli %scan3A_441, %mul3A_913 : i32
      %add3A_915 = arith.constant 112 : i32
      %add3A_916 = arith.addi %mul3A_914, %add3A_915 : i32
      %swap3A_917 = arith.constant 5 : i32
      %swap3A_918 = arith.index_cast %swap3A_917 : i32 to index
      %swap3A_919 = arith.index_cast %add3A_916 : i32 to index
      %swap3A_920 = tpu.vector_load %arg8[%swap3A_918, %swap3A_919] {strides = array<i32>} : memref<8x15744xf32, #tpu.memory_space<vmem>>, vector<16xf32>,
      tpu.vector_store %arg8[%swap3A_918, %swap3A_919], %broadcast_in_dim3A_912 {strides = array<i32>} : memref<8x15744xf32, #tpu.memory_space<vmem>>, vector<16xf32>,
      %broadcast_in_dim3A_921 = arith.constant 0.000000e+00 : f32
      %broadcast_in_dim3A_922 = vector.broadcast %broadcast_in_dim3A_921 : f32 to vector<16xf32>
      %mul3A_923 = arith.constant 128 : i32
      %mul3A_924 = arith.muli %scan3A_441, %mul3A_923 : i32
      %add3A_925 = arith.constant 0 : i32
      %add3A_926 = arith.addi %mul3A_924, %add3A_925 : i32
      %swap3A_927 = arith.constant 6 : i32
      %swap3A_928 = arith.index_cast %swap3A_927 : i32 to index
      %swap3A_929 = arith.index_cast %add3A_926 : i32 to index
      %swap3A_930 = tpu.vector_load %arg8[%swap3A_928, %swap3A_929] {strides = array<i32>} : memref<8x15744xf32, #tpu.memory_space<vmem>>, vector<16xf32>,
      tpu.vector_store %arg8[%swap3A_928, %swap3A_929], %broadcast_in_dim3A_922 {strides = array<i32>} : memref<8x15744xf32, #tpu.memory_space<vmem>>, vector<16xf32>,
      %broadcast_in_dim3A_931 = arith.constant 0.000000e+00 : f32
      %broadcast_in_dim3A_932 = vector.broadcast %broadcast_in_dim3A_931 : f32 to vector<16xf32>
      %mul3A_933 = arith.constant 128 : i32
      %mul3A_934 = arith.muli %scan3A_441, %mul3A_933 : i32
      %add3A_935 = arith.constant 16 : i32
      %add3A_936 = arith.addi %mul3A_934, %add3A_935 : i32
      %swap3A_937 = arith.constant 6 : i32
      %swap3A_938 = arith.index_cast %swap3A_937 : i32 to index
      %swap3A_939 = arith.index_cast %add3A_936 : i32 to index
      %swap3A_940 = tpu.vector_load %arg8[%swap3A_938, %swap3A_939] {strides = array<i32>} : memref<8x15744xf32, #tpu.memory_space<vmem>>, vector<16xf32>,
      tpu.vector_store %arg8[%swap3A_938, %swap3A_939], %broadcast_in_dim3A_932 {strides = array<i32>} : memref<8x15744xf32, #tpu.memory_space<vmem>>, vector<16xf32>,
      %broadcast_in_dim3A_941 = arith.constant 0.000000e+00 : f32
      %broadcast_in_dim3A_942 = vector.broadcast %broadcast_in_dim3A_941 : f32 to vector<16xf32>
      %mul3A_943 = arith.constant 128 : i32
      %mul3A_944 = arith.muli %scan3A_441, %mul3A_943 : i32
      %add3A_945 = arith.constant 32 : i32
      %add3A_946 = arith.addi %mul3A_944, %add3A_945 : i32
      %swap3A_947 = arith.constant 6 : i32
      %swap3A_948 = arith.index_cast %swap3A_947 : i32 to index
      %swap3A_949 = arith.index_cast %add3A_946 : i32 to index
      %swap3A_950 = tpu.vector_load %arg8[%swap3A_948, %swap3A_949] {strides = array<i32>} : memref<8x15744xf32, #tpu.memory_space<vmem>>, vector<16xf32>,
      tpu.vector_store %arg8[%swap3A_948, %swap3A_949], %broadcast_in_dim3A_942 {strides = array<i32>} : memref<8x15744xf32, #tpu.memory_space<vmem>>, vector<16xf32>,
      %broadcast_in_dim3A_951 = arith.constant 0.000000e+00 : f32
      %broadcast_in_dim3A_952 = vector.broadcast %broadcast_in_dim3A_951 : f32 to vector<16xf32>
      %mul3A_953 = arith.constant 128 : i32
      %mul3A_954 = arith.muli %scan3A_441, %mul3A_953 : i32
      %add3A_955 = arith.constant 48 : i32
      %add3A_956 = arith.addi %mul3A_954, %add3A_955 : i32
      %swap3A_957 = arith.constant 6 : i32
      %swap3A_958 = arith.index_cast %swap3A_957 : i32 to index
      %swap3A_959 = arith.index_cast %add3A_956 : i32 to index
      %swap3A_960 = tpu.vector_load %arg8[%swap3A_958, %swap3A_959] {strides = array<i32>} : memref<8x15744xf32, #tpu.memory_space<vmem>>, vector<16xf32>,
      tpu.vector_store %arg8[%swap3A_958, %swap3A_959], %broadcast_in_dim3A_952 {strides = array<i32>} : memref<8x15744xf32, #tpu.memory_space<vmem>>, vector<16xf32>,
      %broadcast_in_dim3A_961 = arith.constant 0.000000e+00 : f32
      %broadcast_in_dim3A_962 = vector.broadcast %broadcast_in_dim3A_961 : f32 to vector<16xf32>
      %mul3A_963 = arith.constant 128 : i32
      %mul3A_964 = arith.muli %scan3A_441, %mul3A_963 : i32
      %add3A_965 = arith.constant 64 : i32
      %add3A_966 = arith.addi %mul3A_964, %add3A_965 : i32
      %swap3A_967 = arith.constant 6 : i32
      %swap3A_968 = arith.index_cast %swap3A_967 : i32 to index
      %swap3A_969 = arith.index_cast %add3A_966 : i32 to index
      %swap3A_970 = tpu.vector_load %arg8[%swap3A_968, %swap3A_969] {strides = array<i32>} : memref<8x15744xf32, #tpu.memory_space<vmem>>, vector<16xf32>,
      tpu.vector_store %arg8[%swap3A_968, %swap3A_969], %broadcast_in_dim3A_962 {strides = array<i32>} : memref<8x15744xf32, #tpu.memory_space<vmem>>, vector<16xf32>,
      %broadcast_in_dim3A_971 = arith.constant 0.000000e+00 : f32
      %broadcast_in_dim3A_972 = vector.broadcast %broadcast_in_dim3A_971 : f32 to vector<16xf32>
      %mul3A_973 = arith.constant 128 : i32
      %mul3A_974 = arith.muli %scan3A_441, %mul3A_973 : i32
      %add3A_975 = arith.constant 80 : i32
      %add3A_976 = arith.addi %mul3A_974, %add3A_975 : i32
      %swap3A_977 = arith.constant 6 : i32
      %swap3A_978 = arith.index_cast %swap3A_977 : i32 to index
      %swap3A_979 = arith.index_cast %add3A_976 : i32 to index
      %swap3A_980 = tpu.vector_load %arg8[%swap3A_978, %swap3A_979] {strides = array<i32>} : memref<8x15744xf32, #tpu.memory_space<vmem>>, vector<16xf32>,
      tpu.vector_store %arg8[%swap3A_978, %swap3A_979], %broadcast_in_dim3A_972 {strides = array<i32>} : memref<8x15744xf32, #tpu.memory_space<vmem>>, vector<16xf32>,
      %broadcast_in_dim3A_981 = arith.constant 0.000000e+00 : f32
      %broadcast_in_dim3A_982 = vector.broadcast %broadcast_in_dim3A_981 : f32 to vector<16xf32>
      %mul3A_983 = arith.constant 128 : i32
      %mul3A_984 = arith.muli %scan3A_441, %mul3A_983 : i32
      %add3A_985 = arith.constant 96 : i32
      %add3A_986 = arith.addi %mul3A_984, %add3A_985 : i32
      %swap3A_987 = arith.constant 6 : i32
      %swap3A_988 = arith.index_cast %swap3A_987 : i32 to index
      %swap3A_989 = arith.index_cast %add3A_986 : i32 to index
      %swap3A_990 = tpu.vector_load %arg8[%swap3A_988, %swap3A_989] {strides = array<i32>} : memref<8x15744xf32, #tpu.memory_space<vmem>>, vector<16xf32>,
      tpu.vector_store %arg8[%swap3A_988, %swap3A_989], %broadcast_in_dim3A_982 {strides = array<i32>} : memref<8x15744xf32, #tpu.memory_space<vmem>>, vector<16xf32>,
      %broadcast_in_dim3A_991 = arith.constant 0.000000e+00 : f32
      %broadcast_in_dim3A_992 = vector.broadcast %broadcast_in_dim3A_991 : f32 to vector<16xf32>
      %mul3A_993 = arith.constant 128 : i32
      %mul3A_994 = arith.muli %scan3A_441, %mul3A_993 : i32
      %add3A_995 = arith.constant 112 : i32
      %add3A_996 = arith.addi %mul3A_994, %add3A_995 : i32
      %swap3A_997 = arith.constant 6 : i32
      %swap3A_998 = arith.index_cast %swap3A_997 : i32 to index
      %swap3A_999 = arith.index_cast %add3A_996 : i32 to index
      %swap3A_1000 = tpu.vector_load %arg8[%swap3A_998, %swap3A_999] {strides = array<i32>} : memref<8x15744xf32, #tpu.memory_space<vmem>>, vector<16xf32>,
      tpu.vector_store %arg8[%swap3A_998, %swap3A_999], %broadcast_in_dim3A_992 {strides = array<i32>} : memref<8x15744xf32, #tpu.memory_space<vmem>>, vector<16xf32>,
      %broadcast_in_dim3A_1001 = arith.constant 0.000000e+00 : f32
      %broadcast_in_dim3A_1002 = vector.broadcast %broadcast_in_dim3A_1001 : f32 to vector<16xf32>
      %mul3A_1003 = arith.constant 128 : i32
      %mul3A_1004 = arith.muli %scan3A_441, %mul3A_1003 : i32
      %add3A_1005 = arith.constant 0 : i32
      %add3A_1006 = arith.addi %mul3A_1004, %add3A_1005 : i32
      %swap3A_1007 = arith.constant 7 : i32
      %swap3A_1008 = arith.index_cast %swap3A_1007 : i32 to index
      %swap3A_1009 = arith.index_cast %add3A_1006 : i32 to index
      %swap3A_1010 = tpu.vector_load %arg8[%swap3A_1008, %swap3A_1009] {strides = array<i32>} : memref<8x15744xf32, #tpu.memory_space<vmem>>, vector<16xf32>,
      tpu.vector_store %arg8[%swap3A_1008, %swap3A_1009], %broadcast_in_dim3A_1002 {strides = array<i32>} : memref<8x15744xf32, #tpu.memory_space<vmem>>, vector<16xf32>,
      %broadcast_in_dim3A_1011 = arith.constant 0.000000e+00 : f32
      %broadcast_in_dim3A_1012 = vector.broadcast %broadcast_in_dim3A_1011 : f32 to vector<16xf32>
      %mul3A_1013 = arith.constant 128 : i32
      %mul3A_1014 = arith.muli %scan3A_441, %mul3A_1013 : i32
      %add3A_1015 = arith.constant 16 : i32
      %add3A_1016 = arith.addi %mul3A_1014, %add3A_1015 : i32
      %swap3A_1017 = arith.constant 7 : i32
      %swap3A_1018 = arith.index_cast %swap3A_1017 : i32 to index
      %swap3A_1019 = arith.index_cast %add3A_1016 : i32 to index
      %swap3A_1020 = tpu.vector_load %arg8[%swap3A_1018, %swap3A_1019] {strides = array<i32>} : memref<8x15744xf32, #tpu.memory_space<vmem>>, vector<16xf32>,
      tpu.vector_store %arg8[%swap3A_1018, %swap3A_1019], %broadcast_in_dim3A_1012 {strides = array<i32>} : memref<8x15744xf32, #tpu.memory_space<vmem>>, vector<16xf32>,
      %broadcast_in_dim3A_1021 = arith.constant 0.000000e+00 : f32
      %broadcast_in_dim3A_1022 = vector.broadcast %broadcast_in_dim3A_1021 : f32 to vector<16xf32>
      %mul3A_1023 = arith.constant 128 : i32
      %mul3A_1024 = arith.muli %scan3A_441, %mul3A_1023 : i32
      %add3A_1025 = arith.constant 32 : i32
      %add3A_1026 = arith.addi %mul3A_1024, %add3A_1025 : i32
      %swap3A_1027 = arith.constant 7 : i32
      %swap3A_1028 = arith.index_cast %swap3A_1027 : i32 to index
      %swap3A_1029 = arith.index_cast %add3A_1026 : i32 to index
      %swap3A_1030 = tpu.vector_load %arg8[%swap3A_1028, %swap3A_1029] {strides = array<i32>} : memref<8x15744xf32, #tpu.memory_space<vmem>>, vector<16xf32>,
      tpu.vector_store %arg8[%swap3A_1028, %swap3A_1029], %broadcast_in_dim3A_1022 {strides = array<i32>} : memref<8x15744xf32, #tpu.memory_space<vmem>>, vector<16xf32>,
      %broadcast_in_dim3A_1031 = arith.constant 0.000000e+00 : f32
      %broadcast_in_dim3A_1032 = vector.broadcast %broadcast_in_dim3A_1031 : f32 to vector<16xf32>
      %mul3A_1033 = arith.constant 128 : i32
      %mul3A_1034 = arith.muli %scan3A_441, %mul3A_1033 : i32
      %add3A_1035 = arith.constant 48 : i32
      %add3A_1036 = arith.addi %mul3A_1034, %add3A_1035 : i32
      %swap3A_1037 = arith.constant 7 : i32
      %swap3A_1038 = arith.index_cast %swap3A_1037 : i32 to index
      %swap3A_1039 = arith.index_cast %add3A_1036 : i32 to index
      %swap3A_1040 = tpu.vector_load %arg8[%swap3A_1038, %swap3A_1039] {strides = array<i32>} : memref<8x15744xf32, #tpu.memory_space<vmem>>, vector<16xf32>,
      tpu.vector_store %arg8[%swap3A_1038, %swap3A_1039], %broadcast_in_dim3A_1032 {strides = array<i32>} : memref<8x15744xf32, #tpu.memory_space<vmem>>, vector<16xf32>,
      %broadcast_in_dim3A_1041 = arith.constant 0.000000e+00 : f32
      %broadcast_in_dim3A_1042 = vector.broadcast %broadcast_in_dim3A_1041 : f32 to vector<16xf32>
      %mul3A_1043 = arith.constant 128 : i32
      %mul3A_1044 = arith.muli %scan3A_441, %mul3A_1043 : i32
      %add3A_1045 = arith.constant 64 : i32
      %add3A_1046 = arith.addi %mul3A_1044, %add3A_1045 : i32
      %swap3A_1047 = arith.constant 7 : i32
      %swap3A_1048 = arith.index_cast %swap3A_1047 : i32 to index
      %swap3A_1049 = arith.index_cast %add3A_1046 : i32 to index
      %swap3A_1050 = tpu.vector_load %arg8[%swap3A_1048, %swap3A_1049] {strides = array<i32>} : memref<8x15744xf32, #tpu.memory_space<vmem>>, vector<16xf32>,
      tpu.vector_store %arg8[%swap3A_1048, %swap3A_1049], %broadcast_in_dim3A_1042 {strides = array<i32>} : memref<8x15744xf32, #tpu.memory_space<vmem>>, vector<16xf32>,
      %broadcast_in_dim3A_1051 = arith.constant 0.000000e+00 : f32
      %broadcast_in_dim3A_1052 = vector.broadcast %broadcast_in_dim3A_1051 : f32 to vector<16xf32>
      %mul3A_1053 = arith.constant 128 : i32
      %mul3A_1054 = arith.muli %scan3A_441, %mul3A_1053 : i32
      %add3A_1055 = arith.constant 80 : i32
      %add3A_1056 = arith.addi %mul3A_1054, %add3A_1055 : i32
      %swap3A_1057 = arith.constant 7 : i32
      %swap3A_1058 = arith.index_cast %swap3A_1057 : i32 to index
      %swap3A_1059 = arith.index_cast %add3A_1056 : i32 to index
      %swap3A_1060 = tpu.vector_load %arg8[%swap3A_1058, %swap3A_1059] {strides = array<i32>} : memref<8x15744xf32, #tpu.memory_space<vmem>>, vector<16xf32>,
      tpu.vector_store %arg8[%swap3A_1058, %swap3A_1059], %broadcast_in_dim3A_1052 {strides = array<i32>} : memref<8x15744xf32, #tpu.memory_space<vmem>>, vector<16xf32>,
      %broadcast_in_dim3A_1061 = arith.constant 0.000000e+00 : f32
      %broadcast_in_dim3A_1062 = vector.broadcast %broadcast_in_dim3A_1061 : f32 to vector<16xf32>
      %mul3A_1063 = arith.constant 128 : i32
      %mul3A_1064 = arith.muli %scan3A_441, %mul3A_1063 : i32
      %add3A_1065 = arith.constant 96 : i32
      %add3A_1066 = arith.addi %mul3A_1064, %add3A_1065 : i32
      %swap3A_1067 = arith.constant 7 : i32
      %swap3A_1068 = arith.index_cast %swap3A_1067 : i32 to index
      %swap3A_1069 = arith.index_cast %add3A_1066 : i32 to index
      %swap3A_1070 = tpu.vector_load %arg8[%swap3A_1068, %swap3A_1069] {strides = array<i32>} : memref<8x15744xf32, #tpu.memory_space<vmem>>, vector<16xf32>,
      tpu.vector_store %arg8[%swap3A_1068, %swap3A_1069], %broadcast_in_dim3A_1062 {strides = array<i32>} : memref<8x15744xf32, #tpu.memory_space<vmem>>, vector<16xf32>,
      %broadcast_in_dim3A_1071 = arith.constant 0.000000e+00 : f32
      %broadcast_in_dim3A_1072 = vector.broadcast %broadcast_in_dim3A_1071 : f32 to vector<16xf32>
      %mul3A_1073 = arith.constant 128 : i32
      %mul3A_1074 = arith.muli %scan3A_441, %mul3A_1073 : i32
      %add3A_1075 = arith.constant 112 : i32
      %add3A_1076 = arith.addi %mul3A_1074, %add3A_1075 : i32
      %swap3A_1077 = arith.constant 7 : i32
      %swap3A_1078 = arith.index_cast %swap3A_1077 : i32 to index
      %swap3A_1079 = arith.index_cast %add3A_1076 : i32 to index
      %swap3A_1080 = tpu.vector_load %arg8[%swap3A_1078, %swap3A_1079] {strides = array<i32>} : memref<8x15744xf32, #tpu.memory_space<vmem>>, vector<16xf32>,
      tpu.vector_store %arg8[%swap3A_1078, %swap3A_1079], %broadcast_in_dim3A_1072 {strides = array<i32>} : memref<8x15744xf32, #tpu.memory_space<vmem>>, vector<16xf32>,
    }
    %scan3A_28 = arith.constant 123 : i32
    %iota3A = tpu.iota {dimensions = array<i32: 0>} : vector<16xi32>
    %mul3A_29 = arith.constant 512 : i32
    %mul3A_30 = arith.muli %multiple_of3A, %mul3A_29 : i32
    %dma_wait3A = arith.constant 0 : i32
    %dma_wait3A_31 = arith.constant 0 : i32
    %dma_wait3A_32 = tpu.memref_slice %arg6[%dma_wait3A, %dma_wait3A_31] : memref<2x512xi32, #tpu.memory_space<vmem>> -> memref<1x512xi32, #tpu.memory_space<vmem>>
    %dma_wait3A_33 = tpu.memref_squeeze %dma_wait3A_32 : memref<1x512xi32, #tpu.memory_space<vmem>> -> memref<512xi32, #tpu.memory_space<vmem>>
    %dma_wait3A_34 = tpu.memref_slice %arg3[%mul3A_30] : memref<8192xi32, #tpu.memory_space<hbm>> -> memref<512xi32, #tpu.memory_space<hbm>>
    %dma_wait3A_35 = arith.constant 0 : i32
    %dma_wait3A_36 = tpu.memref_slice %arg6[%dma_wait3A, %dma_wait3A_35] : memref<2x512xi32, #tpu.memory_space<vmem>> -> memref<1x512xi32, #tpu.memory_space<vmem>>
    %dma_wait3A_37 = tpu.memref_squeeze %dma_wait3A_36 : memref<1x512xi32, #tpu.memory_space<vmem>> -> memref<512xi32, #tpu.memory_space<vmem>>
    %dma_wait3A_38 = tpu.memref_slice %arg3[%mul3A_30] : memref<8192xi32, #tpu.memory_space<hbm>> -> memref<512xi32, #tpu.memory_space<hbm>>
    tpu.wait_dma2 semaphore(%arg9 : memref<!tpu.dma_semaphore, #tpu.memory_space<semaphore_mem>>) src(%dma_wait3A_38 : memref<512xi32, #tpu.memory_space<hbm>>) dst(%dma_wait3A_37 : memref<512xi32, #tpu.memory_space<vmem>>)
    %mul3A_39 = arith.constant 512 : i32
    %mul3A_40 = arith.muli %multiple_of3A, %mul3A_39 : i32
    %dma_wait3A_41 = arith.constant 0 : i32
    %dma_wait3A_42 = arith.constant 0 : i32
    %dma_wait3A_43 = tpu.memref_slice %arg7[%dma_wait3A_41, %dma_wait3A_42] : memref<2x512xf32, #tpu.memory_space<vmem>> -> memref<1x512xf32, #tpu.memory_space<vmem>>
    %dma_wait3A_44 = tpu.memref_squeeze %dma_wait3A_43 : memref<1x512xf32, #tpu.memory_space<vmem>> -> memref<512xf32, #tpu.memory_space<vmem>>
    %dma_wait3A_45 = tpu.memref_slice %arg2[%mul3A_40] : memref<8192xf32, #tpu.memory_space<hbm>> -> memref<512xf32, #tpu.memory_space<hbm>>
    %dma_wait3A_46 = arith.constant 0 : i32
    %dma_wait3A_47 = tpu.memref_slice %arg7[%dma_wait3A_41, %dma_wait3A_46] : memref<2x512xf32, #tpu.memory_space<vmem>> -> memref<1x512xf32, #tpu.memory_space<vmem>>
    %dma_wait3A_48 = tpu.memref_squeeze %dma_wait3A_47 : memref<1x512xf32, #tpu.memory_space<vmem>> -> memref<512xf32, #tpu.memory_space<vmem>>
    %dma_wait3A_49 = tpu.memref_slice %arg2[%mul3A_40] : memref<8192xf32, #tpu.memory_space<hbm>> -> memref<512xf32, #tpu.memory_space<hbm>>
    tpu.wait_dma2 semaphore(%arg9 : memref<!tpu.dma_semaphore, #tpu.memory_space<semaphore_mem>>) src(%dma_wait3A_49 : memref<512xf32, #tpu.memory_space<hbm>>) dst(%dma_wait3A_48 : memref<512xf32, #tpu.memory_space<vmem>>)
    %add3A = arith.constant 0 : i32
    %add3A_50 = arith.addi %multiple_of3A, %add3A : i32
    %add3A_51 = arith.constant 1 : i32
    %add3A_52 = arith.addi %add3A_50, %add3A_51 : i32
    %mul3A_53 = arith.constant 512 : i32
    %mul3A_54 = arith.muli %add3A_52, %mul3A_53 : i32
    %dma_start3A_55 = arith.constant 1 : i32
    %dma_start3A_56 = arith.constant 0 : i32
    %dma_start3A_57 = tpu.memref_slice %arg6[%dma_start3A_55, %dma_start3A_56] : memref<2x512xi32, #tpu.memory_space<vmem>> -> memref<1x512xi32, #tpu.memory_space<vmem>>
    %dma_start3A_58 = tpu.memref_squeeze %dma_start3A_57 : memref<1x512xi32, #tpu.memory_space<vmem>> -> memref<512xi32, #tpu.memory_space<vmem>>
    %dma_start3A_59 = tpu.memref_slice %arg3[%mul3A_54] : memref<8192xi32, #tpu.memory_space<hbm>> -> memref<512xi32, #tpu.memory_space<hbm>>
    %dma_start3A_60 = arith.constant 0 : i32
    %dma_start3A_61 = tpu.memref_slice %arg6[%dma_start3A_55, %dma_start3A_60] : memref<2x512xi32, #tpu.memory_space<vmem>> -> memref<1x512xi32, #tpu.memory_space<vmem>>
    %dma_start3A_62 = tpu.memref_squeeze %dma_start3A_61 : memref<1x512xi32, #tpu.memory_space<vmem>> -> memref<512xi32, #tpu.memory_space<vmem>>
    %dma_start3A_63 = tpu.memref_slice %arg3[%mul3A_54] : memref<8192xi32, #tpu.memory_space<hbm>> -> memref<512xi32, #tpu.memory_space<hbm>>
    tpu.enqueue_dma source(%dma_start3A_63 : memref<512xi32, #tpu.memory_space<hbm>>) target(%dma_start3A_62 : memref<512xi32, #tpu.memory_space<vmem>>) target_semaphore(%arg9 : memref<!tpu.dma_semaphore, #tpu.memory_space<semaphore_mem>>)
    %dma_start3A_64 = arith.constant 1 : i32
    %dma_start3A_65 = arith.constant 0 : i32
    %dma_start3A_66 = tpu.memref_slice %arg7[%dma_start3A_64, %dma_start3A_65] : memref<2x512xf32, #tpu.memory_space<vmem>> -> memref<1x512xf32, #tpu.memory_space<vmem>>
    %dma_start3A_67 = tpu.memref_squeeze %dma_start3A_66 : memref<1x512xf32, #tpu.memory_space<vmem>> -> memref<512xf32, #tpu.memory_space<vmem>>
    %dma_start3A_68 = tpu.memref_slice %arg2[%mul3A_54] : memref<8192xf32, #tpu.memory_space<hbm>> -> memref<512xf32, #tpu.memory_space<hbm>>
    %dma_start3A_69 = arith.constant 0 : i32
    %dma_start3A_70 = tpu.memref_slice %arg7[%dma_start3A_64, %dma_start3A_69] : memref<2x512xf32, #tpu.memory_space<vmem>> -> memref<1x512xf32, #tpu.memory_space<vmem>>
    %dma_start3A_71 = tpu.memref_squeeze %dma_start3A_70 : memref<1x512xf32, #tpu.memory_space<vmem>> -> memref<512xf32, #tpu.memory_space<vmem>>
    %dma_start3A_72 = tpu.memref_slice %arg2[%mul3A_54] : memref<8192xf32, #tpu.memory_space<hbm>> -> memref<512xf32, #tpu.memory_space<hbm>>
    tpu.enqueue_dma source(%dma_start3A_72 : memref<512xf32, #tpu.memory_space<hbm>>) target(%dma_start3A_71 : memref<512xf32, #tpu.memory_space<vmem>>) target_semaphore(%arg9 : memref<!tpu.dma_semaphore, #tpu.memory_space<semaphore_mem>>)
    %broadcast_in_dim3A = arith.constant 0 : i32
    %broadcast_in_dim3A_73 = vector.broadcast %broadcast_in_dim3A : i32 to vector<16xi32>
    %scan3A_74 = arith.constant 0 : i32
    %scan3A_75 = arith.constant 0 : i32
    %scan3A_76 = arith.constant 32 : i32
    %scan3A_77 = arith.addi %scan3A_75, %scan3A_76 : i32
    %scan3A_78 = arith.constant 1 : i32
    scf.for %scan3A_441 = %scan3A_75 to %scan3A_77 step %scan3A_78  : i32 {
      %mul3A_442 = arith.constant 16 : i32
      %mul3A_443 = arith.muli %scan3A_441, %mul3A_442 : i32
      %get3A = arith.constant 0 : i32
      %get3A_444 = arith.index_cast %get3A : i32 to index
      %get3A_445 = arith.index_cast %mul3A_443 : i32 to index
      %get3A_446 = tpu.vector_load %arg6[%get3A_444, %get3A_445] {strides = array<i32>} : memref<2x512xi32, #tpu.memory_space<vmem>>, vector<16xi32>,
      %sub3A = vector.broadcast %mul3A_0 : i32 to vector<16xi32>
      %sub3A_447 = arith.subi %get3A_446, %sub3A : vector<16xi32>
      %ge3A = arith.constant 0 : i32
      %ge3A_448 = vector.broadcast %ge3A : i32 to vector<16xi32>
      %ge3A_449 = arith.cmpi sge, %sub3A_447, %ge3A_448 : vector<16xi32>
      %lt3A_450 = arith.constant 15744 : i32
      %lt3A_451 = vector.broadcast %lt3A_450 : i32 to vector<16xi32>
      %lt3A_452 = arith.cmpi slt, %sub3A_447, %lt3A_451 : vector<16xi32>
      %and3A = arith.andi %ge3A_449, %lt3A_452 : vector<16xi1>
      %jit3A = arith.constant 0 : i32
      %broadcast_in_dim3A_453 = vector.broadcast %jit3A : i32 to vector<16xi32>
      %select_n3A = arith.select %and3A, %sub3A_447, %broadcast_in_dim3A_453 : vector<16xi1>, vector<16xi32>
      %mul3A_454 = arith.constant 16 : i32
      %mul3A_455 = arith.muli %scan3A_441, %mul3A_454 : i32
      %get3A_456 = arith.constant 0 : i32
      %get3A_457 = arith.index_cast %get3A_456 : i32 to index
      %get3A_458 = arith.index_cast %mul3A_455 : i32 to index
      %get3A_459 = tpu.vector_load %arg7[%get3A_457, %get3A_458] {strides = array<i32>} : memref<2x512xf32, #tpu.memory_space<vmem>>, vector<16xf32>,
      %eq3A_460 = arith.constant 0 : i32
      %eq3A_461 = vector.broadcast %eq3A_460 : i32 to vector<16xi32>
      %eq3A_462 = arith.cmpi eq, %iota3A, %eq3A_461 : vector<16xi32>
      %and3A_463 = arith.andi %and3A, %eq3A_462 : vector<16xi1>
      tpu.vector_store_idx %arg8[%broadcast_in_dim3A_73, %select_n3A], %get3A_459 masked %and3A_463 {add = true} : memref<8x15744xf32, #tpu.memory_space<vmem>>[vector<16xi32>, vector<16xi32>], vector<16xf32>, vector<16xi1>
      %eq3A_464 = arith.constant 1 : i32
      %eq3A_465 = vector.broadcast %eq3A_464 : i32 to vector<16xi32>
      %eq3A_466 = arith.cmpi eq, %iota3A, %eq3A_465 : vector<16xi32>
      %and3A_467 = arith.andi %and3A, %eq3A_466 : vector<16xi1>
      tpu.vector_store_idx %arg8[%broadcast_in_dim3A_73, %select_n3A], %get3A_459 masked %and3A_467 {add = true} : memref<8x15744xf32, #tpu.memory_space<vmem>>[vector<16xi32>, vector<16xi32>], vector<16xf32>, vector<16xi1>
      %eq3A_468 = arith.constant 2 : i32
      %eq3A_469 = vector.broadcast %eq3A_468 : i32 to vector<16xi32>
      %eq3A_470 = arith.cmpi eq, %iota3A, %eq3A_469 : vector<16xi32>
      %and3A_471 = arith.andi %and3A, %eq3A_470 : vector<16xi1>
      tpu.vector_store_idx %arg8[%broadcast_in_dim3A_73, %select_n3A], %get3A_459 masked %and3A_471 {add = true} : memref<8x15744xf32, #tpu.memory_space<vmem>>[vector<16xi32>, vector<16xi32>], vector<16xf32>, vector<16xi1>
      %eq3A_472 = arith.constant 3 : i32
      %eq3A_473 = vector.broadcast %eq3A_472 : i32 to vector<16xi32>
      %eq3A_474 = arith.cmpi eq, %iota3A, %eq3A_473 : vector<16xi32>
      %and3A_475 = arith.andi %and3A, %eq3A_474 : vector<16xi1>
      tpu.vector_store_idx %arg8[%broadcast_in_dim3A_73, %select_n3A], %get3A_459 masked %and3A_475 {add = true} : memref<8x15744xf32, #tpu.memory_space<vmem>>[vector<16xi32>, vector<16xi32>], vector<16xf32>, vector<16xi1>
      %eq3A_476 = arith.constant 4 : i32
      %eq3A_477 = vector.broadcast %eq3A_476 : i32 to vector<16xi32>
      %eq3A_478 = arith.cmpi eq, %iota3A, %eq3A_477 : vector<16xi32>
      %and3A_479 = arith.andi %and3A, %eq3A_478 : vector<16xi1>
      tpu.vector_store_idx %arg8[%broadcast_in_dim3A_73, %select_n3A], %get3A_459 masked %and3A_479 {add = true} : memref<8x15744xf32, #tpu.memory_space<vmem>>[vector<16xi32>, vector<16xi32>], vector<16xf32>, vector<16xi1>
      %eq3A_480 = arith.constant 5 : i32
      %eq3A_481 = vector.broadcast %eq3A_480 : i32 to vector<16xi32>
      %eq3A_482 = arith.cmpi eq, %iota3A, %eq3A_481 : vector<16xi32>
      %and3A_483 = arith.andi %and3A, %eq3A_482 : vector<16xi1>
      tpu.vector_store_idx %arg8[%broadcast_in_dim3A_73, %select_n3A], %get3A_459 masked %and3A_483 {add = true} : memref<8x15744xf32, #tpu.memory_space<vmem>>[vector<16xi32>, vector<16xi32>], vector<16xf32>, vector<16xi1>
      %eq3A_484 = arith.constant 6 : i32
      %eq3A_485 = vector.broadcast %eq3A_484 : i32 to vector<16xi32>
      %eq3A_486 = arith.cmpi eq, %iota3A, %eq3A_485 : vector<16xi32>
      %and3A_487 = arith.andi %and3A, %eq3A_486 : vector<16xi1>
      tpu.vector_store_idx %arg8[%broadcast_in_dim3A_73, %select_n3A], %get3A_459 masked %and3A_487 {add = true} : memref<8x15744xf32, #tpu.memory_space<vmem>>[vector<16xi32>, vector<16xi32>], vector<16xf32>, vector<16xi1>
      %eq3A_488 = arith.constant 7 : i32
      %eq3A_489 = vector.broadcast %eq3A_488 : i32 to vector<16xi32>
      %eq3A_490 = arith.cmpi eq, %iota3A, %eq3A_489 : vector<16xi32>
      %and3A_491 = arith.andi %and3A, %eq3A_490 : vector<16xi1>
      tpu.vector_store_idx %arg8[%broadcast_in_dim3A_73, %select_n3A], %get3A_459 masked %and3A_491 {add = true} : memref<8x15744xf32, #tpu.memory_space<vmem>>[vector<16xi32>, vector<16xi32>], vector<16xf32>, vector<16xi1>
      %eq3A_492 = arith.constant 8 : i32
      %eq3A_493 = vector.broadcast %eq3A_492 : i32 to vector<16xi32>
      %eq3A_494 = arith.cmpi eq, %iota3A, %eq3A_493 : vector<16xi32>
      %and3A_495 = arith.andi %and3A, %eq3A_494 : vector<16xi1>
      tpu.vector_store_idx %arg8[%broadcast_in_dim3A_73, %select_n3A], %get3A_459 masked %and3A_495 {add = true} : memref<8x15744xf32, #tpu.memory_space<vmem>>[vector<16xi32>, vector<16xi32>], vector<16xf32>, vector<16xi1>
      %eq3A_496 = arith.constant 9 : i32
      %eq3A_497 = vector.broadcast %eq3A_496 : i32 to vector<16xi32>
      %eq3A_498 = arith.cmpi eq, %iota3A, %eq3A_497 : vector<16xi32>
      %and3A_499 = arith.andi %and3A, %eq3A_498 : vector<16xi1>
      tpu.vector_store_idx %arg8[%broadcast_in_dim3A_73, %select_n3A], %get3A_459 masked %and3A_499 {add = true} : memref<8x15744xf32, #tpu.memory_space<vmem>>[vector<16xi32>, vector<16xi32>], vector<16xf32>, vector<16xi1>
      %eq3A_500 = arith.constant 10 : i32
      %eq3A_501 = vector.broadcast %eq3A_500 : i32 to vector<16xi32>
      %eq3A_502 = arith.cmpi eq, %iota3A, %eq3A_501 : vector<16xi32>
      %and3A_503 = arith.andi %and3A, %eq3A_502 : vector<16xi1>
      tpu.vector_store_idx %arg8[%broadcast_in_dim3A_73, %select_n3A], %get3A_459 masked %and3A_503 {add = true} : memref<8x15744xf32, #tpu.memory_space<vmem>>[vector<16xi32>, vector<16xi32>], vector<16xf32>, vector<16xi1>
      %eq3A_504 = arith.constant 11 : i32
      %eq3A_505 = vector.broadcast %eq3A_504 : i32 to vector<16xi32>
      %eq3A_506 = arith.cmpi eq, %iota3A, %eq3A_505 : vector<16xi32>
      %and3A_507 = arith.andi %and3A, %eq3A_506 : vector<16xi1>
      tpu.vector_store_idx %arg8[%broadcast_in_dim3A_73, %select_n3A], %get3A_459 masked %and3A_507 {add = true} : memref<8x15744xf32, #tpu.memory_space<vmem>>[vector<16xi32>, vector<16xi32>], vector<16xf32>, vector<16xi1>
      %eq3A_508 = arith.constant 12 : i32
      %eq3A_509 = vector.broadcast %eq3A_508 : i32 to vector<16xi32>
      %eq3A_510 = arith.cmpi eq, %iota3A, %eq3A_509 : vector<16xi32>
      %and3A_511 = arith.andi %and3A, %eq3A_510 : vector<16xi1>
      tpu.vector_store_idx %arg8[%broadcast_in_dim3A_73, %select_n3A], %get3A_459 masked %and3A_511 {add = true} : memref<8x15744xf32, #tpu.memory_space<vmem>>[vector<16xi32>, vector<16xi32>], vector<16xf32>, vector<16xi1>
      %eq3A_512 = arith.constant 13 : i32
      %eq3A_513 = vector.broadcast %eq3A_512 : i32 to vector<16xi32>
      %eq3A_514 = arith.cmpi eq, %iota3A, %eq3A_513 : vector<16xi32>
      %and3A_515 = arith.andi %and3A, %eq3A_514 : vector<16xi1>
      tpu.vector_store_idx %arg8[%broadcast_in_dim3A_73, %select_n3A], %get3A_459 masked %and3A_515 {add = true} : memref<8x15744xf32, #tpu.memory_space<vmem>>[vector<16xi32>, vector<16xi32>], vector<16xf32>, vector<16xi1>
      %eq3A_516 = arith.constant 14 : i32
      %eq3A_517 = vector.broadcast %eq3A_516 : i32 to vector<16xi32>
      %eq3A_518 = arith.cmpi eq, %iota3A, %eq3A_517 : vector<16xi32>
      %and3A_519 = arith.andi %and3A, %eq3A_518 : vector<16xi1>
      tpu.vector_store_idx %arg8[%broadcast_in_dim3A_73, %select_n3A], %get3A_459 masked %and3A_519 {add = true} : memref<8x15744xf32, #tpu.memory_space<vmem>>[vector<16xi32>, vector<16xi32>], vector<16xf32>, vector<16xi1>
      %eq3A_520 = arith.constant 15 : i32
      %eq3A_521 = vector.broadcast %eq3A_520 : i32 to vector<16xi32>
      %eq3A_522 = arith.cmpi eq, %iota3A, %eq3A_521 : vector<16xi32>
      %and3A_523 = arith.andi %and3A, %eq3A_522 : vector<16xi1>
      tpu.vector_store_idx %arg8[%broadcast_in_dim3A_73, %select_n3A], %get3A_459 masked %and3A_523 {add = true} : memref<8x15744xf32, #tpu.memory_space<vmem>>[vector<16xi32>, vector<16xi32>], vector<16xf32>, vector<16xi1>
    }
    %scan3A_79 = arith.constant 32 : i32
    %mul3A_80 = arith.constant 512 : i32
    %mul3A_81 = arith.muli %multiple_of3A, %mul3A_80 : i32
    %dma_wait3A_82 = arith.constant 1 : i32
    %dma_wait3A_83 = arith.constant 0 : i32
    %dma_wait3A_84 = tpu.memref_slice %arg6[%dma_wait3A_82, %dma_wait3A_83] : memref<2x512xi32, #tpu.memory_space<vmem>> -> memref<1x512xi32, #tpu.memory_space<vmem>>
    %dma_wait3A_85 = tpu.memref_squeeze %dma_wait3A_84 : memref<1x512xi32, #tpu.memory_space<vmem>> -> memref<512xi32, #tpu.memory_space<vmem>>
    %dma_wait3A_86 = tpu.memref_slice %arg3[%mul3A_81] : memref<8192xi32, #tpu.memory_space<hbm>> -> memref<512xi32, #tpu.memory_space<hbm>>
    %dma_wait3A_87 = arith.constant 0 : i32
    %dma_wait3A_88 = tpu.memref_slice %arg6[%dma_wait3A_82, %dma_wait3A_87] : memref<2x512xi32, #tpu.memory_space<vmem>> -> memref<1x512xi32, #tpu.memory_space<vmem>>
    %dma_wait3A_89 = tpu.memref_squeeze %dma_wait3A_88 : memref<1x512xi32, #tpu.memory_space<vmem>> -> memref<512xi32, #tpu.memory_space<vmem>>
    %dma_wait3A_90 = tpu.memref_slice %arg3[%mul3A_81] : memref<8192xi32, #tpu.memory_space<hbm>> -> memref<512xi32, #tpu.memory_space<hbm>>
    tpu.wait_dma2 semaphore(%arg9 : memref<!tpu.dma_semaphore, #tpu.memory_space<semaphore_mem>>) src(%dma_wait3A_90 : memref<512xi32, #tpu.memory_space<hbm>>) dst(%dma_wait3A_89 : memref<512xi32, #tpu.memory_space<vmem>>)
    %mul3A_91 = arith.constant 512 : i32
    %mul3A_92 = arith.muli %multiple_of3A, %mul3A_91 : i32
    %dma_wait3A_93 = arith.constant 1 : i32
    %dma_wait3A_94 = arith.constant 0 : i32
    %dma_wait3A_95 = tpu.memref_slice %arg7[%dma_wait3A_93, %dma_wait3A_94] : memref<2x512xf32, #tpu.memory_space<vmem>> -> memref<1x512xf32, #tpu.memory_space<vmem>>
    %dma_wait3A_96 = tpu.memref_squeeze %dma_wait3A_95 : memref<1x512xf32, #tpu.memory_space<vmem>> -> memref<512xf32, #tpu.memory_space<vmem>>
    %dma_wait3A_97 = tpu.memref_slice %arg2[%mul3A_92] : memref<8192xf32, #tpu.memory_space<hbm>> -> memref<512xf32, #tpu.memory_space<hbm>>
    %dma_wait3A_98 = arith.constant 0 : i32
    %dma_wait3A_99 = tpu.memref_slice %arg7[%dma_wait3A_93, %dma_wait3A_98] : memref<2x512xf32, #tpu.memory_space<vmem>> -> memref<1x512xf32, #tpu.memory_space<vmem>>
    %dma_wait3A_100 = tpu.memref_squeeze %dma_wait3A_99 : memref<1x512xf32, #tpu.memory_space<vmem>> -> memref<512xf32, #tpu.memory_space<vmem>>
    %dma_wait3A_101 = tpu.memref_slice %arg2[%mul3A_92] : memref<8192xf32, #tpu.memory_space<hbm>> -> memref<512xf32, #tpu.memory_space<hbm>>
    tpu.wait_dma2 semaphore(%arg9 : memref<!tpu.dma_semaphore, #tpu.memory_space<semaphore_mem>>) src(%dma_wait3A_101 : memref<512xf32, #tpu.memory_space<hbm>>) dst(%dma_wait3A_100 : memref<512xf32, #tpu.memory_space<vmem>>)
    %add3A_102 = arith.constant 1 : i32
    %add3A_103 = arith.addi %multiple_of3A, %add3A_102 : i32
    %add3A_104 = arith.constant 1 : i32
    %add3A_105 = arith.addi %add3A_103, %add3A_104 : i32
    %mul3A_106 = arith.constant 512 : i32
    %mul3A_107 = arith.muli %add3A_105, %mul3A_106 : i32
    %dma_start3A_108 = arith.constant 0 : i32
    %dma_start3A_109 = arith.constant 0 : i32
    %dma_start3A_110 = tpu.memref_slice %arg6[%dma_start3A_108, %dma_start3A_109] : memref<2x512xi32, #tpu.memory_space<vmem>> -> memref<1x512xi32, #tpu.memory_space<vmem>>
    %dma_start3A_111 = tpu.memref_squeeze %dma_start3A_110 : memref<1x512xi32, #tpu.memory_space<vmem>> -> memref<512xi32, #tpu.memory_space<vmem>>
    %dma_start3A_112 = tpu.memref_slice %arg3[%mul3A_107] : memref<8192xi32, #tpu.memory_space<hbm>> -> memref<512xi32, #tpu.memory_space<hbm>>
    %dma_start3A_113 = arith.constant 0 : i32
    %dma_start3A_114 = tpu.memref_slice %arg6[%dma_start3A_108, %dma_start3A_113] : memref<2x512xi32, #tpu.memory_space<vmem>> -> memref<1x512xi32, #tpu.memory_space<vmem>>
    %dma_start3A_115 = tpu.memref_squeeze %dma_start3A_114 : memref<1x512xi32, #tpu.memory_space<vmem>> -> memref<512xi32, #tpu.memory_space<vmem>>
    %dma_start3A_116 = tpu.memref_slice %arg3[%mul3A_107] : memref<8192xi32, #tpu.memory_space<hbm>> -> memref<512xi32, #tpu.memory_space<hbm>>
    tpu.enqueue_dma source(%dma_start3A_116 : memref<512xi32, #tpu.memory_space<hbm>>) target(%dma_start3A_115 : memref<512xi32, #tpu.memory_space<vmem>>) target_semaphore(%arg9 : memref<!tpu.dma_semaphore, #tpu.memory_space<semaphore_mem>>)
    %dma_start3A_117 = arith.constant 0 : i32
    %dma_start3A_118 = arith.constant 0 : i32
    %dma_start3A_119 = tpu.memref_slice %arg7[%dma_start3A_117, %dma_start3A_118] : memref<2x512xf32, #tpu.memory_space<vmem>> -> memref<1x512xf32, #tpu.memory_space<vmem>>
    %dma_start3A_120 = tpu.memref_squeeze %dma_start3A_119 : memref<1x512xf32, #tpu.memory_space<vmem>> -> memref<512xf32, #tpu.memory_space<vmem>>
    %dma_start3A_121 = tpu.memref_slice %arg2[%mul3A_107] : memref<8192xf32, #tpu.memory_space<hbm>> -> memref<512xf32, #tpu.memory_space<hbm>>
    %dma_start3A_122 = arith.constant 0 : i32
    %dma_start3A_123 = tpu.memref_slice %arg7[%dma_start3A_117, %dma_start3A_122] : memref<2x512xf32, #tpu.memory_space<vmem>> -> memref<1x512xf32, #tpu.memory_space<vmem>>
    %dma_start3A_124 = tpu.memref_squeeze %dma_start3A_123 : memref<1x512xf32, #tpu.memory_space<vmem>> -> memref<512xf32, #tpu.memory_space<vmem>>
    %dma_start3A_125 = tpu.memref_slice %arg2[%mul3A_107] : memref<8192xf32, #tpu.memory_space<hbm>> -> memref<512xf32, #tpu.memory_space<hbm>>
    tpu.enqueue_dma source(%dma_start3A_125 : memref<512xf32, #tpu.memory_space<hbm>>) target(%dma_start3A_124 : memref<512xf32, #tpu.memory_space<vmem>>) target_semaphore(%arg9 : memref<!tpu.dma_semaphore, #tpu.memory_space<semaphore_mem>>)
    %broadcast_in_dim3A_126 = arith.constant 1 : i32
    %broadcast_in_dim3A_127 = vector.broadcast %broadcast_in_dim3A_126 : i32 to vector<16xi32>
    %scan3A_128 = arith.constant 0 : i32
    %scan3A_129 = arith.constant 0 : i32
    %scan3A_130 = arith.constant 32 : i32
    %scan3A_131 = arith.addi %scan3A_129, %scan3A_130 : i32
    %scan3A_132 = arith.constant 1 : i32
    scf.for %scan3A_441 = %scan3A_129 to %scan3A_131 step %scan3A_132  : i32 {
      %mul3A_442 = arith.constant 16 : i32
      %mul3A_443 = arith.muli %scan3A_441, %mul3A_442 : i32
      %get3A = arith.constant 1 : i32
      %get3A_444 = arith.index_cast %get3A : i32 to index
      %get3A_445 = arith.index_cast %mul3A_443 : i32 to index
      %get3A_446 = tpu.vector_load %arg6[%get3A_444, %get3A_445] {strides = array<i32>} : memref<2x512xi32, #tpu.memory_space<vmem>>, vector<16xi32>,
      %sub3A = vector.broadcast %mul3A_0 : i32 to vector<16xi32>
      %sub3A_447 = arith.subi %get3A_446, %sub3A : vector<16xi32>
      %ge3A = arith.constant 0 : i32
      %ge3A_448 = vector.broadcast %ge3A : i32 to vector<16xi32>
      %ge3A_449 = arith.cmpi sge, %sub3A_447, %ge3A_448 : vector<16xi32>
      %lt3A_450 = arith.constant 15744 : i32
      %lt3A_451 = vector.broadcast %lt3A_450 : i32 to vector<16xi32>
      %lt3A_452 = arith.cmpi slt, %sub3A_447, %lt3A_451 : vector<16xi32>
      %and3A = arith.andi %ge3A_449, %lt3A_452 : vector<16xi1>
      %jit3A = arith.constant 0 : i32
      %broadcast_in_dim3A_453 = vector.broadcast %jit3A : i32 to vector<16xi32>
      %select_n3A = arith.select %and3A, %sub3A_447, %broadcast_in_dim3A_453 : vector<16xi1>, vector<16xi32>
      %mul3A_454 = arith.constant 16 : i32
      %mul3A_455 = arith.muli %scan3A_441, %mul3A_454 : i32
      %get3A_456 = arith.constant 1 : i32
      %get3A_457 = arith.index_cast %get3A_456 : i32 to index
      %get3A_458 = arith.index_cast %mul3A_455 : i32 to index
      %get3A_459 = tpu.vector_load %arg7[%get3A_457, %get3A_458] {strides = array<i32>} : memref<2x512xf32, #tpu.memory_space<vmem>>, vector<16xf32>,
      %eq3A_460 = arith.constant 0 : i32
      %eq3A_461 = vector.broadcast %eq3A_460 : i32 to vector<16xi32>
      %eq3A_462 = arith.cmpi eq, %iota3A, %eq3A_461 : vector<16xi32>
      %and3A_463 = arith.andi %and3A, %eq3A_462 : vector<16xi1>
      tpu.vector_store_idx %arg8[%broadcast_in_dim3A_127, %select_n3A], %get3A_459 masked %and3A_463 {add = true} : memref<8x15744xf32, #tpu.memory_space<vmem>>[vector<16xi32>, vector<16xi32>], vector<16xf32>, vector<16xi1>
      %eq3A_464 = arith.constant 1 : i32
      %eq3A_465 = vector.broadcast %eq3A_464 : i32 to vector<16xi32>
      %eq3A_466 = arith.cmpi eq, %iota3A, %eq3A_465 : vector<16xi32>
      %and3A_467 = arith.andi %and3A, %eq3A_466 : vector<16xi1>
      tpu.vector_store_idx %arg8[%broadcast_in_dim3A_127, %select_n3A], %get3A_459 masked %and3A_467 {add = true} : memref<8x15744xf32, #tpu.memory_space<vmem>>[vector<16xi32>, vector<16xi32>], vector<16xf32>, vector<16xi1>
      %eq3A_468 = arith.constant 2 : i32
      %eq3A_469 = vector.broadcast %eq3A_468 : i32 to vector<16xi32>
      %eq3A_470 = arith.cmpi eq, %iota3A, %eq3A_469 : vector<16xi32>
      %and3A_471 = arith.andi %and3A, %eq3A_470 : vector<16xi1>
      tpu.vector_store_idx %arg8[%broadcast_in_dim3A_127, %select_n3A], %get3A_459 masked %and3A_471 {add = true} : memref<8x15744xf32, #tpu.memory_space<vmem>>[vector<16xi32>, vector<16xi32>], vector<16xf32>, vector<16xi1>
      %eq3A_472 = arith.constant 3 : i32
      %eq3A_473 = vector.broadcast %eq3A_472 : i32 to vector<16xi32>
      %eq3A_474 = arith.cmpi eq, %iota3A, %eq3A_473 : vector<16xi32>
      %and3A_475 = arith.andi %and3A, %eq3A_474 : vector<16xi1>
      tpu.vector_store_idx %arg8[%broadcast_in_dim3A_127, %select_n3A], %get3A_459 masked %and3A_475 {add = true} : memref<8x15744xf32, #tpu.memory_space<vmem>>[vector<16xi32>, vector<16xi32>], vector<16xf32>, vector<16xi1>
      %eq3A_476 = arith.constant 4 : i32
      %eq3A_477 = vector.broadcast %eq3A_476 : i32 to vector<16xi32>
      %eq3A_478 = arith.cmpi eq, %iota3A, %eq3A_477 : vector<16xi32>
      %and3A_479 = arith.andi %and3A, %eq3A_478 : vector<16xi1>
      tpu.vector_store_idx %arg8[%broadcast_in_dim3A_127, %select_n3A], %get3A_459 masked %and3A_479 {add = true} : memref<8x15744xf32, #tpu.memory_space<vmem>>[vector<16xi32>, vector<16xi32>], vector<16xf32>, vector<16xi1>
      %eq3A_480 = arith.constant 5 : i32
      %eq3A_481 = vector.broadcast %eq3A_480 : i32 to vector<16xi32>
      %eq3A_482 = arith.cmpi eq, %iota3A, %eq3A_481 : vector<16xi32>
      %and3A_483 = arith.andi %and3A, %eq3A_482 : vector<16xi1>
      tpu.vector_store_idx %arg8[%broadcast_in_dim3A_127, %select_n3A], %get3A_459 masked %and3A_483 {add = true} : memref<8x15744xf32, #tpu.memory_space<vmem>>[vector<16xi32>, vector<16xi32>], vector<16xf32>, vector<16xi1>
      %eq3A_484 = arith.constant 6 : i32
      %eq3A_485 = vector.broadcast %eq3A_484 : i32 to vector<16xi32>
      %eq3A_486 = arith.cmpi eq, %iota3A, %eq3A_485 : vector<16xi32>
      %and3A_487 = arith.andi %and3A, %eq3A_486 : vector<16xi1>
      tpu.vector_store_idx %arg8[%broadcast_in_dim3A_127, %select_n3A], %get3A_459 masked %and3A_487 {add = true} : memref<8x15744xf32, #tpu.memory_space<vmem>>[vector<16xi32>, vector<16xi32>], vector<16xf32>, vector<16xi1>
      %eq3A_488 = arith.constant 7 : i32
      %eq3A_489 = vector.broadcast %eq3A_488 : i32 to vector<16xi32>
      %eq3A_490 = arith.cmpi eq, %iota3A, %eq3A_489 : vector<16xi32>
      %and3A_491 = arith.andi %and3A, %eq3A_490 : vector<16xi1>
      tpu.vector_store_idx %arg8[%broadcast_in_dim3A_127, %select_n3A], %get3A_459 masked %and3A_491 {add = true} : memref<8x15744xf32, #tpu.memory_space<vmem>>[vector<16xi32>, vector<16xi32>], vector<16xf32>, vector<16xi1>
      %eq3A_492 = arith.constant 8 : i32
      %eq3A_493 = vector.broadcast %eq3A_492 : i32 to vector<16xi32>
      %eq3A_494 = arith.cmpi eq, %iota3A, %eq3A_493 : vector<16xi32>
      %and3A_495 = arith.andi %and3A, %eq3A_494 : vector<16xi1>
      tpu.vector_store_idx %arg8[%broadcast_in_dim3A_127, %select_n3A], %get3A_459 masked %and3A_495 {add = true} : memref<8x15744xf32, #tpu.memory_space<vmem>>[vector<16xi32>, vector<16xi32>], vector<16xf32>, vector<16xi1>
      %eq3A_496 = arith.constant 9 : i32
      %eq3A_497 = vector.broadcast %eq3A_496 : i32 to vector<16xi32>
      %eq3A_498 = arith.cmpi eq, %iota3A, %eq3A_497 : vector<16xi32>
      %and3A_499 = arith.andi %and3A, %eq3A_498 : vector<16xi1>
      tpu.vector_store_idx %arg8[%broadcast_in_dim3A_127, %select_n3A], %get3A_459 masked %and3A_499 {add = true} : memref<8x15744xf32, #tpu.memory_space<vmem>>[vector<16xi32>, vector<16xi32>], vector<16xf32>, vector<16xi1>
      %eq3A_500 = arith.constant 10 : i32
      %eq3A_501 = vector.broadcast %eq3A_500 : i32 to vector<16xi32>
      %eq3A_502 = arith.cmpi eq, %iota3A, %eq3A_501 : vector<16xi32>
      %and3A_503 = arith.andi %and3A, %eq3A_502 : vector<16xi1>
      tpu.vector_store_idx %arg8[%broadcast_in_dim3A_127, %select_n3A], %get3A_459 masked %and3A_503 {add = true} : memref<8x15744xf32, #tpu.memory_space<vmem>>[vector<16xi32>, vector<16xi32>], vector<16xf32>, vector<16xi1>
      %eq3A_504 = arith.constant 11 : i32
      %eq3A_505 = vector.broadcast %eq3A_504 : i32 to vector<16xi32>
      %eq3A_506 = arith.cmpi eq, %iota3A, %eq3A_505 : vector<16xi32>
      %and3A_507 = arith.andi %and3A, %eq3A_506 : vector<16xi1>
      tpu.vector_store_idx %arg8[%broadcast_in_dim3A_127, %select_n3A], %get3A_459 masked %and3A_507 {add = true} : memref<8x15744xf32, #tpu.memory_space<vmem>>[vector<16xi32>, vector<16xi32>], vector<16xf32>, vector<16xi1>
      %eq3A_508 = arith.constant 12 : i32
      %eq3A_509 = vector.broadcast %eq3A_508 : i32 to vector<16xi32>
      %eq3A_510 = arith.cmpi eq, %iota3A, %eq3A_509 : vector<16xi32>
      %and3A_511 = arith.andi %and3A, %eq3A_510 : vector<16xi1>
      tpu.vector_store_idx %arg8[%broadcast_in_dim3A_127, %select_n3A], %get3A_459 masked %and3A_511 {add = true} : memref<8x15744xf32, #tpu.memory_space<vmem>>[vector<16xi32>, vector<16xi32>], vector<16xf32>, vector<16xi1>
      %eq3A_512 = arith.constant 13 : i32
      %eq3A_513 = vector.broadcast %eq3A_512 : i32 to vector<16xi32>
      %eq3A_514 = arith.cmpi eq, %iota3A, %eq3A_513 : vector<16xi32>
      %and3A_515 = arith.andi %and3A, %eq3A_514 : vector<16xi1>
      tpu.vector_store_idx %arg8[%broadcast_in_dim3A_127, %select_n3A], %get3A_459 masked %and3A_515 {add = true} : memref<8x15744xf32, #tpu.memory_space<vmem>>[vector<16xi32>, vector<16xi32>], vector<16xf32>, vector<16xi1>
      %eq3A_516 = arith.constant 14 : i32
      %eq3A_517 = vector.broadcast %eq3A_516 : i32 to vector<16xi32>
      %eq3A_518 = arith.cmpi eq, %iota3A, %eq3A_517 : vector<16xi32>
      %and3A_519 = arith.andi %and3A, %eq3A_518 : vector<16xi1>
      tpu.vector_store_idx %arg8[%broadcast_in_dim3A_127, %select_n3A], %get3A_459 masked %and3A_519 {add = true} : memref<8x15744xf32, #tpu.memory_space<vmem>>[vector<16xi32>, vector<16xi32>], vector<16xf32>, vector<16xi1>
      %eq3A_520 = arith.constant 15 : i32
      %eq3A_521 = vector.broadcast %eq3A_520 : i32 to vector<16xi32>
      %eq3A_522 = arith.cmpi eq, %iota3A, %eq3A_521 : vector<16xi32>
      %and3A_523 = arith.andi %and3A, %eq3A_522 : vector<16xi1>
      tpu.vector_store_idx %arg8[%broadcast_in_dim3A_127, %select_n3A], %get3A_459 masked %and3A_523 {add = true} : memref<8x15744xf32, #tpu.memory_space<vmem>>[vector<16xi32>, vector<16xi32>], vector<16xf32>, vector<16xi1>
    }
    %scan3A_133 = arith.constant 32 : i32
    %mul3A_134 = arith.constant 512 : i32
    %mul3A_135 = arith.muli %multiple_of3A, %mul3A_134 : i32
    %dma_wait3A_136 = arith.constant 0 : i32
    %dma_wait3A_137 = arith.constant 0 : i32
    %dma_wait3A_138 = tpu.memref_slice %arg6[%dma_wait3A_136, %dma_wait3A_137] : memref<2x512xi32, #tpu.memory_space<vmem>> -> memref<1x512xi32, #tpu.memory_space<vmem>>
    %dma_wait3A_139 = tpu.memref_squeeze %dma_wait3A_138 : memref<1x512xi32, #tpu.memory_space<vmem>> -> memref<512xi32, #tpu.memory_space<vmem>>
    %dma_wait3A_140 = tpu.memref_slice %arg3[%mul3A_135] : memref<8192xi32, #tpu.memory_space<hbm>> -> memref<512xi32, #tpu.memory_space<hbm>>
    %dma_wait3A_141 = arith.constant 0 : i32
    %dma_wait3A_142 = tpu.memref_slice %arg6[%dma_wait3A_136, %dma_wait3A_141] : memref<2x512xi32, #tpu.memory_space<vmem>> -> memref<1x512xi32, #tpu.memory_space<vmem>>
    %dma_wait3A_143 = tpu.memref_squeeze %dma_wait3A_142 : memref<1x512xi32, #tpu.memory_space<vmem>> -> memref<512xi32, #tpu.memory_space<vmem>>
    %dma_wait3A_144 = tpu.memref_slice %arg3[%mul3A_135] : memref<8192xi32, #tpu.memory_space<hbm>> -> memref<512xi32, #tpu.memory_space<hbm>>
    tpu.wait_dma2 semaphore(%arg9 : memref<!tpu.dma_semaphore, #tpu.memory_space<semaphore_mem>>) src(%dma_wait3A_144 : memref<512xi32, #tpu.memory_space<hbm>>) dst(%dma_wait3A_143 : memref<512xi32, #tpu.memory_space<vmem>>)
    %mul3A_145 = arith.constant 512 : i32
    %mul3A_146 = arith.muli %multiple_of3A, %mul3A_145 : i32
    %dma_wait3A_147 = arith.constant 0 : i32
    %dma_wait3A_148 = arith.constant 0 : i32
    %dma_wait3A_149 = tpu.memref_slice %arg7[%dma_wait3A_147, %dma_wait3A_148] : memref<2x512xf32, #tpu.memory_space<vmem>> -> memref<1x512xf32, #tpu.memory_space<vmem>>
    %dma_wait3A_150 = tpu.memref_squeeze %dma_wait3A_149 : memref<1x512xf32, #tpu.memory_space<vmem>> -> memref<512xf32, #tpu.memory_space<vmem>>
    %dma_wait3A_151 = tpu.memref_slice %arg2[%mul3A_146] : memref<8192xf32, #tpu.memory_space<hbm>> -> memref<512xf32, #tpu.memory_space<hbm>>
    %dma_wait3A_152 = arith.constant 0 : i32
    %dma_wait3A_153 = tpu.memref_slice %arg7[%dma_wait3A_147, %dma_wait3A_152] : memref<2x512xf32, #tpu.memory_space<vmem>> -> memref<1x512xf32, #tpu.memory_space<vmem>>
    %dma_wait3A_154 = tpu.memref_squeeze %dma_wait3A_153 : memref<1x512xf32, #tpu.memory_space<vmem>> -> memref<512xf32, #tpu.memory_space<vmem>>
    %dma_wait3A_155 = tpu.memref_slice %arg2[%mul3A_146] : memref<8192xf32, #tpu.memory_space<hbm>> -> memref<512xf32, #tpu.memory_space<hbm>>
    tpu.wait_dma2 semaphore(%arg9 : memref<!tpu.dma_semaphore, #tpu.memory_space<semaphore_mem>>) src(%dma_wait3A_155 : memref<512xf32, #tpu.memory_space<hbm>>) dst(%dma_wait3A_154 : memref<512xf32, #tpu.memory_space<vmem>>)
    %add3A_156 = arith.constant 2 : i32
    %add3A_157 = arith.addi %multiple_of3A, %add3A_156 : i32
    %add3A_158 = arith.constant 1 : i32
    %add3A_159 = arith.addi %add3A_157, %add3A_158 : i32
    %mul3A_160 = arith.constant 512 : i32
    %mul3A_161 = arith.muli %add3A_159, %mul3A_160 : i32
    %dma_start3A_162 = arith.constant 1 : i32
    %dma_start3A_163 = arith.constant 0 : i32
    %dma_start3A_164 = tpu.memref_slice %arg6[%dma_start3A_162, %dma_start3A_163] : memref<2x512xi32, #tpu.memory_space<vmem>> -> memref<1x512xi32, #tpu.memory_space<vmem>>
    %dma_start3A_165 = tpu.memref_squeeze %dma_start3A_164 : memref<1x512xi32, #tpu.memory_space<vmem>> -> memref<512xi32, #tpu.memory_space<vmem>>
    %dma_start3A_166 = tpu.memref_slice %arg3[%mul3A_161] : memref<8192xi32, #tpu.memory_space<hbm>> -> memref<512xi32, #tpu.memory_space<hbm>>
    %dma_start3A_167 = arith.constant 0 : i32
    %dma_start3A_168 = tpu.memref_slice %arg6[%dma_start3A_162, %dma_start3A_167] : memref<2x512xi32, #tpu.memory_space<vmem>> -> memref<1x512xi32, #tpu.memory_space<vmem>>
    %dma_start3A_169 = tpu.memref_squeeze %dma_start3A_168 : memref<1x512xi32, #tpu.memory_space<vmem>> -> memref<512xi32, #tpu.memory_space<vmem>>
    %dma_start3A_170 = tpu.memref_slice %arg3[%mul3A_161] : memref<8192xi32, #tpu.memory_space<hbm>> -> memref<512xi32, #tpu.memory_space<hbm>>
    tpu.enqueue_dma source(%dma_start3A_170 : memref<512xi32, #tpu.memory_space<hbm>>) target(%dma_start3A_169 : memref<512xi32, #tpu.memory_space<vmem>>) target_semaphore(%arg9 : memref<!tpu.dma_semaphore, #tpu.memory_space<semaphore_mem>>)
    %dma_start3A_171 = arith.constant 1 : i32
    %dma_start3A_172 = arith.constant 0 : i32
    %dma_start3A_173 = tpu.memref_slice %arg7[%dma_start3A_171, %dma_start3A_172] : memref<2x512xf32, #tpu.memory_space<vmem>> -> memref<1x512xf32, #tpu.memory_space<vmem>>
    %dma_start3A_174 = tpu.memref_squeeze %dma_start3A_173 : memref<1x512xf32, #tpu.memory_space<vmem>> -> memref<512xf32, #tpu.memory_space<vmem>>
    %dma_start3A_175 = tpu.memref_slice %arg2[%mul3A_161] : memref<8192xf32, #tpu.memory_space<hbm>> -> memref<512xf32, #tpu.memory_space<hbm>>
    %dma_start3A_176 = arith.constant 0 : i32
    %dma_start3A_177 = tpu.memref_slice %arg7[%dma_start3A_171, %dma_start3A_176] : memref<2x512xf32, #tpu.memory_space<vmem>> -> memref<1x512xf32, #tpu.memory_space<vmem>>
    %dma_start3A_178 = tpu.memref_squeeze %dma_start3A_177 : memref<1x512xf32, #tpu.memory_space<vmem>> -> memref<512xf32, #tpu.memory_space<vmem>>
    %dma_start3A_179 = tpu.memref_slice %arg2[%mul3A_161] : memref<8192xf32, #tpu.memory_space<hbm>> -> memref<512xf32, #tpu.memory_space<hbm>>
    tpu.enqueue_dma source(%dma_start3A_179 : memref<512xf32, #tpu.memory_space<hbm>>) target(%dma_start3A_178 : memref<512xf32, #tpu.memory_space<vmem>>) target_semaphore(%arg9 : memref<!tpu.dma_semaphore, #tpu.memory_space<semaphore_mem>>)
    %broadcast_in_dim3A_180 = arith.constant 2 : i32
    %broadcast_in_dim3A_181 = vector.broadcast %broadcast_in_dim3A_180 : i32 to vector<16xi32>
    %scan3A_182 = arith.constant 0 : i32
    %scan3A_183 = arith.constant 0 : i32
    %scan3A_184 = arith.constant 32 : i32
    %scan3A_185 = arith.addi %scan3A_183, %scan3A_184 : i32
    %scan3A_186 = arith.constant 1 : i32
    scf.for %scan3A_441 = %scan3A_183 to %scan3A_185 step %scan3A_186  : i32 {
      %mul3A_442 = arith.constant 16 : i32
      %mul3A_443 = arith.muli %scan3A_441, %mul3A_442 : i32
      %get3A = arith.constant 0 : i32
      %get3A_444 = arith.index_cast %get3A : i32 to index
      %get3A_445 = arith.index_cast %mul3A_443 : i32 to index
      %get3A_446 = tpu.vector_load %arg6[%get3A_444, %get3A_445] {strides = array<i32>} : memref<2x512xi32, #tpu.memory_space<vmem>>, vector<16xi32>,
      %sub3A = vector.broadcast %mul3A_0 : i32 to vector<16xi32>
      %sub3A_447 = arith.subi %get3A_446, %sub3A : vector<16xi32>
      %ge3A = arith.constant 0 : i32
      %ge3A_448 = vector.broadcast %ge3A : i32 to vector<16xi32>
      %ge3A_449 = arith.cmpi sge, %sub3A_447, %ge3A_448 : vector<16xi32>
      %lt3A_450 = arith.constant 15744 : i32
      %lt3A_451 = vector.broadcast %lt3A_450 : i32 to vector<16xi32>
      %lt3A_452 = arith.cmpi slt, %sub3A_447, %lt3A_451 : vector<16xi32>
      %and3A = arith.andi %ge3A_449, %lt3A_452 : vector<16xi1>
      %jit3A = arith.constant 0 : i32
      %broadcast_in_dim3A_453 = vector.broadcast %jit3A : i32 to vector<16xi32>
      %select_n3A = arith.select %and3A, %sub3A_447, %broadcast_in_dim3A_453 : vector<16xi1>, vector<16xi32>
      %mul3A_454 = arith.constant 16 : i32
      %mul3A_455 = arith.muli %scan3A_441, %mul3A_454 : i32
      %get3A_456 = arith.constant 0 : i32
      %get3A_457 = arith.index_cast %get3A_456 : i32 to index
      %get3A_458 = arith.index_cast %mul3A_455 : i32 to index
      %get3A_459 = tpu.vector_load %arg7[%get3A_457, %get3A_458] {strides = array<i32>} : memref<2x512xf32, #tpu.memory_space<vmem>>, vector<16xf32>,
      %eq3A_460 = arith.constant 0 : i32
      %eq3A_461 = vector.broadcast %eq3A_460 : i32 to vector<16xi32>
      %eq3A_462 = arith.cmpi eq, %iota3A, %eq3A_461 : vector<16xi32>
      %and3A_463 = arith.andi %and3A, %eq3A_462 : vector<16xi1>
      tpu.vector_store_idx %arg8[%broadcast_in_dim3A_181, %select_n3A], %get3A_459 masked %and3A_463 {add = true} : memref<8x15744xf32, #tpu.memory_space<vmem>>[vector<16xi32>, vector<16xi32>], vector<16xf32>, vector<16xi1>
      %eq3A_464 = arith.constant 1 : i32
      %eq3A_465 = vector.broadcast %eq3A_464 : i32 to vector<16xi32>
      %eq3A_466 = arith.cmpi eq, %iota3A, %eq3A_465 : vector<16xi32>
      %and3A_467 = arith.andi %and3A, %eq3A_466 : vector<16xi1>
      tpu.vector_store_idx %arg8[%broadcast_in_dim3A_181, %select_n3A], %get3A_459 masked %and3A_467 {add = true} : memref<8x15744xf32, #tpu.memory_space<vmem>>[vector<16xi32>, vector<16xi32>], vector<16xf32>, vector<16xi1>
      %eq3A_468 = arith.constant 2 : i32
      %eq3A_469 = vector.broadcast %eq3A_468 : i32 to vector<16xi32>
      %eq3A_470 = arith.cmpi eq, %iota3A, %eq3A_469 : vector<16xi32>
      %and3A_471 = arith.andi %and3A, %eq3A_470 : vector<16xi1>
      tpu.vector_store_idx %arg8[%broadcast_in_dim3A_181, %select_n3A], %get3A_459 masked %and3A_471 {add = true} : memref<8x15744xf32, #tpu.memory_space<vmem>>[vector<16xi32>, vector<16xi32>], vector<16xf32>, vector<16xi1>
      %eq3A_472 = arith.constant 3 : i32
      %eq3A_473 = vector.broadcast %eq3A_472 : i32 to vector<16xi32>
      %eq3A_474 = arith.cmpi eq, %iota3A, %eq3A_473 : vector<16xi32>
      %and3A_475 = arith.andi %and3A, %eq3A_474 : vector<16xi1>
      tpu.vector_store_idx %arg8[%broadcast_in_dim3A_181, %select_n3A], %get3A_459 masked %and3A_475 {add = true} : memref<8x15744xf32, #tpu.memory_space<vmem>>[vector<16xi32>, vector<16xi32>], vector<16xf32>, vector<16xi1>
      %eq3A_476 = arith.constant 4 : i32
      %eq3A_477 = vector.broadcast %eq3A_476 : i32 to vector<16xi32>
      %eq3A_478 = arith.cmpi eq, %iota3A, %eq3A_477 : vector<16xi32>
      %and3A_479 = arith.andi %and3A, %eq3A_478 : vector<16xi1>
      tpu.vector_store_idx %arg8[%broadcast_in_dim3A_181, %select_n3A], %get3A_459 masked %and3A_479 {add = true} : memref<8x15744xf32, #tpu.memory_space<vmem>>[vector<16xi32>, vector<16xi32>], vector<16xf32>, vector<16xi1>
      %eq3A_480 = arith.constant 5 : i32
      %eq3A_481 = vector.broadcast %eq3A_480 : i32 to vector<16xi32>
      %eq3A_482 = arith.cmpi eq, %iota3A, %eq3A_481 : vector<16xi32>
      %and3A_483 = arith.andi %and3A, %eq3A_482 : vector<16xi1>
      tpu.vector_store_idx %arg8[%broadcast_in_dim3A_181, %select_n3A], %get3A_459 masked %and3A_483 {add = true} : memref<8x15744xf32, #tpu.memory_space<vmem>>[vector<16xi32>, vector<16xi32>], vector<16xf32>, vector<16xi1>
      %eq3A_484 = arith.constant 6 : i32
      %eq3A_485 = vector.broadcast %eq3A_484 : i32 to vector<16xi32>
      %eq3A_486 = arith.cmpi eq, %iota3A, %eq3A_485 : vector<16xi32>
      %and3A_487 = arith.andi %and3A, %eq3A_486 : vector<16xi1>
      tpu.vector_store_idx %arg8[%broadcast_in_dim3A_181, %select_n3A], %get3A_459 masked %and3A_487 {add = true} : memref<8x15744xf32, #tpu.memory_space<vmem>>[vector<16xi32>, vector<16xi32>], vector<16xf32>, vector<16xi1>
      %eq3A_488 = arith.constant 7 : i32
      %eq3A_489 = vector.broadcast %eq3A_488 : i32 to vector<16xi32>
      %eq3A_490 = arith.cmpi eq, %iota3A, %eq3A_489 : vector<16xi32>
      %and3A_491 = arith.andi %and3A, %eq3A_490 : vector<16xi1>
      tpu.vector_store_idx %arg8[%broadcast_in_dim3A_181, %select_n3A], %get3A_459 masked %and3A_491 {add = true} : memref<8x15744xf32, #tpu.memory_space<vmem>>[vector<16xi32>, vector<16xi32>], vector<16xf32>, vector<16xi1>
      %eq3A_492 = arith.constant 8 : i32
      %eq3A_493 = vector.broadcast %eq3A_492 : i32 to vector<16xi32>
      %eq3A_494 = arith.cmpi eq, %iota3A, %eq3A_493 : vector<16xi32>
      %and3A_495 = arith.andi %and3A, %eq3A_494 : vector<16xi1>
      tpu.vector_store_idx %arg8[%broadcast_in_dim3A_181, %select_n3A], %get3A_459 masked %and3A_495 {add = true} : memref<8x15744xf32, #tpu.memory_space<vmem>>[vector<16xi32>, vector<16xi32>], vector<16xf32>, vector<16xi1>
      %eq3A_496 = arith.constant 9 : i32
      %eq3A_497 = vector.broadcast %eq3A_496 : i32 to vector<16xi32>
      %eq3A_498 = arith.cmpi eq, %iota3A, %eq3A_497 : vector<16xi32>
      %and3A_499 = arith.andi %and3A, %eq3A_498 : vector<16xi1>
      tpu.vector_store_idx %arg8[%broadcast_in_dim3A_181, %select_n3A], %get3A_459 masked %and3A_499 {add = true} : memref<8x15744xf32, #tpu.memory_space<vmem>>[vector<16xi32>, vector<16xi32>], vector<16xf32>, vector<16xi1>
      %eq3A_500 = arith.constant 10 : i32
      %eq3A_501 = vector.broadcast %eq3A_500 : i32 to vector<16xi32>
      %eq3A_502 = arith.cmpi eq, %iota3A, %eq3A_501 : vector<16xi32>
      %and3A_503 = arith.andi %and3A, %eq3A_502 : vector<16xi1>
      tpu.vector_store_idx %arg8[%broadcast_in_dim3A_181, %select_n3A], %get3A_459 masked %and3A_503 {add = true} : memref<8x15744xf32, #tpu.memory_space<vmem>>[vector<16xi32>, vector<16xi32>], vector<16xf32>, vector<16xi1>
      %eq3A_504 = arith.constant 11 : i32
      %eq3A_505 = vector.broadcast %eq3A_504 : i32 to vector<16xi32>
      %eq3A_506 = arith.cmpi eq, %iota3A, %eq3A_505 : vector<16xi32>
      %and3A_507 = arith.andi %and3A, %eq3A_506 : vector<16xi1>
      tpu.vector_store_idx %arg8[%broadcast_in_dim3A_181, %select_n3A], %get3A_459 masked %and3A_507 {add = true} : memref<8x15744xf32, #tpu.memory_space<vmem>>[vector<16xi32>, vector<16xi32>], vector<16xf32>, vector<16xi1>
      %eq3A_508 = arith.constant 12 : i32
      %eq3A_509 = vector.broadcast %eq3A_508 : i32 to vector<16xi32>
      %eq3A_510 = arith.cmpi eq, %iota3A, %eq3A_509 : vector<16xi32>
      %and3A_511 = arith.andi %and3A, %eq3A_510 : vector<16xi1>
      tpu.vector_store_idx %arg8[%broadcast_in_dim3A_181, %select_n3A], %get3A_459 masked %and3A_511 {add = true} : memref<8x15744xf32, #tpu.memory_space<vmem>>[vector<16xi32>, vector<16xi32>], vector<16xf32>, vector<16xi1>
      %eq3A_512 = arith.constant 13 : i32
      %eq3A_513 = vector.broadcast %eq3A_512 : i32 to vector<16xi32>
      %eq3A_514 = arith.cmpi eq, %iota3A, %eq3A_513 : vector<16xi32>
      %and3A_515 = arith.andi %and3A, %eq3A_514 : vector<16xi1>
      tpu.vector_store_idx %arg8[%broadcast_in_dim3A_181, %select_n3A], %get3A_459 masked %and3A_515 {add = true} : memref<8x15744xf32, #tpu.memory_space<vmem>>[vector<16xi32>, vector<16xi32>], vector<16xf32>, vector<16xi1>
      %eq3A_516 = arith.constant 14 : i32
      %eq3A_517 = vector.broadcast %eq3A_516 : i32 to vector<16xi32>
      %eq3A_518 = arith.cmpi eq, %iota3A, %eq3A_517 : vector<16xi32>
      %and3A_519 = arith.andi %and3A, %eq3A_518 : vector<16xi1>
      tpu.vector_store_idx %arg8[%broadcast_in_dim3A_181, %select_n3A], %get3A_459 masked %and3A_519 {add = true} : memref<8x15744xf32, #tpu.memory_space<vmem>>[vector<16xi32>, vector<16xi32>], vector<16xf32>, vector<16xi1>
      %eq3A_520 = arith.constant 15 : i32
      %eq3A_521 = vector.broadcast %eq3A_520 : i32 to vector<16xi32>
      %eq3A_522 = arith.cmpi eq, %iota3A, %eq3A_521 : vector<16xi32>
      %and3A_523 = arith.andi %and3A, %eq3A_522 : vector<16xi1>
      tpu.vector_store_idx %arg8[%broadcast_in_dim3A_181, %select_n3A], %get3A_459 masked %and3A_523 {add = true} : memref<8x15744xf32, #tpu.memory_space<vmem>>[vector<16xi32>, vector<16xi32>], vector<16xf32>, vector<16xi1>
    }
    %scan3A_187 = arith.constant 32 : i32
    %mul3A_188 = arith.constant 512 : i32
    %mul3A_189 = arith.muli %multiple_of3A, %mul3A_188 : i32
    %dma_wait3A_190 = arith.constant 1 : i32
    %dma_wait3A_191 = arith.constant 0 : i32
    %dma_wait3A_192 = tpu.memref_slice %arg6[%dma_wait3A_190, %dma_wait3A_191] : memref<2x512xi32, #tpu.memory_space<vmem>> -> memref<1x512xi32, #tpu.memory_space<vmem>>
    %dma_wait3A_193 = tpu.memref_squeeze %dma_wait3A_192 : memref<1x512xi32, #tpu.memory_space<vmem>> -> memref<512xi32, #tpu.memory_space<vmem>>
    %dma_wait3A_194 = tpu.memref_slice %arg3[%mul3A_189] : memref<8192xi32, #tpu.memory_space<hbm>> -> memref<512xi32, #tpu.memory_space<hbm>>
    %dma_wait3A_195 = arith.constant 0 : i32
    %dma_wait3A_196 = tpu.memref_slice %arg6[%dma_wait3A_190, %dma_wait3A_195] : memref<2x512xi32, #tpu.memory_space<vmem>> -> memref<1x512xi32, #tpu.memory_space<vmem>>
    %dma_wait3A_197 = tpu.memref_squeeze %dma_wait3A_196 : memref<1x512xi32, #tpu.memory_space<vmem>> -> memref<512xi32, #tpu.memory_space<vmem>>
    %dma_wait3A_198 = tpu.memref_slice %arg3[%mul3A_189] : memref<8192xi32, #tpu.memory_space<hbm>> -> memref<512xi32, #tpu.memory_space<hbm>>
    tpu.wait_dma2 semaphore(%arg9 : memref<!tpu.dma_semaphore, #tpu.memory_space<semaphore_mem>>) src(%dma_wait3A_198 : memref<512xi32, #tpu.memory_space<hbm>>) dst(%dma_wait3A_197 : memref<512xi32, #tpu.memory_space<vmem>>)
    %mul3A_199 = arith.constant 512 : i32
    %mul3A_200 = arith.muli %multiple_of3A, %mul3A_199 : i32
    %dma_wait3A_201 = arith.constant 1 : i32
    %dma_wait3A_202 = arith.constant 0 : i32
    %dma_wait3A_203 = tpu.memref_slice %arg7[%dma_wait3A_201, %dma_wait3A_202] : memref<2x512xf32, #tpu.memory_space<vmem>> -> memref<1x512xf32, #tpu.memory_space<vmem>>
    %dma_wait3A_204 = tpu.memref_squeeze %dma_wait3A_203 : memref<1x512xf32, #tpu.memory_space<vmem>> -> memref<512xf32, #tpu.memory_space<vmem>>
    %dma_wait3A_205 = tpu.memref_slice %arg2[%mul3A_200] : memref<8192xf32, #tpu.memory_space<hbm>> -> memref<512xf32, #tpu.memory_space<hbm>>
    %dma_wait3A_206 = arith.constant 0 : i32
    %dma_wait3A_207 = tpu.memref_slice %arg7[%dma_wait3A_201, %dma_wait3A_206] : memref<2x512xf32, #tpu.memory_space<vmem>> -> memref<1x512xf32, #tpu.memory_space<vmem>>
    %dma_wait3A_208 = tpu.memref_squeeze %dma_wait3A_207 : memref<1x512xf32, #tpu.memory_space<vmem>> -> memref<512xf32, #tpu.memory_space<vmem>>
    %dma_wait3A_209 = tpu.memref_slice %arg2[%mul3A_200] : memref<8192xf32, #tpu.memory_space<hbm>> -> memref<512xf32, #tpu.memory_space<hbm>>
    tpu.wait_dma2 semaphore(%arg9 : memref<!tpu.dma_semaphore, #tpu.memory_space<semaphore_mem>>) src(%dma_wait3A_209 : memref<512xf32, #tpu.memory_space<hbm>>) dst(%dma_wait3A_208 : memref<512xf32, #tpu.memory_space<vmem>>)
    %add3A_210 = arith.constant 3 : i32
    %add3A_211 = arith.addi %multiple_of3A, %add3A_210 : i32
    %add3A_212 = arith.constant 1 : i32
    %add3A_213 = arith.addi %add3A_211, %add3A_212 : i32
    %mul3A_214 = arith.constant 512 : i32
    %mul3A_215 = arith.muli %add3A_213, %mul3A_214 : i32
    %dma_start3A_216 = arith.constant 0 : i32
    %dma_start3A_217 = arith.constant 0 : i32
    %dma_start3A_218 = tpu.memref_slice %arg6[%dma_start3A_216, %dma_start3A_217] : memref<2x512xi32, #tpu.memory_space<vmem>> -> memref<1x512xi32, #tpu.memory_space<vmem>>
    %dma_start3A_219 = tpu.memref_squeeze %dma_start3A_218 : memref<1x512xi32, #tpu.memory_space<vmem>> -> memref<512xi32, #tpu.memory_space<vmem>>
    %dma_start3A_220 = tpu.memref_slice %arg3[%mul3A_215] : memref<8192xi32, #tpu.memory_space<hbm>> -> memref<512xi32, #tpu.memory_space<hbm>>
    %dma_start3A_221 = arith.constant 0 : i32
    %dma_start3A_222 = tpu.memref_slice %arg6[%dma_start3A_216, %dma_start3A_221] : memref<2x512xi32, #tpu.memory_space<vmem>> -> memref<1x512xi32, #tpu.memory_space<vmem>>
    %dma_start3A_223 = tpu.memref_squeeze %dma_start3A_222 : memref<1x512xi32, #tpu.memory_space<vmem>> -> memref<512xi32, #tpu.memory_space<vmem>>
    %dma_start3A_224 = tpu.memref_slice %arg3[%mul3A_215] : memref<8192xi32, #tpu.memory_space<hbm>> -> memref<512xi32, #tpu.memory_space<hbm>>
    tpu.enqueue_dma source(%dma_start3A_224 : memref<512xi32, #tpu.memory_space<hbm>>) target(%dma_start3A_223 : memref<512xi32, #tpu.memory_space<vmem>>) target_semaphore(%arg9 : memref<!tpu.dma_semaphore, #tpu.memory_space<semaphore_mem>>)
    %dma_start3A_225 = arith.constant 0 : i32
    %dma_start3A_226 = arith.constant 0 : i32
    %dma_start3A_227 = tpu.memref_slice %arg7[%dma_start3A_225, %dma_start3A_226] : memref<2x512xf32, #tpu.memory_space<vmem>> -> memref<1x512xf32, #tpu.memory_space<vmem>>
    %dma_start3A_228 = tpu.memref_squeeze %dma_start3A_227 : memref<1x512xf32, #tpu.memory_space<vmem>> -> memref<512xf32, #tpu.memory_space<vmem>>
    %dma_start3A_229 = tpu.memref_slice %arg2[%mul3A_215] : memref<8192xf32, #tpu.memory_space<hbm>> -> memref<512xf32, #tpu.memory_space<hbm>>
    %dma_start3A_230 = arith.constant 0 : i32
    %dma_start3A_231 = tpu.memref_slice %arg7[%dma_start3A_225, %dma_start3A_230] : memref<2x512xf32, #tpu.memory_space<vmem>> -> memref<1x512xf32, #tpu.memory_space<vmem>>
    %dma_start3A_232 = tpu.memref_squeeze %dma_start3A_231 : memref<1x512xf32, #tpu.memory_space<vmem>> -> memref<512xf32, #tpu.memory_space<vmem>>
    %dma_start3A_233 = tpu.memref_slice %arg2[%mul3A_215] : memref<8192xf32, #tpu.memory_space<hbm>> -> memref<512xf32, #tpu.memory_space<hbm>>
    tpu.enqueue_dma source(%dma_start3A_233 : memref<512xf32, #tpu.memory_space<hbm>>) target(%dma_start3A_232 : memref<512xf32, #tpu.memory_space<vmem>>) target_semaphore(%arg9 : memref<!tpu.dma_semaphore, #tpu.memory_space<semaphore_mem>>)
    %broadcast_in_dim3A_234 = arith.constant 3 : i32
    %broadcast_in_dim3A_235 = vector.broadcast %broadcast_in_dim3A_234 : i32 to vector<16xi32>
    %scan3A_236 = arith.constant 0 : i32
    %scan3A_237 = arith.constant 0 : i32
    %scan3A_238 = arith.constant 32 : i32
    %scan3A_239 = arith.addi %scan3A_237, %scan3A_238 : i32
    %scan3A_240 = arith.constant 1 : i32
    scf.for %scan3A_441 = %scan3A_237 to %scan3A_239 step %scan3A_240  : i32 {
      %mul3A_442 = arith.constant 16 : i32
      %mul3A_443 = arith.muli %scan3A_441, %mul3A_442 : i32
      %get3A = arith.constant 1 : i32
      %get3A_444 = arith.index_cast %get3A : i32 to index
      %get3A_445 = arith.index_cast %mul3A_443 : i32 to index
      %get3A_446 = tpu.vector_load %arg6[%get3A_444, %get3A_445] {strides = array<i32>} : memref<2x512xi32, #tpu.memory_space<vmem>>, vector<16xi32>,
      %sub3A = vector.broadcast %mul3A_0 : i32 to vector<16xi32>
      %sub3A_447 = arith.subi %get3A_446, %sub3A : vector<16xi32>
      %ge3A = arith.constant 0 : i32
      %ge3A_448 = vector.broadcast %ge3A : i32 to vector<16xi32>
      %ge3A_449 = arith.cmpi sge, %sub3A_447, %ge3A_448 : vector<16xi32>
      %lt3A_450 = arith.constant 15744 : i32
      %lt3A_451 = vector.broadcast %lt3A_450 : i32 to vector<16xi32>
      %lt3A_452 = arith.cmpi slt, %sub3A_447, %lt3A_451 : vector<16xi32>
      %and3A = arith.andi %ge3A_449, %lt3A_452 : vector<16xi1>
      %jit3A = arith.constant 0 : i32
      %broadcast_in_dim3A_453 = vector.broadcast %jit3A : i32 to vector<16xi32>
      %select_n3A = arith.select %and3A, %sub3A_447, %broadcast_in_dim3A_453 : vector<16xi1>, vector<16xi32>
      %mul3A_454 = arith.constant 16 : i32
      %mul3A_455 = arith.muli %scan3A_441, %mul3A_454 : i32
      %get3A_456 = arith.constant 1 : i32
      %get3A_457 = arith.index_cast %get3A_456 : i32 to index
      %get3A_458 = arith.index_cast %mul3A_455 : i32 to index
      %get3A_459 = tpu.vector_load %arg7[%get3A_457, %get3A_458] {strides = array<i32>} : memref<2x512xf32, #tpu.memory_space<vmem>>, vector<16xf32>,
      %eq3A_460 = arith.constant 0 : i32
      %eq3A_461 = vector.broadcast %eq3A_460 : i32 to vector<16xi32>
      %eq3A_462 = arith.cmpi eq, %iota3A, %eq3A_461 : vector<16xi32>
      %and3A_463 = arith.andi %and3A, %eq3A_462 : vector<16xi1>
      tpu.vector_store_idx %arg8[%broadcast_in_dim3A_235, %select_n3A], %get3A_459 masked %and3A_463 {add = true} : memref<8x15744xf32, #tpu.memory_space<vmem>>[vector<16xi32>, vector<16xi32>], vector<16xf32>, vector<16xi1>
      %eq3A_464 = arith.constant 1 : i32
      %eq3A_465 = vector.broadcast %eq3A_464 : i32 to vector<16xi32>
      %eq3A_466 = arith.cmpi eq, %iota3A, %eq3A_465 : vector<16xi32>
      %and3A_467 = arith.andi %and3A, %eq3A_466 : vector<16xi1>
      tpu.vector_store_idx %arg8[%broadcast_in_dim3A_235, %select_n3A], %get3A_459 masked %and3A_467 {add = true} : memref<8x15744xf32, #tpu.memory_space<vmem>>[vector<16xi32>, vector<16xi32>], vector<16xf32>, vector<16xi1>
      %eq3A_468 = arith.constant 2 : i32
      %eq3A_469 = vector.broadcast %eq3A_468 : i32 to vector<16xi32>
      %eq3A_470 = arith.cmpi eq, %iota3A, %eq3A_469 : vector<16xi32>
      %and3A_471 = arith.andi %and3A, %eq3A_470 : vector<16xi1>
      tpu.vector_store_idx %arg8[%broadcast_in_dim3A_235, %select_n3A], %get3A_459 masked %and3A_471 {add = true} : memref<8x15744xf32, #tpu.memory_space<vmem>>[vector<16xi32>, vector<16xi32>], vector<16xf32>, vector<16xi1>
      %eq3A_472 = arith.constant 3 : i32
      %eq3A_473 = vector.broadcast %eq3A_472 : i32 to vector<16xi32>
      %eq3A_474 = arith.cmpi eq, %iota3A, %eq3A_473 : vector<16xi32>
      %and3A_475 = arith.andi %and3A, %eq3A_474 : vector<16xi1>
      tpu.vector_store_idx %arg8[%broadcast_in_dim3A_235, %select_n3A], %get3A_459 masked %and3A_475 {add = true} : memref<8x15744xf32, #tpu.memory_space<vmem>>[vector<16xi32>, vector<16xi32>], vector<16xf32>, vector<16xi1>
      %eq3A_476 = arith.constant 4 : i32
      %eq3A_477 = vector.broadcast %eq3A_476 : i32 to vector<16xi32>
      %eq3A_478 = arith.cmpi eq, %iota3A, %eq3A_477 : vector<16xi32>
      %and3A_479 = arith.andi %and3A, %eq3A_478 : vector<16xi1>
      tpu.vector_store_idx %arg8[%broadcast_in_dim3A_235, %select_n3A], %get3A_459 masked %and3A_479 {add = true} : memref<8x15744xf32, #tpu.memory_space<vmem>>[vector<16xi32>, vector<16xi32>], vector<16xf32>, vector<16xi1>
      %eq3A_480 = arith.constant 5 : i32
      %eq3A_481 = vector.broadcast %eq3A_480 : i32 to vector<16xi32>
      %eq3A_482 = arith.cmpi eq, %iota3A, %eq3A_481 : vector<16xi32>
      %and3A_483 = arith.andi %and3A, %eq3A_482 : vector<16xi1>
      tpu.vector_store_idx %arg8[%broadcast_in_dim3A_235, %select_n3A], %get3A_459 masked %and3A_483 {add = true} : memref<8x15744xf32, #tpu.memory_space<vmem>>[vector<16xi32>, vector<16xi32>], vector<16xf32>, vector<16xi1>
      %eq3A_484 = arith.constant 6 : i32
      %eq3A_485 = vector.broadcast %eq3A_484 : i32 to vector<16xi32>
      %eq3A_486 = arith.cmpi eq, %iota3A, %eq3A_485 : vector<16xi32>
      %and3A_487 = arith.andi %and3A, %eq3A_486 : vector<16xi1>
      tpu.vector_store_idx %arg8[%broadcast_in_dim3A_235, %select_n3A], %get3A_459 masked %and3A_487 {add = true} : memref<8x15744xf32, #tpu.memory_space<vmem>>[vector<16xi32>, vector<16xi32>], vector<16xf32>, vector<16xi1>
      %eq3A_488 = arith.constant 7 : i32
      %eq3A_489 = vector.broadcast %eq3A_488 : i32 to vector<16xi32>
      %eq3A_490 = arith.cmpi eq, %iota3A, %eq3A_489 : vector<16xi32>
      %and3A_491 = arith.andi %and3A, %eq3A_490 : vector<16xi1>
      tpu.vector_store_idx %arg8[%broadcast_in_dim3A_235, %select_n3A], %get3A_459 masked %and3A_491 {add = true} : memref<8x15744xf32, #tpu.memory_space<vmem>>[vector<16xi32>, vector<16xi32>], vector<16xf32>, vector<16xi1>
      %eq3A_492 = arith.constant 8 : i32
      %eq3A_493 = vector.broadcast %eq3A_492 : i32 to vector<16xi32>
      %eq3A_494 = arith.cmpi eq, %iota3A, %eq3A_493 : vector<16xi32>
      %and3A_495 = arith.andi %and3A, %eq3A_494 : vector<16xi1>
      tpu.vector_store_idx %arg8[%broadcast_in_dim3A_235, %select_n3A], %get3A_459 masked %and3A_495 {add = true} : memref<8x15744xf32, #tpu.memory_space<vmem>>[vector<16xi32>, vector<16xi32>], vector<16xf32>, vector<16xi1>
      %eq3A_496 = arith.constant 9 : i32
      %eq3A_497 = vector.broadcast %eq3A_496 : i32 to vector<16xi32>
      %eq3A_498 = arith.cmpi eq, %iota3A, %eq3A_497 : vector<16xi32>
      %and3A_499 = arith.andi %and3A, %eq3A_498 : vector<16xi1>
      tpu.vector_store_idx %arg8[%broadcast_in_dim3A_235, %select_n3A], %get3A_459 masked %and3A_499 {add = true} : memref<8x15744xf32, #tpu.memory_space<vmem>>[vector<16xi32>, vector<16xi32>], vector<16xf32>, vector<16xi1>
      %eq3A_500 = arith.constant 10 : i32
      %eq3A_501 = vector.broadcast %eq3A_500 : i32 to vector<16xi32>
      %eq3A_502 = arith.cmpi eq, %iota3A, %eq3A_501 : vector<16xi32>
      %and3A_503 = arith.andi %and3A, %eq3A_502 : vector<16xi1>
      tpu.vector_store_idx %arg8[%broadcast_in_dim3A_235, %select_n3A], %get3A_459 masked %and3A_503 {add = true} : memref<8x15744xf32, #tpu.memory_space<vmem>>[vector<16xi32>, vector<16xi32>], vector<16xf32>, vector<16xi1>
      %eq3A_504 = arith.constant 11 : i32
      %eq3A_505 = vector.broadcast %eq3A_504 : i32 to vector<16xi32>
      %eq3A_506 = arith.cmpi eq, %iota3A, %eq3A_505 : vector<16xi32>
      %and3A_507 = arith.andi %and3A, %eq3A_506 : vector<16xi1>
      tpu.vector_store_idx %arg8[%broadcast_in_dim3A_235, %select_n3A], %get3A_459 masked %and3A_507 {add = true} : memref<8x15744xf32, #tpu.memory_space<vmem>>[vector<16xi32>, vector<16xi32>], vector<16xf32>, vector<16xi1>
      %eq3A_508 = arith.constant 12 : i32
      %eq3A_509 = vector.broadcast %eq3A_508 : i32 to vector<16xi32>
      %eq3A_510 = arith.cmpi eq, %iota3A, %eq3A_509 : vector<16xi32>
      %and3A_511 = arith.andi %and3A, %eq3A_510 : vector<16xi1>
      tpu.vector_store_idx %arg8[%broadcast_in_dim3A_235, %select_n3A], %get3A_459 masked %and3A_511 {add = true} : memref<8x15744xf32, #tpu.memory_space<vmem>>[vector<16xi32>, vector<16xi32>], vector<16xf32>, vector<16xi1>
      %eq3A_512 = arith.constant 13 : i32
      %eq3A_513 = vector.broadcast %eq3A_512 : i32 to vector<16xi32>
      %eq3A_514 = arith.cmpi eq, %iota3A, %eq3A_513 : vector<16xi32>
      %and3A_515 = arith.andi %and3A, %eq3A_514 : vector<16xi1>
      tpu.vector_store_idx %arg8[%broadcast_in_dim3A_235, %select_n3A], %get3A_459 masked %and3A_515 {add = true} : memref<8x15744xf32, #tpu.memory_space<vmem>>[vector<16xi32>, vector<16xi32>], vector<16xf32>, vector<16xi1>
      %eq3A_516 = arith.constant 14 : i32
      %eq3A_517 = vector.broadcast %eq3A_516 : i32 to vector<16xi32>
      %eq3A_518 = arith.cmpi eq, %iota3A, %eq3A_517 : vector<16xi32>
      %and3A_519 = arith.andi %and3A, %eq3A_518 : vector<16xi1>
      tpu.vector_store_idx %arg8[%broadcast_in_dim3A_235, %select_n3A], %get3A_459 masked %and3A_519 {add = true} : memref<8x15744xf32, #tpu.memory_space<vmem>>[vector<16xi32>, vector<16xi32>], vector<16xf32>, vector<16xi1>
      %eq3A_520 = arith.constant 15 : i32
      %eq3A_521 = vector.broadcast %eq3A_520 : i32 to vector<16xi32>
      %eq3A_522 = arith.cmpi eq, %iota3A, %eq3A_521 : vector<16xi32>
      %and3A_523 = arith.andi %and3A, %eq3A_522 : vector<16xi1>
      tpu.vector_store_idx %arg8[%broadcast_in_dim3A_235, %select_n3A], %get3A_459 masked %and3A_523 {add = true} : memref<8x15744xf32, #tpu.memory_space<vmem>>[vector<16xi32>, vector<16xi32>], vector<16xf32>, vector<16xi1>
    }
    %scan3A_241 = arith.constant 32 : i32
    %mul3A_242 = arith.constant 512 : i32
    %mul3A_243 = arith.muli %multiple_of3A, %mul3A_242 : i32
    %dma_wait3A_244 = arith.constant 0 : i32
    %dma_wait3A_245 = arith.constant 0 : i32
    %dma_wait3A_246 = tpu.memref_slice %arg6[%dma_wait3A_244, %dma_wait3A_245] : memref<2x512xi32, #tpu.memory_space<vmem>> -> memref<1x512xi32, #tpu.memory_space<vmem>>
    %dma_wait3A_247 = tpu.memref_squeeze %dma_wait3A_246 : memref<1x512xi32, #tpu.memory_space<vmem>> -> memref<512xi32, #tpu.memory_space<vmem>>
    %dma_wait3A_248 = tpu.memref_slice %arg3[%mul3A_243] : memref<8192xi32, #tpu.memory_space<hbm>> -> memref<512xi32, #tpu.memory_space<hbm>>
    %dma_wait3A_249 = arith.constant 0 : i32
    %dma_wait3A_250 = tpu.memref_slice %arg6[%dma_wait3A_244, %dma_wait3A_249] : memref<2x512xi32, #tpu.memory_space<vmem>> -> memref<1x512xi32, #tpu.memory_space<vmem>>
    %dma_wait3A_251 = tpu.memref_squeeze %dma_wait3A_250 : memref<1x512xi32, #tpu.memory_space<vmem>> -> memref<512xi32, #tpu.memory_space<vmem>>
    %dma_wait3A_252 = tpu.memref_slice %arg3[%mul3A_243] : memref<8192xi32, #tpu.memory_space<hbm>> -> memref<512xi32, #tpu.memory_space<hbm>>
    tpu.wait_dma2 semaphore(%arg9 : memref<!tpu.dma_semaphore, #tpu.memory_space<semaphore_mem>>) src(%dma_wait3A_252 : memref<512xi32, #tpu.memory_space<hbm>>) dst(%dma_wait3A_251 : memref<512xi32, #tpu.memory_space<vmem>>)
    %mul3A_253 = arith.constant 512 : i32
    %mul3A_254 = arith.muli %multiple_of3A, %mul3A_253 : i32
    %dma_wait3A_255 = arith.constant 0 : i32
    %dma_wait3A_256 = arith.constant 0 : i32
    %dma_wait3A_257 = tpu.memref_slice %arg7[%dma_wait3A_255, %dma_wait3A_256] : memref<2x512xf32, #tpu.memory_space<vmem>> -> memref<1x512xf32, #tpu.memory_space<vmem>>
    %dma_wait3A_258 = tpu.memref_squeeze %dma_wait3A_257 : memref<1x512xf32, #tpu.memory_space<vmem>> -> memref<512xf32, #tpu.memory_space<vmem>>
    %dma_wait3A_259 = tpu.memref_slice %arg2[%mul3A_254] : memref<8192xf32, #tpu.memory_space<hbm>> -> memref<512xf32, #tpu.memory_space<hbm>>
    %dma_wait3A_260 = arith.constant 0 : i32
    %dma_wait3A_261 = tpu.memref_slice %arg7[%dma_wait3A_255, %dma_wait3A_260] : memref<2x512xf32, #tpu.memory_space<vmem>> -> memref<1x512xf32, #tpu.memory_space<vmem>>
    %dma_wait3A_262 = tpu.memref_squeeze %dma_wait3A_261 : memref<1x512xf32, #tpu.memory_space<vmem>> -> memref<512xf32, #tpu.memory_space<vmem>>
    %dma_wait3A_263 = tpu.memref_slice %arg2[%mul3A_254] : memref<8192xf32, #tpu.memory_space<hbm>> -> memref<512xf32, #tpu.memory_space<hbm>>
    tpu.wait_dma2 semaphore(%arg9 : memref<!tpu.dma_semaphore, #tpu.memory_space<semaphore_mem>>) src(%dma_wait3A_263 : memref<512xf32, #tpu.memory_space<hbm>>) dst(%dma_wait3A_262 : memref<512xf32, #tpu.memory_space<vmem>>)
    %add3A_264 = arith.constant 4 : i32
    %add3A_265 = arith.addi %multiple_of3A, %add3A_264 : i32
    %add3A_266 = arith.constant 1 : i32
    %add3A_267 = arith.addi %add3A_265, %add3A_266 : i32
    %mul3A_268 = arith.constant 512 : i32
    %mul3A_269 = arith.muli %add3A_267, %mul3A_268 : i32
    %dma_start3A_270 = arith.constant 1 : i32
    %dma_start3A_271 = arith.constant 0 : i32
    %dma_start3A_272 = tpu.memref_slice %arg6[%dma_start3A_270, %dma_start3A_271] : memref<2x512xi32, #tpu.memory_space<vmem>> -> memref<1x512xi32, #tpu.memory_space<vmem>>
    %dma_start3A_273 = tpu.memref_squeeze %dma_start3A_272 : memref<1x512xi32, #tpu.memory_space<vmem>> -> memref<512xi32, #tpu.memory_space<vmem>>
    %dma_start3A_274 = tpu.memref_slice %arg3[%mul3A_269] : memref<8192xi32, #tpu.memory_space<hbm>> -> memref<512xi32, #tpu.memory_space<hbm>>
    %dma_start3A_275 = arith.constant 0 : i32
    %dma_start3A_276 = tpu.memref_slice %arg6[%dma_start3A_270, %dma_start3A_275] : memref<2x512xi32, #tpu.memory_space<vmem>> -> memref<1x512xi32, #tpu.memory_space<vmem>>
    %dma_start3A_277 = tpu.memref_squeeze %dma_start3A_276 : memref<1x512xi32, #tpu.memory_space<vmem>> -> memref<512xi32, #tpu.memory_space<vmem>>
    %dma_start3A_278 = tpu.memref_slice %arg3[%mul3A_269] : memref<8192xi32, #tpu.memory_space<hbm>> -> memref<512xi32, #tpu.memory_space<hbm>>
    tpu.enqueue_dma source(%dma_start3A_278 : memref<512xi32, #tpu.memory_space<hbm>>) target(%dma_start3A_277 : memref<512xi32, #tpu.memory_space<vmem>>) target_semaphore(%arg9 : memref<!tpu.dma_semaphore, #tpu.memory_space<semaphore_mem>>)
    %dma_start3A_279 = arith.constant 1 : i32
    %dma_start3A_280 = arith.constant 0 : i32
    %dma_start3A_281 = tpu.memref_slice %arg7[%dma_start3A_279, %dma_start3A_280] : memref<2x512xf32, #tpu.memory_space<vmem>> -> memref<1x512xf32, #tpu.memory_space<vmem>>
    %dma_start3A_282 = tpu.memref_squeeze %dma_start3A_281 : memref<1x512xf32, #tpu.memory_space<vmem>> -> memref<512xf32, #tpu.memory_space<vmem>>
    %dma_start3A_283 = tpu.memref_slice %arg2[%mul3A_269] : memref<8192xf32, #tpu.memory_space<hbm>> -> memref<512xf32, #tpu.memory_space<hbm>>
    %dma_start3A_284 = arith.constant 0 : i32
    %dma_start3A_285 = tpu.memref_slice %arg7[%dma_start3A_279, %dma_start3A_284] : memref<2x512xf32, #tpu.memory_space<vmem>> -> memref<1x512xf32, #tpu.memory_space<vmem>>
    %dma_start3A_286 = tpu.memref_squeeze %dma_start3A_285 : memref<1x512xf32, #tpu.memory_space<vmem>> -> memref<512xf32, #tpu.memory_space<vmem>>
    %dma_start3A_287 = tpu.memref_slice %arg2[%mul3A_269] : memref<8192xf32, #tpu.memory_space<hbm>> -> memref<512xf32, #tpu.memory_space<hbm>>
    tpu.enqueue_dma source(%dma_start3A_287 : memref<512xf32, #tpu.memory_space<hbm>>) target(%dma_start3A_286 : memref<512xf32, #tpu.memory_space<vmem>>) target_semaphore(%arg9 : memref<!tpu.dma_semaphore, #tpu.memory_space<semaphore_mem>>)
    %broadcast_in_dim3A_288 = arith.constant 4 : i32
    %broadcast_in_dim3A_289 = vector.broadcast %broadcast_in_dim3A_288 : i32 to vector<16xi32>
    %scan3A_290 = arith.constant 0 : i32
    %scan3A_291 = arith.constant 0 : i32
    %scan3A_292 = arith.constant 32 : i32
    %scan3A_293 = arith.addi %scan3A_291, %scan3A_292 : i32
    %scan3A_294 = arith.constant 1 : i32
    scf.for %scan3A_441 = %scan3A_291 to %scan3A_293 step %scan3A_294  : i32 {
      %mul3A_442 = arith.constant 16 : i32
      %mul3A_443 = arith.muli %scan3A_441, %mul3A_442 : i32
      %get3A = arith.constant 0 : i32
      %get3A_444 = arith.index_cast %get3A : i32 to index
      %get3A_445 = arith.index_cast %mul3A_443 : i32 to index
      %get3A_446 = tpu.vector_load %arg6[%get3A_444, %get3A_445] {strides = array<i32>} : memref<2x512xi32, #tpu.memory_space<vmem>>, vector<16xi32>,
      %sub3A = vector.broadcast %mul3A_0 : i32 to vector<16xi32>
      %sub3A_447 = arith.subi %get3A_446, %sub3A : vector<16xi32>
      %ge3A = arith.constant 0 : i32
      %ge3A_448 = vector.broadcast %ge3A : i32 to vector<16xi32>
      %ge3A_449 = arith.cmpi sge, %sub3A_447, %ge3A_448 : vector<16xi32>
      %lt3A_450 = arith.constant 15744 : i32
      %lt3A_451 = vector.broadcast %lt3A_450 : i32 to vector<16xi32>
      %lt3A_452 = arith.cmpi slt, %sub3A_447, %lt3A_451 : vector<16xi32>
      %and3A = arith.andi %ge3A_449, %lt3A_452 : vector<16xi1>
      %jit3A = arith.constant 0 : i32
      %broadcast_in_dim3A_453 = vector.broadcast %jit3A : i32 to vector<16xi32>
      %select_n3A = arith.select %and3A, %sub3A_447, %broadcast_in_dim3A_453 : vector<16xi1>, vector<16xi32>
      %mul3A_454 = arith.constant 16 : i32
      %mul3A_455 = arith.muli %scan3A_441, %mul3A_454 : i32
      %get3A_456 = arith.constant 0 : i32
      %get3A_457 = arith.index_cast %get3A_456 : i32 to index
      %get3A_458 = arith.index_cast %mul3A_455 : i32 to index
      %get3A_459 = tpu.vector_load %arg7[%get3A_457, %get3A_458] {strides = array<i32>} : memref<2x512xf32, #tpu.memory_space<vmem>>, vector<16xf32>,
      %eq3A_460 = arith.constant 0 : i32
      %eq3A_461 = vector.broadcast %eq3A_460 : i32 to vector<16xi32>
      %eq3A_462 = arith.cmpi eq, %iota3A, %eq3A_461 : vector<16xi32>
      %and3A_463 = arith.andi %and3A, %eq3A_462 : vector<16xi1>
      tpu.vector_store_idx %arg8[%broadcast_in_dim3A_289, %select_n3A], %get3A_459 masked %and3A_463 {add = true} : memref<8x15744xf32, #tpu.memory_space<vmem>>[vector<16xi32>, vector<16xi32>], vector<16xf32>, vector<16xi1>
      %eq3A_464 = arith.constant 1 : i32
      %eq3A_465 = vector.broadcast %eq3A_464 : i32 to vector<16xi32>
      %eq3A_466 = arith.cmpi eq, %iota3A, %eq3A_465 : vector<16xi32>
      %and3A_467 = arith.andi %and3A, %eq3A_466 : vector<16xi1>
      tpu.vector_store_idx %arg8[%broadcast_in_dim3A_289, %select_n3A], %get3A_459 masked %and3A_467 {add = true} : memref<8x15744xf32, #tpu.memory_space<vmem>>[vector<16xi32>, vector<16xi32>], vector<16xf32>, vector<16xi1>
      %eq3A_468 = arith.constant 2 : i32
      %eq3A_469 = vector.broadcast %eq3A_468 : i32 to vector<16xi32>
      %eq3A_470 = arith.cmpi eq, %iota3A, %eq3A_469 : vector<16xi32>
      %and3A_471 = arith.andi %and3A, %eq3A_470 : vector<16xi1>
      tpu.vector_store_idx %arg8[%broadcast_in_dim3A_289, %select_n3A], %get3A_459 masked %and3A_471 {add = true} : memref<8x15744xf32, #tpu.memory_space<vmem>>[vector<16xi32>, vector<16xi32>], vector<16xf32>, vector<16xi1>
      %eq3A_472 = arith.constant 3 : i32
      %eq3A_473 = vector.broadcast %eq3A_472 : i32 to vector<16xi32>
      %eq3A_474 = arith.cmpi eq, %iota3A, %eq3A_473 : vector<16xi32>
      %and3A_475 = arith.andi %and3A, %eq3A_474 : vector<16xi1>
      tpu.vector_store_idx %arg8[%broadcast_in_dim3A_289, %select_n3A], %get3A_459 masked %and3A_475 {add = true} : memref<8x15744xf32, #tpu.memory_space<vmem>>[vector<16xi32>, vector<16xi32>], vector<16xf32>, vector<16xi1>
      %eq3A_476 = arith.constant 4 : i32
      %eq3A_477 = vector.broadcast %eq3A_476 : i32 to vector<16xi32>
      %eq3A_478 = arith.cmpi eq, %iota3A, %eq3A_477 : vector<16xi32>
      %and3A_479 = arith.andi %and3A, %eq3A_478 : vector<16xi1>
      tpu.vector_store_idx %arg8[%broadcast_in_dim3A_289, %select_n3A], %get3A_459 masked %and3A_479 {add = true} : memref<8x15744xf32, #tpu.memory_space<vmem>>[vector<16xi32>, vector<16xi32>], vector<16xf32>, vector<16xi1>
      %eq3A_480 = arith.constant 5 : i32
      %eq3A_481 = vector.broadcast %eq3A_480 : i32 to vector<16xi32>
      %eq3A_482 = arith.cmpi eq, %iota3A, %eq3A_481 : vector<16xi32>
      %and3A_483 = arith.andi %and3A, %eq3A_482 : vector<16xi1>
      tpu.vector_store_idx %arg8[%broadcast_in_dim3A_289, %select_n3A], %get3A_459 masked %and3A_483 {add = true} : memref<8x15744xf32, #tpu.memory_space<vmem>>[vector<16xi32>, vector<16xi32>], vector<16xf32>, vector<16xi1>
      %eq3A_484 = arith.constant 6 : i32
      %eq3A_485 = vector.broadcast %eq3A_484 : i32 to vector<16xi32>
      %eq3A_486 = arith.cmpi eq, %iota3A, %eq3A_485 : vector<16xi32>
      %and3A_487 = arith.andi %and3A, %eq3A_486 : vector<16xi1>
      tpu.vector_store_idx %arg8[%broadcast_in_dim3A_289, %select_n3A], %get3A_459 masked %and3A_487 {add = true} : memref<8x15744xf32, #tpu.memory_space<vmem>>[vector<16xi32>, vector<16xi32>], vector<16xf32>, vector<16xi1>
      %eq3A_488 = arith.constant 7 : i32
      %eq3A_489 = vector.broadcast %eq3A_488 : i32 to vector<16xi32>
      %eq3A_490 = arith.cmpi eq, %iota3A, %eq3A_489 : vector<16xi32>
      %and3A_491 = arith.andi %and3A, %eq3A_490 : vector<16xi1>
      tpu.vector_store_idx %arg8[%broadcast_in_dim3A_289, %select_n3A], %get3A_459 masked %and3A_491 {add = true} : memref<8x15744xf32, #tpu.memory_space<vmem>>[vector<16xi32>, vector<16xi32>], vector<16xf32>, vector<16xi1>
      %eq3A_492 = arith.constant 8 : i32
      %eq3A_493 = vector.broadcast %eq3A_492 : i32 to vector<16xi32>
      %eq3A_494 = arith.cmpi eq, %iota3A, %eq3A_493 : vector<16xi32>
      %and3A_495 = arith.andi %and3A, %eq3A_494 : vector<16xi1>
      tpu.vector_store_idx %arg8[%broadcast_in_dim3A_289, %select_n3A], %get3A_459 masked %and3A_495 {add = true} : memref<8x15744xf32, #tpu.memory_space<vmem>>[vector<16xi32>, vector<16xi32>], vector<16xf32>, vector<16xi1>
      %eq3A_496 = arith.constant 9 : i32
      %eq3A_497 = vector.broadcast %eq3A_496 : i32 to vector<16xi32>
      %eq3A_498 = arith.cmpi eq, %iota3A, %eq3A_497 : vector<16xi32>
      %and3A_499 = arith.andi %and3A, %eq3A_498 : vector<16xi1>
      tpu.vector_store_idx %arg8[%broadcast_in_dim3A_289, %select_n3A], %get3A_459 masked %and3A_499 {add = true} : memref<8x15744xf32, #tpu.memory_space<vmem>>[vector<16xi32>, vector<16xi32>], vector<16xf32>, vector<16xi1>
      %eq3A_500 = arith.constant 10 : i32
      %eq3A_501 = vector.broadcast %eq3A_500 : i32 to vector<16xi32>
      %eq3A_502 = arith.cmpi eq, %iota3A, %eq3A_501 : vector<16xi32>
      %and3A_503 = arith.andi %and3A, %eq3A_502 : vector<16xi1>
      tpu.vector_store_idx %arg8[%broadcast_in_dim3A_289, %select_n3A], %get3A_459 masked %and3A_503 {add = true} : memref<8x15744xf32, #tpu.memory_space<vmem>>[vector<16xi32>, vector<16xi32>], vector<16xf32>, vector<16xi1>
      %eq3A_504 = arith.constant 11 : i32
      %eq3A_505 = vector.broadcast %eq3A_504 : i32 to vector<16xi32>
      %eq3A_506 = arith.cmpi eq, %iota3A, %eq3A_505 : vector<16xi32>
      %and3A_507 = arith.andi %and3A, %eq3A_506 : vector<16xi1>
      tpu.vector_store_idx %arg8[%broadcast_in_dim3A_289, %select_n3A], %get3A_459 masked %and3A_507 {add = true} : memref<8x15744xf32, #tpu.memory_space<vmem>>[vector<16xi32>, vector<16xi32>], vector<16xf32>, vector<16xi1>
      %eq3A_508 = arith.constant 12 : i32
      %eq3A_509 = vector.broadcast %eq3A_508 : i32 to vector<16xi32>
      %eq3A_510 = arith.cmpi eq, %iota3A, %eq3A_509 : vector<16xi32>
      %and3A_511 = arith.andi %and3A, %eq3A_510 : vector<16xi1>
      tpu.vector_store_idx %arg8[%broadcast_in_dim3A_289, %select_n3A], %get3A_459 masked %and3A_511 {add = true} : memref<8x15744xf32, #tpu.memory_space<vmem>>[vector<16xi32>, vector<16xi32>], vector<16xf32>, vector<16xi1>
      %eq3A_512 = arith.constant 13 : i32
      %eq3A_513 = vector.broadcast %eq3A_512 : i32 to vector<16xi32>
      %eq3A_514 = arith.cmpi eq, %iota3A, %eq3A_513 : vector<16xi32>
      %and3A_515 = arith.andi %and3A, %eq3A_514 : vector<16xi1>
      tpu.vector_store_idx %arg8[%broadcast_in_dim3A_289, %select_n3A], %get3A_459 masked %and3A_515 {add = true} : memref<8x15744xf32, #tpu.memory_space<vmem>>[vector<16xi32>, vector<16xi32>], vector<16xf32>, vector<16xi1>
      %eq3A_516 = arith.constant 14 : i32
      %eq3A_517 = vector.broadcast %eq3A_516 : i32 to vector<16xi32>
      %eq3A_518 = arith.cmpi eq, %iota3A, %eq3A_517 : vector<16xi32>
      %and3A_519 = arith.andi %and3A, %eq3A_518 : vector<16xi1>
      tpu.vector_store_idx %arg8[%broadcast_in_dim3A_289, %select_n3A], %get3A_459 masked %and3A_519 {add = true} : memref<8x15744xf32, #tpu.memory_space<vmem>>[vector<16xi32>, vector<16xi32>], vector<16xf32>, vector<16xi1>
      %eq3A_520 = arith.constant 15 : i32
      %eq3A_521 = vector.broadcast %eq3A_520 : i32 to vector<16xi32>
      %eq3A_522 = arith.cmpi eq, %iota3A, %eq3A_521 : vector<16xi32>
      %and3A_523 = arith.andi %and3A, %eq3A_522 : vector<16xi1>
      tpu.vector_store_idx %arg8[%broadcast_in_dim3A_289, %select_n3A], %get3A_459 masked %and3A_523 {add = true} : memref<8x15744xf32, #tpu.memory_space<vmem>>[vector<16xi32>, vector<16xi32>], vector<16xf32>, vector<16xi1>
    }
    %scan3A_295 = arith.constant 32 : i32
    %mul3A_296 = arith.constant 512 : i32
    %mul3A_297 = arith.muli %multiple_of3A, %mul3A_296 : i32
    %dma_wait3A_298 = arith.constant 1 : i32
    %dma_wait3A_299 = arith.constant 0 : i32
    %dma_wait3A_300 = tpu.memref_slice %arg6[%dma_wait3A_298, %dma_wait3A_299] : memref<2x512xi32, #tpu.memory_space<vmem>> -> memref<1x512xi32, #tpu.memory_space<vmem>>
    %dma_wait3A_301 = tpu.memref_squeeze %dma_wait3A_300 : memref<1x512xi32, #tpu.memory_space<vmem>> -> memref<512xi32, #tpu.memory_space<vmem>>
    %dma_wait3A_302 = tpu.memref_slice %arg3[%mul3A_297] : memref<8192xi32, #tpu.memory_space<hbm>> -> memref<512xi32, #tpu.memory_space<hbm>>
    %dma_wait3A_303 = arith.constant 0 : i32
    %dma_wait3A_304 = tpu.memref_slice %arg6[%dma_wait3A_298, %dma_wait3A_303] : memref<2x512xi32, #tpu.memory_space<vmem>> -> memref<1x512xi32, #tpu.memory_space<vmem>>
    %dma_wait3A_305 = tpu.memref_squeeze %dma_wait3A_304 : memref<1x512xi32, #tpu.memory_space<vmem>> -> memref<512xi32, #tpu.memory_space<vmem>>
    %dma_wait3A_306 = tpu.memref_slice %arg3[%mul3A_297] : memref<8192xi32, #tpu.memory_space<hbm>> -> memref<512xi32, #tpu.memory_space<hbm>>
    tpu.wait_dma2 semaphore(%arg9 : memref<!tpu.dma_semaphore, #tpu.memory_space<semaphore_mem>>) src(%dma_wait3A_306 : memref<512xi32, #tpu.memory_space<hbm>>) dst(%dma_wait3A_305 : memref<512xi32, #tpu.memory_space<vmem>>)
    %mul3A_307 = arith.constant 512 : i32
    %mul3A_308 = arith.muli %multiple_of3A, %mul3A_307 : i32
    %dma_wait3A_309 = arith.constant 1 : i32
    %dma_wait3A_310 = arith.constant 0 : i32
    %dma_wait3A_311 = tpu.memref_slice %arg7[%dma_wait3A_309, %dma_wait3A_310] : memref<2x512xf32, #tpu.memory_space<vmem>> -> memref<1x512xf32, #tpu.memory_space<vmem>>
    %dma_wait3A_312 = tpu.memref_squeeze %dma_wait3A_311 : memref<1x512xf32, #tpu.memory_space<vmem>> -> memref<512xf32, #tpu.memory_space<vmem>>
    %dma_wait3A_313 = tpu.memref_slice %arg2[%mul3A_308] : memref<8192xf32, #tpu.memory_space<hbm>> -> memref<512xf32, #tpu.memory_space<hbm>>
    %dma_wait3A_314 = arith.constant 0 : i32
    %dma_wait3A_315 = tpu.memref_slice %arg7[%dma_wait3A_309, %dma_wait3A_314] : memref<2x512xf32, #tpu.memory_space<vmem>> -> memref<1x512xf32, #tpu.memory_space<vmem>>
    %dma_wait3A_316 = tpu.memref_squeeze %dma_wait3A_315 : memref<1x512xf32, #tpu.memory_space<vmem>> -> memref<512xf32, #tpu.memory_space<vmem>>
    %dma_wait3A_317 = tpu.memref_slice %arg2[%mul3A_308] : memref<8192xf32, #tpu.memory_space<hbm>> -> memref<512xf32, #tpu.memory_space<hbm>>
    tpu.wait_dma2 semaphore(%arg9 : memref<!tpu.dma_semaphore, #tpu.memory_space<semaphore_mem>>) src(%dma_wait3A_317 : memref<512xf32, #tpu.memory_space<hbm>>) dst(%dma_wait3A_316 : memref<512xf32, #tpu.memory_space<vmem>>)
    %add3A_318 = arith.constant 5 : i32
    %add3A_319 = arith.addi %multiple_of3A, %add3A_318 : i32
    %add3A_320 = arith.constant 1 : i32
    %add3A_321 = arith.addi %add3A_319, %add3A_320 : i32
    %mul3A_322 = arith.constant 512 : i32
    %mul3A_323 = arith.muli %add3A_321, %mul3A_322 : i32
    %dma_start3A_324 = arith.constant 0 : i32
    %dma_start3A_325 = arith.constant 0 : i32
    %dma_start3A_326 = tpu.memref_slice %arg6[%dma_start3A_324, %dma_start3A_325] : memref<2x512xi32, #tpu.memory_space<vmem>> -> memref<1x512xi32, #tpu.memory_space<vmem>>
    %dma_start3A_327 = tpu.memref_squeeze %dma_start3A_326 : memref<1x512xi32, #tpu.memory_space<vmem>> -> memref<512xi32, #tpu.memory_space<vmem>>
    %dma_start3A_328 = tpu.memref_slice %arg3[%mul3A_323] : memref<8192xi32, #tpu.memory_space<hbm>> -> memref<512xi32, #tpu.memory_space<hbm>>
    %dma_start3A_329 = arith.constant 0 : i32
    %dma_start3A_330 = tpu.memref_slice %arg6[%dma_start3A_324, %dma_start3A_329] : memref<2x512xi32, #tpu.memory_space<vmem>> -> memref<1x512xi32, #tpu.memory_space<vmem>>
    %dma_start3A_331 = tpu.memref_squeeze %dma_start3A_330 : memref<1x512xi32, #tpu.memory_space<vmem>> -> memref<512xi32, #tpu.memory_space<vmem>>
    %dma_start3A_332 = tpu.memref_slice %arg3[%mul3A_323] : memref<8192xi32, #tpu.memory_space<hbm>> -> memref<512xi32, #tpu.memory_space<hbm>>
    tpu.enqueue_dma source(%dma_start3A_332 : memref<512xi32, #tpu.memory_space<hbm>>) target(%dma_start3A_331 : memref<512xi32, #tpu.memory_space<vmem>>) target_semaphore(%arg9 : memref<!tpu.dma_semaphore, #tpu.memory_space<semaphore_mem>>)
    %dma_start3A_333 = arith.constant 0 : i32
    %dma_start3A_334 = arith.constant 0 : i32
    %dma_start3A_335 = tpu.memref_slice %arg7[%dma_start3A_333, %dma_start3A_334] : memref<2x512xf32, #tpu.memory_space<vmem>> -> memref<1x512xf32, #tpu.memory_space<vmem>>
    %dma_start3A_336 = tpu.memref_squeeze %dma_start3A_335 : memref<1x512xf32, #tpu.memory_space<vmem>> -> memref<512xf32, #tpu.memory_space<vmem>>
    %dma_start3A_337 = tpu.memref_slice %arg2[%mul3A_323] : memref<8192xf32, #tpu.memory_space<hbm>> -> memref<512xf32, #tpu.memory_space<hbm>>
    %dma_start3A_338 = arith.constant 0 : i32
    %dma_start3A_339 = tpu.memref_slice %arg7[%dma_start3A_333, %dma_start3A_338] : memref<2x512xf32, #tpu.memory_space<vmem>> -> memref<1x512xf32, #tpu.memory_space<vmem>>
    %dma_start3A_340 = tpu.memref_squeeze %dma_start3A_339 : memref<1x512xf32, #tpu.memory_space<vmem>> -> memref<512xf32, #tpu.memory_space<vmem>>
    %dma_start3A_341 = tpu.memref_slice %arg2[%mul3A_323] : memref<8192xf32, #tpu.memory_space<hbm>> -> memref<512xf32, #tpu.memory_space<hbm>>
    tpu.enqueue_dma source(%dma_start3A_341 : memref<512xf32, #tpu.memory_space<hbm>>) target(%dma_start3A_340 : memref<512xf32, #tpu.memory_space<vmem>>) target_semaphore(%arg9 : memref<!tpu.dma_semaphore, #tpu.memory_space<semaphore_mem>>)
    %broadcast_in_dim3A_342 = arith.constant 5 : i32
    %broadcast_in_dim3A_343 = vector.broadcast %broadcast_in_dim3A_342 : i32 to vector<16xi32>
    %scan3A_344 = arith.constant 0 : i32
    %scan3A_345 = arith.constant 0 : i32
    %scan3A_346 = arith.constant 32 : i32
    %scan3A_347 = arith.addi %scan3A_345, %scan3A_346 : i32
    %scan3A_348 = arith.constant 1 : i32
    scf.for %scan3A_441 = %scan3A_345 to %scan3A_347 step %scan3A_348  : i32 {
      %mul3A_442 = arith.constant 16 : i32
      %mul3A_443 = arith.muli %scan3A_441, %mul3A_442 : i32
      %get3A = arith.constant 1 : i32
      %get3A_444 = arith.index_cast %get3A : i32 to index
      %get3A_445 = arith.index_cast %mul3A_443 : i32 to index
      %get3A_446 = tpu.vector_load %arg6[%get3A_444, %get3A_445] {strides = array<i32>} : memref<2x512xi32, #tpu.memory_space<vmem>>, vector<16xi32>,
      %sub3A = vector.broadcast %mul3A_0 : i32 to vector<16xi32>
      %sub3A_447 = arith.subi %get3A_446, %sub3A : vector<16xi32>
      %ge3A = arith.constant 0 : i32
      %ge3A_448 = vector.broadcast %ge3A : i32 to vector<16xi32>
      %ge3A_449 = arith.cmpi sge, %sub3A_447, %ge3A_448 : vector<16xi32>
      %lt3A_450 = arith.constant 15744 : i32
      %lt3A_451 = vector.broadcast %lt3A_450 : i32 to vector<16xi32>
      %lt3A_452 = arith.cmpi slt, %sub3A_447, %lt3A_451 : vector<16xi32>
      %and3A = arith.andi %ge3A_449, %lt3A_452 : vector<16xi1>
      %jit3A = arith.constant 0 : i32
      %broadcast_in_dim3A_453 = vector.broadcast %jit3A : i32 to vector<16xi32>
      %select_n3A = arith.select %and3A, %sub3A_447, %broadcast_in_dim3A_453 : vector<16xi1>, vector<16xi32>
      %mul3A_454 = arith.constant 16 : i32
      %mul3A_455 = arith.muli %scan3A_441, %mul3A_454 : i32
      %get3A_456 = arith.constant 1 : i32
      %get3A_457 = arith.index_cast %get3A_456 : i32 to index
      %get3A_458 = arith.index_cast %mul3A_455 : i32 to index
      %get3A_459 = tpu.vector_load %arg7[%get3A_457, %get3A_458] {strides = array<i32>} : memref<2x512xf32, #tpu.memory_space<vmem>>, vector<16xf32>,
      %eq3A_460 = arith.constant 0 : i32
      %eq3A_461 = vector.broadcast %eq3A_460 : i32 to vector<16xi32>
      %eq3A_462 = arith.cmpi eq, %iota3A, %eq3A_461 : vector<16xi32>
      %and3A_463 = arith.andi %and3A, %eq3A_462 : vector<16xi1>
      tpu.vector_store_idx %arg8[%broadcast_in_dim3A_343, %select_n3A], %get3A_459 masked %and3A_463 {add = true} : memref<8x15744xf32, #tpu.memory_space<vmem>>[vector<16xi32>, vector<16xi32>], vector<16xf32>, vector<16xi1>
      %eq3A_464 = arith.constant 1 : i32
      %eq3A_465 = vector.broadcast %eq3A_464 : i32 to vector<16xi32>
      %eq3A_466 = arith.cmpi eq, %iota3A, %eq3A_465 : vector<16xi32>
      %and3A_467 = arith.andi %and3A, %eq3A_466 : vector<16xi1>
      tpu.vector_store_idx %arg8[%broadcast_in_dim3A_343, %select_n3A], %get3A_459 masked %and3A_467 {add = true} : memref<8x15744xf32, #tpu.memory_space<vmem>>[vector<16xi32>, vector<16xi32>], vector<16xf32>, vector<16xi1>
      %eq3A_468 = arith.constant 2 : i32
      %eq3A_469 = vector.broadcast %eq3A_468 : i32 to vector<16xi32>
      %eq3A_470 = arith.cmpi eq, %iota3A, %eq3A_469 : vector<16xi32>
      %and3A_471 = arith.andi %and3A, %eq3A_470 : vector<16xi1>
      tpu.vector_store_idx %arg8[%broadcast_in_dim3A_343, %select_n3A], %get3A_459 masked %and3A_471 {add = true} : memref<8x15744xf32, #tpu.memory_space<vmem>>[vector<16xi32>, vector<16xi32>], vector<16xf32>, vector<16xi1>
      %eq3A_472 = arith.constant 3 : i32
      %eq3A_473 = vector.broadcast %eq3A_472 : i32 to vector<16xi32>
      %eq3A_474 = arith.cmpi eq, %iota3A, %eq3A_473 : vector<16xi32>
      %and3A_475 = arith.andi %and3A, %eq3A_474 : vector<16xi1>
      tpu.vector_store_idx %arg8[%broadcast_in_dim3A_343, %select_n3A], %get3A_459 masked %and3A_475 {add = true} : memref<8x15744xf32, #tpu.memory_space<vmem>>[vector<16xi32>, vector<16xi32>], vector<16xf32>, vector<16xi1>
      %eq3A_476 = arith.constant 4 : i32
      %eq3A_477 = vector.broadcast %eq3A_476 : i32 to vector<16xi32>
      %eq3A_478 = arith.cmpi eq, %iota3A, %eq3A_477 : vector<16xi32>
      %and3A_479 = arith.andi %and3A, %eq3A_478 : vector<16xi1>
      tpu.vector_store_idx %arg8[%broadcast_in_dim3A_343, %select_n3A], %get3A_459 masked %and3A_479 {add = true} : memref<8x15744xf32, #tpu.memory_space<vmem>>[vector<16xi32>, vector<16xi32>], vector<16xf32>, vector<16xi1>
      %eq3A_480 = arith.constant 5 : i32
      %eq3A_481 = vector.broadcast %eq3A_480 : i32 to vector<16xi32>
      %eq3A_482 = arith.cmpi eq, %iota3A, %eq3A_481 : vector<16xi32>
      %and3A_483 = arith.andi %and3A, %eq3A_482 : vector<16xi1>
      tpu.vector_store_idx %arg8[%broadcast_in_dim3A_343, %select_n3A], %get3A_459 masked %and3A_483 {add = true} : memref<8x15744xf32, #tpu.memory_space<vmem>>[vector<16xi32>, vector<16xi32>], vector<16xf32>, vector<16xi1>
      %eq3A_484 = arith.constant 6 : i32
      %eq3A_485 = vector.broadcast %eq3A_484 : i32 to vector<16xi32>
      %eq3A_486 = arith.cmpi eq, %iota3A, %eq3A_485 : vector<16xi32>
      %and3A_487 = arith.andi %and3A, %eq3A_486 : vector<16xi1>
      tpu.vector_store_idx %arg8[%broadcast_in_dim3A_343, %select_n3A], %get3A_459 masked %and3A_487 {add = true} : memref<8x15744xf32, #tpu.memory_space<vmem>>[vector<16xi32>, vector<16xi32>], vector<16xf32>, vector<16xi1>
      %eq3A_488 = arith.constant 7 : i32
      %eq3A_489 = vector.broadcast %eq3A_488 : i32 to vector<16xi32>
      %eq3A_490 = arith.cmpi eq, %iota3A, %eq3A_489 : vector<16xi32>
      %and3A_491 = arith.andi %and3A, %eq3A_490 : vector<16xi1>
      tpu.vector_store_idx %arg8[%broadcast_in_dim3A_343, %select_n3A], %get3A_459 masked %and3A_491 {add = true} : memref<8x15744xf32, #tpu.memory_space<vmem>>[vector<16xi32>, vector<16xi32>], vector<16xf32>, vector<16xi1>
      %eq3A_492 = arith.constant 8 : i32
      %eq3A_493 = vector.broadcast %eq3A_492 : i32 to vector<16xi32>
      %eq3A_494 = arith.cmpi eq, %iota3A, %eq3A_493 : vector<16xi32>
      %and3A_495 = arith.andi %and3A, %eq3A_494 : vector<16xi1>
      tpu.vector_store_idx %arg8[%broadcast_in_dim3A_343, %select_n3A], %get3A_459 masked %and3A_495 {add = true} : memref<8x15744xf32, #tpu.memory_space<vmem>>[vector<16xi32>, vector<16xi32>], vector<16xf32>, vector<16xi1>
      %eq3A_496 = arith.constant 9 : i32
      %eq3A_497 = vector.broadcast %eq3A_496 : i32 to vector<16xi32>
      %eq3A_498 = arith.cmpi eq, %iota3A, %eq3A_497 : vector<16xi32>
      %and3A_499 = arith.andi %and3A, %eq3A_498 : vector<16xi1>
      tpu.vector_store_idx %arg8[%broadcast_in_dim3A_343, %select_n3A], %get3A_459 masked %and3A_499 {add = true} : memref<8x15744xf32, #tpu.memory_space<vmem>>[vector<16xi32>, vector<16xi32>], vector<16xf32>, vector<16xi1>
      %eq3A_500 = arith.constant 10 : i32
      %eq3A_501 = vector.broadcast %eq3A_500 : i32 to vector<16xi32>
      %eq3A_502 = arith.cmpi eq, %iota3A, %eq3A_501 : vector<16xi32>
      %and3A_503 = arith.andi %and3A, %eq3A_502 : vector<16xi1>
      tpu.vector_store_idx %arg8[%broadcast_in_dim3A_343, %select_n3A], %get3A_459 masked %and3A_503 {add = true} : memref<8x15744xf32, #tpu.memory_space<vmem>>[vector<16xi32>, vector<16xi32>], vector<16xf32>, vector<16xi1>
      %eq3A_504 = arith.constant 11 : i32
      %eq3A_505 = vector.broadcast %eq3A_504 : i32 to vector<16xi32>
      %eq3A_506 = arith.cmpi eq, %iota3A, %eq3A_505 : vector<16xi32>
      %and3A_507 = arith.andi %and3A, %eq3A_506 : vector<16xi1>
      tpu.vector_store_idx %arg8[%broadcast_in_dim3A_343, %select_n3A], %get3A_459 masked %and3A_507 {add = true} : memref<8x15744xf32, #tpu.memory_space<vmem>>[vector<16xi32>, vector<16xi32>], vector<16xf32>, vector<16xi1>
      %eq3A_508 = arith.constant 12 : i32
      %eq3A_509 = vector.broadcast %eq3A_508 : i32 to vector<16xi32>
      %eq3A_510 = arith.cmpi eq, %iota3A, %eq3A_509 : vector<16xi32>
      %and3A_511 = arith.andi %and3A, %eq3A_510 : vector<16xi1>
      tpu.vector_store_idx %arg8[%broadcast_in_dim3A_343, %select_n3A], %get3A_459 masked %and3A_511 {add = true} : memref<8x15744xf32, #tpu.memory_space<vmem>>[vector<16xi32>, vector<16xi32>], vector<16xf32>, vector<16xi1>
      %eq3A_512 = arith.constant 13 : i32
      %eq3A_513 = vector.broadcast %eq3A_512 : i32 to vector<16xi32>
      %eq3A_514 = arith.cmpi eq, %iota3A, %eq3A_513 : vector<16xi32>
      %and3A_515 = arith.andi %and3A, %eq3A_514 : vector<16xi1>
      tpu.vector_store_idx %arg8[%broadcast_in_dim3A_343, %select_n3A], %get3A_459 masked %and3A_515 {add = true} : memref<8x15744xf32, #tpu.memory_space<vmem>>[vector<16xi32>, vector<16xi32>], vector<16xf32>, vector<16xi1>
      %eq3A_516 = arith.constant 14 : i32
      %eq3A_517 = vector.broadcast %eq3A_516 : i32 to vector<16xi32>
      %eq3A_518 = arith.cmpi eq, %iota3A, %eq3A_517 : vector<16xi32>
      %and3A_519 = arith.andi %and3A, %eq3A_518 : vector<16xi1>
      tpu.vector_store_idx %arg8[%broadcast_in_dim3A_343, %select_n3A], %get3A_459 masked %and3A_519 {add = true} : memref<8x15744xf32, #tpu.memory_space<vmem>>[vector<16xi32>, vector<16xi32>], vector<16xf32>, vector<16xi1>
      %eq3A_520 = arith.constant 15 : i32
      %eq3A_521 = vector.broadcast %eq3A_520 : i32 to vector<16xi32>
      %eq3A_522 = arith.cmpi eq, %iota3A, %eq3A_521 : vector<16xi32>
      %and3A_523 = arith.andi %and3A, %eq3A_522 : vector<16xi1>
      tpu.vector_store_idx %arg8[%broadcast_in_dim3A_343, %select_n3A], %get3A_459 masked %and3A_523 {add = true} : memref<8x15744xf32, #tpu.memory_space<vmem>>[vector<16xi32>, vector<16xi32>], vector<16xf32>, vector<16xi1>
    }
    %scan3A_349 = arith.constant 32 : i32
    %mul3A_350 = arith.constant 512 : i32
    %mul3A_351 = arith.muli %multiple_of3A, %mul3A_350 : i32
    %dma_wait3A_352 = arith.constant 0 : i32
    %dma_wait3A_353 = arith.constant 0 : i32
    %dma_wait3A_354 = tpu.memref_slice %arg6[%dma_wait3A_352, %dma_wait3A_353] : memref<2x512xi32, #tpu.memory_space<vmem>> -> memref<1x512xi32, #tpu.memory_space<vmem>>
    %dma_wait3A_355 = tpu.memref_squeeze %dma_wait3A_354 : memref<1x512xi32, #tpu.memory_space<vmem>> -> memref<512xi32, #tpu.memory_space<vmem>>
    %dma_wait3A_356 = tpu.memref_slice %arg3[%mul3A_351] : memref<8192xi32, #tpu.memory_space<hbm>> -> memref<512xi32, #tpu.memory_space<hbm>>
    %dma_wait3A_357 = arith.constant 0 : i32
    %dma_wait3A_358 = tpu.memref_slice %arg6[%dma_wait3A_352, %dma_wait3A_357] : memref<2x512xi32, #tpu.memory_space<vmem>> -> memref<1x512xi32, #tpu.memory_space<vmem>>
    %dma_wait3A_359 = tpu.memref_squeeze %dma_wait3A_358 : memref<1x512xi32, #tpu.memory_space<vmem>> -> memref<512xi32, #tpu.memory_space<vmem>>
    %dma_wait3A_360 = tpu.memref_slice %arg3[%mul3A_351] : memref<8192xi32, #tpu.memory_space<hbm>> -> memref<512xi32, #tpu.memory_space<hbm>>
    tpu.wait_dma2 semaphore(%arg9 : memref<!tpu.dma_semaphore, #tpu.memory_space<semaphore_mem>>) src(%dma_wait3A_360 : memref<512xi32, #tpu.memory_space<hbm>>) dst(%dma_wait3A_359 : memref<512xi32, #tpu.memory_space<vmem>>)
    %mul3A_361 = arith.constant 512 : i32
    %mul3A_362 = arith.muli %multiple_of3A, %mul3A_361 : i32
    %dma_wait3A_363 = arith.constant 0 : i32
    %dma_wait3A_364 = arith.constant 0 : i32
    %dma_wait3A_365 = tpu.memref_slice %arg7[%dma_wait3A_363, %dma_wait3A_364] : memref<2x512xf32, #tpu.memory_space<vmem>> -> memref<1x512xf32, #tpu.memory_space<vmem>>
    %dma_wait3A_366 = tpu.memref_squeeze %dma_wait3A_365 : memref<1x512xf32, #tpu.memory_space<vmem>> -> memref<512xf32, #tpu.memory_space<vmem>>
    %dma_wait3A_367 = tpu.memref_slice %arg2[%mul3A_362] : memref<8192xf32, #tpu.memory_space<hbm>> -> memref<512xf32, #tpu.memory_space<hbm>>
    %dma_wait3A_368 = arith.constant 0 : i32
    %dma_wait3A_369 = tpu.memref_slice %arg7[%dma_wait3A_363, %dma_wait3A_368] : memref<2x512xf32, #tpu.memory_space<vmem>> -> memref<1x512xf32, #tpu.memory_space<vmem>>
    %dma_wait3A_370 = tpu.memref_squeeze %dma_wait3A_369 : memref<1x512xf32, #tpu.memory_space<vmem>> -> memref<512xf32, #tpu.memory_space<vmem>>
    %dma_wait3A_371 = tpu.memref_slice %arg2[%mul3A_362] : memref<8192xf32, #tpu.memory_space<hbm>> -> memref<512xf32, #tpu.memory_space<hbm>>
    tpu.wait_dma2 semaphore(%arg9 : memref<!tpu.dma_semaphore, #tpu.memory_space<semaphore_mem>>) src(%dma_wait3A_371 : memref<512xf32, #tpu.memory_space<hbm>>) dst(%dma_wait3A_370 : memref<512xf32, #tpu.memory_space<vmem>>)
    %add3A_372 = arith.constant 6 : i32
    %add3A_373 = arith.addi %multiple_of3A, %add3A_372 : i32
    %add3A_374 = arith.constant 1 : i32
    %add3A_375 = arith.addi %add3A_373, %add3A_374 : i32
    %mul3A_376 = arith.constant 512 : i32
    %mul3A_377 = arith.muli %add3A_375, %mul3A_376 : i32
    %dma_start3A_378 = arith.constant 1 : i32
    %dma_start3A_379 = arith.constant 0 : i32
    %dma_start3A_380 = tpu.memref_slice %arg6[%dma_start3A_378, %dma_start3A_379] : memref<2x512xi32, #tpu.memory_space<vmem>> -> memref<1x512xi32, #tpu.memory_space<vmem>>
    %dma_start3A_381 = tpu.memref_squeeze %dma_start3A_380 : memref<1x512xi32, #tpu.memory_space<vmem>> -> memref<512xi32, #tpu.memory_space<vmem>>
    %dma_start3A_382 = tpu.memref_slice %arg3[%mul3A_377] : memref<8192xi32, #tpu.memory_space<hbm>> -> memref<512xi32, #tpu.memory_space<hbm>>
    %dma_start3A_383 = arith.constant 0 : i32
    %dma_start3A_384 = tpu.memref_slice %arg6[%dma_start3A_378, %dma_start3A_383] : memref<2x512xi32, #tpu.memory_space<vmem>> -> memref<1x512xi32, #tpu.memory_space<vmem>>
    %dma_start3A_385 = tpu.memref_squeeze %dma_start3A_384 : memref<1x512xi32, #tpu.memory_space<vmem>> -> memref<512xi32, #tpu.memory_space<vmem>>
    %dma_start3A_386 = tpu.memref_slice %arg3[%mul3A_377] : memref<8192xi32, #tpu.memory_space<hbm>> -> memref<512xi32, #tpu.memory_space<hbm>>
    tpu.enqueue_dma source(%dma_start3A_386 : memref<512xi32, #tpu.memory_space<hbm>>) target(%dma_start3A_385 : memref<512xi32, #tpu.memory_space<vmem>>) target_semaphore(%arg9 : memref<!tpu.dma_semaphore, #tpu.memory_space<semaphore_mem>>)
    %dma_start3A_387 = arith.constant 1 : i32
    %dma_start3A_388 = arith.constant 0 : i32
    %dma_start3A_389 = tpu.memref_slice %arg7[%dma_start3A_387, %dma_start3A_388] : memref<2x512xf32, #tpu.memory_space<vmem>> -> memref<1x512xf32, #tpu.memory_space<vmem>>
    %dma_start3A_390 = tpu.memref_squeeze %dma_start3A_389 : memref<1x512xf32, #tpu.memory_space<vmem>> -> memref<512xf32, #tpu.memory_space<vmem>>
    %dma_start3A_391 = tpu.memref_slice %arg2[%mul3A_377] : memref<8192xf32, #tpu.memory_space<hbm>> -> memref<512xf32, #tpu.memory_space<hbm>>
    %dma_start3A_392 = arith.constant 0 : i32
    %dma_start3A_393 = tpu.memref_slice %arg7[%dma_start3A_387, %dma_start3A_392] : memref<2x512xf32, #tpu.memory_space<vmem>> -> memref<1x512xf32, #tpu.memory_space<vmem>>
    %dma_start3A_394 = tpu.memref_squeeze %dma_start3A_393 : memref<1x512xf32, #tpu.memory_space<vmem>> -> memref<512xf32, #tpu.memory_space<vmem>>
    %dma_start3A_395 = tpu.memref_slice %arg2[%mul3A_377] : memref<8192xf32, #tpu.memory_space<hbm>> -> memref<512xf32, #tpu.memory_space<hbm>>
    tpu.enqueue_dma source(%dma_start3A_395 : memref<512xf32, #tpu.memory_space<hbm>>) target(%dma_start3A_394 : memref<512xf32, #tpu.memory_space<vmem>>) target_semaphore(%arg9 : memref<!tpu.dma_semaphore, #tpu.memory_space<semaphore_mem>>)
    %broadcast_in_dim3A_396 = arith.constant 6 : i32
    %broadcast_in_dim3A_397 = vector.broadcast %broadcast_in_dim3A_396 : i32 to vector<16xi32>
    %scan3A_398 = arith.constant 0 : i32
    %scan3A_399 = arith.constant 0 : i32
    %scan3A_400 = arith.constant 32 : i32
    %scan3A_401 = arith.addi %scan3A_399, %scan3A_400 : i32
    %scan3A_402 = arith.constant 1 : i32
    scf.for %scan3A_441 = %scan3A_399 to %scan3A_401 step %scan3A_402  : i32 {
      %mul3A_442 = arith.constant 16 : i32
      %mul3A_443 = arith.muli %scan3A_441, %mul3A_442 : i32
      %get3A = arith.constant 0 : i32
      %get3A_444 = arith.index_cast %get3A : i32 to index
      %get3A_445 = arith.index_cast %mul3A_443 : i32 to index
      %get3A_446 = tpu.vector_load %arg6[%get3A_444, %get3A_445] {strides = array<i32>} : memref<2x512xi32, #tpu.memory_space<vmem>>, vector<16xi32>,
      %sub3A = vector.broadcast %mul3A_0 : i32 to vector<16xi32>
      %sub3A_447 = arith.subi %get3A_446, %sub3A : vector<16xi32>
      %ge3A = arith.constant 0 : i32
      %ge3A_448 = vector.broadcast %ge3A : i32 to vector<16xi32>
      %ge3A_449 = arith.cmpi sge, %sub3A_447, %ge3A_448 : vector<16xi32>
      %lt3A_450 = arith.constant 15744 : i32
      %lt3A_451 = vector.broadcast %lt3A_450 : i32 to vector<16xi32>
      %lt3A_452 = arith.cmpi slt, %sub3A_447, %lt3A_451 : vector<16xi32>
      %and3A = arith.andi %ge3A_449, %lt3A_452 : vector<16xi1>
      %jit3A = arith.constant 0 : i32
      %broadcast_in_dim3A_453 = vector.broadcast %jit3A : i32 to vector<16xi32>
      %select_n3A = arith.select %and3A, %sub3A_447, %broadcast_in_dim3A_453 : vector<16xi1>, vector<16xi32>
      %mul3A_454 = arith.constant 16 : i32
      %mul3A_455 = arith.muli %scan3A_441, %mul3A_454 : i32
      %get3A_456 = arith.constant 0 : i32
      %get3A_457 = arith.index_cast %get3A_456 : i32 to index
      %get3A_458 = arith.index_cast %mul3A_455 : i32 to index
      %get3A_459 = tpu.vector_load %arg7[%get3A_457, %get3A_458] {strides = array<i32>} : memref<2x512xf32, #tpu.memory_space<vmem>>, vector<16xf32>,
      %eq3A_460 = arith.constant 0 : i32
      %eq3A_461 = vector.broadcast %eq3A_460 : i32 to vector<16xi32>
      %eq3A_462 = arith.cmpi eq, %iota3A, %eq3A_461 : vector<16xi32>
      %and3A_463 = arith.andi %and3A, %eq3A_462 : vector<16xi1>
      tpu.vector_store_idx %arg8[%broadcast_in_dim3A_397, %select_n3A], %get3A_459 masked %and3A_463 {add = true} : memref<8x15744xf32, #tpu.memory_space<vmem>>[vector<16xi32>, vector<16xi32>], vector<16xf32>, vector<16xi1>
      %eq3A_464 = arith.constant 1 : i32
      %eq3A_465 = vector.broadcast %eq3A_464 : i32 to vector<16xi32>
      %eq3A_466 = arith.cmpi eq, %iota3A, %eq3A_465 : vector<16xi32>
      %and3A_467 = arith.andi %and3A, %eq3A_466 : vector<16xi1>
      tpu.vector_store_idx %arg8[%broadcast_in_dim3A_397, %select_n3A], %get3A_459 masked %and3A_467 {add = true} : memref<8x15744xf32, #tpu.memory_space<vmem>>[vector<16xi32>, vector<16xi32>], vector<16xf32>, vector<16xi1>
      %eq3A_468 = arith.constant 2 : i32
      %eq3A_469 = vector.broadcast %eq3A_468 : i32 to vector<16xi32>
      %eq3A_470 = arith.cmpi eq, %iota3A, %eq3A_469 : vector<16xi32>
      %and3A_471 = arith.andi %and3A, %eq3A_470 : vector<16xi1>
      tpu.vector_store_idx %arg8[%broadcast_in_dim3A_397, %select_n3A], %get3A_459 masked %and3A_471 {add = true} : memref<8x15744xf32, #tpu.memory_space<vmem>>[vector<16xi32>, vector<16xi32>], vector<16xf32>, vector<16xi1>
      %eq3A_472 = arith.constant 3 : i32
      %eq3A_473 = vector.broadcast %eq3A_472 : i32 to vector<16xi32>
      %eq3A_474 = arith.cmpi eq, %iota3A, %eq3A_473 : vector<16xi32>
      %and3A_475 = arith.andi %and3A, %eq3A_474 : vector<16xi1>
      tpu.vector_store_idx %arg8[%broadcast_in_dim3A_397, %select_n3A], %get3A_459 masked %and3A_475 {add = true} : memref<8x15744xf32, #tpu.memory_space<vmem>>[vector<16xi32>, vector<16xi32>], vector<16xf32>, vector<16xi1>
      %eq3A_476 = arith.constant 4 : i32
      %eq3A_477 = vector.broadcast %eq3A_476 : i32 to vector<16xi32>
      %eq3A_478 = arith.cmpi eq, %iota3A, %eq3A_477 : vector<16xi32>
      %and3A_479 = arith.andi %and3A, %eq3A_478 : vector<16xi1>
      tpu.vector_store_idx %arg8[%broadcast_in_dim3A_397, %select_n3A], %get3A_459 masked %and3A_479 {add = true} : memref<8x15744xf32, #tpu.memory_space<vmem>>[vector<16xi32>, vector<16xi32>], vector<16xf32>, vector<16xi1>
      %eq3A_480 = arith.constant 5 : i32
      %eq3A_481 = vector.broadcast %eq3A_480 : i32 to vector<16xi32>
      %eq3A_482 = arith.cmpi eq, %iota3A, %eq3A_481 : vector<16xi32>
      %and3A_483 = arith.andi %and3A, %eq3A_482 : vector<16xi1>
      tpu.vector_store_idx %arg8[%broadcast_in_dim3A_397, %select_n3A], %get3A_459 masked %and3A_483 {add = true} : memref<8x15744xf32, #tpu.memory_space<vmem>>[vector<16xi32>, vector<16xi32>], vector<16xf32>, vector<16xi1>
      %eq3A_484 = arith.constant 6 : i32
      %eq3A_485 = vector.broadcast %eq3A_484 : i32 to vector<16xi32>
      %eq3A_486 = arith.cmpi eq, %iota3A, %eq3A_485 : vector<16xi32>
      %and3A_487 = arith.andi %and3A, %eq3A_486 : vector<16xi1>
      tpu.vector_store_idx %arg8[%broadcast_in_dim3A_397, %select_n3A], %get3A_459 masked %and3A_487 {add = true} : memref<8x15744xf32, #tpu.memory_space<vmem>>[vector<16xi32>, vector<16xi32>], vector<16xf32>, vector<16xi1>
      %eq3A_488 = arith.constant 7 : i32
      %eq3A_489 = vector.broadcast %eq3A_488 : i32 to vector<16xi32>
      %eq3A_490 = arith.cmpi eq, %iota3A, %eq3A_489 : vector<16xi32>
      %and3A_491 = arith.andi %and3A, %eq3A_490 : vector<16xi1>
      tpu.vector_store_idx %arg8[%broadcast_in_dim3A_397, %select_n3A], %get3A_459 masked %and3A_491 {add = true} : memref<8x15744xf32, #tpu.memory_space<vmem>>[vector<16xi32>, vector<16xi32>], vector<16xf32>, vector<16xi1>
      %eq3A_492 = arith.constant 8 : i32
      %eq3A_493 = vector.broadcast %eq3A_492 : i32 to vector<16xi32>
      %eq3A_494 = arith.cmpi eq, %iota3A, %eq3A_493 : vector<16xi32>
      %and3A_495 = arith.andi %and3A, %eq3A_494 : vector<16xi1>
      tpu.vector_store_idx %arg8[%broadcast_in_dim3A_397, %select_n3A], %get3A_459 masked %and3A_495 {add = true} : memref<8x15744xf32, #tpu.memory_space<vmem>>[vector<16xi32>, vector<16xi32>], vector<16xf32>, vector<16xi1>
      %eq3A_496 = arith.constant 9 : i32
      %eq3A_497 = vector.broadcast %eq3A_496 : i32 to vector<16xi32>
      %eq3A_498 = arith.cmpi eq, %iota3A, %eq3A_497 : vector<16xi32>
      %and3A_499 = arith.andi %and3A, %eq3A_498 : vector<16xi1>
      tpu.vector_store_idx %arg8[%broadcast_in_dim3A_397, %select_n3A], %get3A_459 masked %and3A_499 {add = true} : memref<8x15744xf32, #tpu.memory_space<vmem>>[vector<16xi32>, vector<16xi32>], vector<16xf32>, vector<16xi1>
      %eq3A_500 = arith.constant 10 : i32
      %eq3A_501 = vector.broadcast %eq3A_500 : i32 to vector<16xi32>
      %eq3A_502 = arith.cmpi eq, %iota3A, %eq3A_501 : vector<16xi32>
      %and3A_503 = arith.andi %and3A, %eq3A_502 : vector<16xi1>
      tpu.vector_store_idx %arg8[%broadcast_in_dim3A_397, %select_n3A], %get3A_459 masked %and3A_503 {add = true} : memref<8x15744xf32, #tpu.memory_space<vmem>>[vector<16xi32>, vector<16xi32>], vector<16xf32>, vector<16xi1>
      %eq3A_504 = arith.constant 11 : i32
      %eq3A_505 = vector.broadcast %eq3A_504 : i32 to vector<16xi32>
      %eq3A_506 = arith.cmpi eq, %iota3A, %eq3A_505 : vector<16xi32>
      %and3A_507 = arith.andi %and3A, %eq3A_506 : vector<16xi1>
      tpu.vector_store_idx %arg8[%broadcast_in_dim3A_397, %select_n3A], %get3A_459 masked %and3A_507 {add = true} : memref<8x15744xf32, #tpu.memory_space<vmem>>[vector<16xi32>, vector<16xi32>], vector<16xf32>, vector<16xi1>
      %eq3A_508 = arith.constant 12 : i32
      %eq3A_509 = vector.broadcast %eq3A_508 : i32 to vector<16xi32>
      %eq3A_510 = arith.cmpi eq, %iota3A, %eq3A_509 : vector<16xi32>
      %and3A_511 = arith.andi %and3A, %eq3A_510 : vector<16xi1>
      tpu.vector_store_idx %arg8[%broadcast_in_dim3A_397, %select_n3A], %get3A_459 masked %and3A_511 {add = true} : memref<8x15744xf32, #tpu.memory_space<vmem>>[vector<16xi32>, vector<16xi32>], vector<16xf32>, vector<16xi1>
      %eq3A_512 = arith.constant 13 : i32
      %eq3A_513 = vector.broadcast %eq3A_512 : i32 to vector<16xi32>
      %eq3A_514 = arith.cmpi eq, %iota3A, %eq3A_513 : vector<16xi32>
      %and3A_515 = arith.andi %and3A, %eq3A_514 : vector<16xi1>
      tpu.vector_store_idx %arg8[%broadcast_in_dim3A_397, %select_n3A], %get3A_459 masked %and3A_515 {add = true} : memref<8x15744xf32, #tpu.memory_space<vmem>>[vector<16xi32>, vector<16xi32>], vector<16xf32>, vector<16xi1>
      %eq3A_516 = arith.constant 14 : i32
      %eq3A_517 = vector.broadcast %eq3A_516 : i32 to vector<16xi32>
      %eq3A_518 = arith.cmpi eq, %iota3A, %eq3A_517 : vector<16xi32>
      %and3A_519 = arith.andi %and3A, %eq3A_518 : vector<16xi1>
      tpu.vector_store_idx %arg8[%broadcast_in_dim3A_397, %select_n3A], %get3A_459 masked %and3A_519 {add = true} : memref<8x15744xf32, #tpu.memory_space<vmem>>[vector<16xi32>, vector<16xi32>], vector<16xf32>, vector<16xi1>
      %eq3A_520 = arith.constant 15 : i32
      %eq3A_521 = vector.broadcast %eq3A_520 : i32 to vector<16xi32>
      %eq3A_522 = arith.cmpi eq, %iota3A, %eq3A_521 : vector<16xi32>
      %and3A_523 = arith.andi %and3A, %eq3A_522 : vector<16xi1>
      tpu.vector_store_idx %arg8[%broadcast_in_dim3A_397, %select_n3A], %get3A_459 masked %and3A_523 {add = true} : memref<8x15744xf32, #tpu.memory_space<vmem>>[vector<16xi32>, vector<16xi32>], vector<16xf32>, vector<16xi1>
    }
    %scan3A_403 = arith.constant 32 : i32
    %mul3A_404 = arith.constant 512 : i32
    %mul3A_405 = arith.muli %multiple_of3A, %mul3A_404 : i32
    %dma_wait3A_406 = arith.constant 1 : i32
    %dma_wait3A_407 = arith.constant 0 : i32
    %dma_wait3A_408 = tpu.memref_slice %arg6[%dma_wait3A_406, %dma_wait3A_407] : memref<2x512xi32, #tpu.memory_space<vmem>> -> memref<1x512xi32, #tpu.memory_space<vmem>>
    %dma_wait3A_409 = tpu.memref_squeeze %dma_wait3A_408 : memref<1x512xi32, #tpu.memory_space<vmem>> -> memref<512xi32, #tpu.memory_space<vmem>>
    %dma_wait3A_410 = tpu.memref_slice %arg3[%mul3A_405] : memref<8192xi32, #tpu.memory_space<hbm>> -> memref<512xi32, #tpu.memory_space<hbm>>
    %dma_wait3A_411 = arith.constant 0 : i32
    %dma_wait3A_412 = tpu.memref_slice %arg6[%dma_wait3A_406, %dma_wait3A_411] : memref<2x512xi32, #tpu.memory_space<vmem>> -> memref<1x512xi32, #tpu.memory_space<vmem>>
    %dma_wait3A_413 = tpu.memref_squeeze %dma_wait3A_412 : memref<1x512xi32, #tpu.memory_space<vmem>> -> memref<512xi32, #tpu.memory_space<vmem>>
    %dma_wait3A_414 = tpu.memref_slice %arg3[%mul3A_405] : memref<8192xi32, #tpu.memory_space<hbm>> -> memref<512xi32, #tpu.memory_space<hbm>>
    tpu.wait_dma2 semaphore(%arg9 : memref<!tpu.dma_semaphore, #tpu.memory_space<semaphore_mem>>) src(%dma_wait3A_414 : memref<512xi32, #tpu.memory_space<hbm>>) dst(%dma_wait3A_413 : memref<512xi32, #tpu.memory_space<vmem>>)
    %mul3A_415 = arith.constant 512 : i32
    %mul3A_416 = arith.muli %multiple_of3A, %mul3A_415 : i32
    %dma_wait3A_417 = arith.constant 1 : i32
    %dma_wait3A_418 = arith.constant 0 : i32
    %dma_wait3A_419 = tpu.memref_slice %arg7[%dma_wait3A_417, %dma_wait3A_418] : memref<2x512xf32, #tpu.memory_space<vmem>> -> memref<1x512xf32, #tpu.memory_space<vmem>>
    %dma_wait3A_420 = tpu.memref_squeeze %dma_wait3A_419 : memref<1x512xf32, #tpu.memory_space<vmem>> -> memref<512xf32, #tpu.memory_space<vmem>>
    %dma_wait3A_421 = tpu.memref_slice %arg2[%mul3A_416] : memref<8192xf32, #tpu.memory_space<hbm>> -> memref<512xf32, #tpu.memory_space<hbm>>
    %dma_wait3A_422 = arith.constant 0 : i32
    %dma_wait3A_423 = tpu.memref_slice %arg7[%dma_wait3A_417, %dma_wait3A_422] : memref<2x512xf32, #tpu.memory_space<vmem>> -> memref<1x512xf32, #tpu.memory_space<vmem>>
    %dma_wait3A_424 = tpu.memref_squeeze %dma_wait3A_423 : memref<1x512xf32, #tpu.memory_space<vmem>> -> memref<512xf32, #tpu.memory_space<vmem>>
    %dma_wait3A_425 = tpu.memref_slice %arg2[%mul3A_416] : memref<8192xf32, #tpu.memory_space<hbm>> -> memref<512xf32, #tpu.memory_space<hbm>>
    tpu.wait_dma2 semaphore(%arg9 : memref<!tpu.dma_semaphore, #tpu.memory_space<semaphore_mem>>) src(%dma_wait3A_425 : memref<512xf32, #tpu.memory_space<hbm>>) dst(%dma_wait3A_424 : memref<512xf32, #tpu.memory_space<vmem>>)
    %broadcast_in_dim3A_426 = arith.constant 7 : i32
    %broadcast_in_dim3A_427 = vector.broadcast %broadcast_in_dim3A_426 : i32 to vector<16xi32>
    %scan3A_428 = arith.constant 0 : i32
    %scan3A_429 = arith.constant 0 : i32
    %scan3A_430 = arith.constant 32 : i32
    %scan3A_431 = arith.addi %scan3A_429, %scan3A_430 : i32
    %scan3A_432 = arith.constant 1 : i32
    scf.for %scan3A_441 = %scan3A_429 to %scan3A_431 step %scan3A_432  : i32 {
      %mul3A_442 = arith.constant 16 : i32
      %mul3A_443 = arith.muli %scan3A_441, %mul3A_442 : i32
      %get3A = arith.constant 1 : i32
      %get3A_444 = arith.index_cast %get3A : i32 to index
      %get3A_445 = arith.index_cast %mul3A_443 : i32 to index
      %get3A_446 = tpu.vector_load %arg6[%get3A_444, %get3A_445] {strides = array<i32>} : memref<2x512xi32, #tpu.memory_space<vmem>>, vector<16xi32>,
      %sub3A = vector.broadcast %mul3A_0 : i32 to vector<16xi32>
      %sub3A_447 = arith.subi %get3A_446, %sub3A : vector<16xi32>
      %ge3A = arith.constant 0 : i32
      %ge3A_448 = vector.broadcast %ge3A : i32 to vector<16xi32>
      %ge3A_449 = arith.cmpi sge, %sub3A_447, %ge3A_448 : vector<16xi32>
      %lt3A_450 = arith.constant 15744 : i32
      %lt3A_451 = vector.broadcast %lt3A_450 : i32 to vector<16xi32>
      %lt3A_452 = arith.cmpi slt, %sub3A_447, %lt3A_451 : vector<16xi32>
      %and3A = arith.andi %ge3A_449, %lt3A_452 : vector<16xi1>
      %jit3A = arith.constant 0 : i32
      %broadcast_in_dim3A_453 = vector.broadcast %jit3A : i32 to vector<16xi32>
      %select_n3A = arith.select %and3A, %sub3A_447, %broadcast_in_dim3A_453 : vector<16xi1>, vector<16xi32>
      %mul3A_454 = arith.constant 16 : i32
      %mul3A_455 = arith.muli %scan3A_441, %mul3A_454 : i32
      %get3A_456 = arith.constant 1 : i32
      %get3A_457 = arith.index_cast %get3A_456 : i32 to index
      %get3A_458 = arith.index_cast %mul3A_455 : i32 to index
      %get3A_459 = tpu.vector_load %arg7[%get3A_457, %get3A_458] {strides = array<i32>} : memref<2x512xf32, #tpu.memory_space<vmem>>, vector<16xf32>,
      %eq3A_460 = arith.constant 0 : i32
      %eq3A_461 = vector.broadcast %eq3A_460 : i32 to vector<16xi32>
      %eq3A_462 = arith.cmpi eq, %iota3A, %eq3A_461 : vector<16xi32>
      %and3A_463 = arith.andi %and3A, %eq3A_462 : vector<16xi1>
      tpu.vector_store_idx %arg8[%broadcast_in_dim3A_427, %select_n3A], %get3A_459 masked %and3A_463 {add = true} : memref<8x15744xf32, #tpu.memory_space<vmem>>[vector<16xi32>, vector<16xi32>], vector<16xf32>, vector<16xi1>
      %eq3A_464 = arith.constant 1 : i32
      %eq3A_465 = vector.broadcast %eq3A_464 : i32 to vector<16xi32>
      %eq3A_466 = arith.cmpi eq, %iota3A, %eq3A_465 : vector<16xi32>
      %and3A_467 = arith.andi %and3A, %eq3A_466 : vector<16xi1>
      tpu.vector_store_idx %arg8[%broadcast_in_dim3A_427, %select_n3A], %get3A_459 masked %and3A_467 {add = true} : memref<8x15744xf32, #tpu.memory_space<vmem>>[vector<16xi32>, vector<16xi32>], vector<16xf32>, vector<16xi1>
      %eq3A_468 = arith.constant 2 : i32
      %eq3A_469 = vector.broadcast %eq3A_468 : i32 to vector<16xi32>
      %eq3A_470 = arith.cmpi eq, %iota3A, %eq3A_469 : vector<16xi32>
      %and3A_471 = arith.andi %and3A, %eq3A_470 : vector<16xi1>
      tpu.vector_store_idx %arg8[%broadcast_in_dim3A_427, %select_n3A], %get3A_459 masked %and3A_471 {add = true} : memref<8x15744xf32, #tpu.memory_space<vmem>>[vector<16xi32>, vector<16xi32>], vector<16xf32>, vector<16xi1>
      %eq3A_472 = arith.constant 3 : i32
      %eq3A_473 = vector.broadcast %eq3A_472 : i32 to vector<16xi32>
      %eq3A_474 = arith.cmpi eq, %iota3A, %eq3A_473 : vector<16xi32>
      %and3A_475 = arith.andi %and3A, %eq3A_474 : vector<16xi1>
      tpu.vector_store_idx %arg8[%broadcast_in_dim3A_427, %select_n3A], %get3A_459 masked %and3A_475 {add = true} : memref<8x15744xf32, #tpu.memory_space<vmem>>[vector<16xi32>, vector<16xi32>], vector<16xf32>, vector<16xi1>
      %eq3A_476 = arith.constant 4 : i32
      %eq3A_477 = vector.broadcast %eq3A_476 : i32 to vector<16xi32>
      %eq3A_478 = arith.cmpi eq, %iota3A, %eq3A_477 : vector<16xi32>
      %and3A_479 = arith.andi %and3A, %eq3A_478 : vector<16xi1>
      tpu.vector_store_idx %arg8[%broadcast_in_dim3A_427, %select_n3A], %get3A_459 masked %and3A_479 {add = true} : memref<8x15744xf32, #tpu.memory_space<vmem>>[vector<16xi32>, vector<16xi32>], vector<16xf32>, vector<16xi1>
      %eq3A_480 = arith.constant 5 : i32
      %eq3A_481 = vector.broadcast %eq3A_480 : i32 to vector<16xi32>
      %eq3A_482 = arith.cmpi eq, %iota3A, %eq3A_481 : vector<16xi32>
      %and3A_483 = arith.andi %and3A, %eq3A_482 : vector<16xi1>
      tpu.vector_store_idx %arg8[%broadcast_in_dim3A_427, %select_n3A], %get3A_459 masked %and3A_483 {add = true} : memref<8x15744xf32, #tpu.memory_space<vmem>>[vector<16xi32>, vector<16xi32>], vector<16xf32>, vector<16xi1>
      %eq3A_484 = arith.constant 6 : i32
      %eq3A_485 = vector.broadcast %eq3A_484 : i32 to vector<16xi32>
      %eq3A_486 = arith.cmpi eq, %iota3A, %eq3A_485 : vector<16xi32>
      %and3A_487 = arith.andi %and3A, %eq3A_486 : vector<16xi1>
      tpu.vector_store_idx %arg8[%broadcast_in_dim3A_427, %select_n3A], %get3A_459 masked %and3A_487 {add = true} : memref<8x15744xf32, #tpu.memory_space<vmem>>[vector<16xi32>, vector<16xi32>], vector<16xf32>, vector<16xi1>
      %eq3A_488 = arith.constant 7 : i32
      %eq3A_489 = vector.broadcast %eq3A_488 : i32 to vector<16xi32>
      %eq3A_490 = arith.cmpi eq, %iota3A, %eq3A_489 : vector<16xi32>
      %and3A_491 = arith.andi %and3A, %eq3A_490 : vector<16xi1>
      tpu.vector_store_idx %arg8[%broadcast_in_dim3A_427, %select_n3A], %get3A_459 masked %and3A_491 {add = true} : memref<8x15744xf32, #tpu.memory_space<vmem>>[vector<16xi32>, vector<16xi32>], vector<16xf32>, vector<16xi1>
      %eq3A_492 = arith.constant 8 : i32
      %eq3A_493 = vector.broadcast %eq3A_492 : i32 to vector<16xi32>
      %eq3A_494 = arith.cmpi eq, %iota3A, %eq3A_493 : vector<16xi32>
      %and3A_495 = arith.andi %and3A, %eq3A_494 : vector<16xi1>
      tpu.vector_store_idx %arg8[%broadcast_in_dim3A_427, %select_n3A], %get3A_459 masked %and3A_495 {add = true} : memref<8x15744xf32, #tpu.memory_space<vmem>>[vector<16xi32>, vector<16xi32>], vector<16xf32>, vector<16xi1>
      %eq3A_496 = arith.constant 9 : i32
      %eq3A_497 = vector.broadcast %eq3A_496 : i32 to vector<16xi32>
      %eq3A_498 = arith.cmpi eq, %iota3A, %eq3A_497 : vector<16xi32>
      %and3A_499 = arith.andi %and3A, %eq3A_498 : vector<16xi1>
      tpu.vector_store_idx %arg8[%broadcast_in_dim3A_427, %select_n3A], %get3A_459 masked %and3A_499 {add = true} : memref<8x15744xf32, #tpu.memory_space<vmem>>[vector<16xi32>, vector<16xi32>], vector<16xf32>, vector<16xi1>
      %eq3A_500 = arith.constant 10 : i32
      %eq3A_501 = vector.broadcast %eq3A_500 : i32 to vector<16xi32>
      %eq3A_502 = arith.cmpi eq, %iota3A, %eq3A_501 : vector<16xi32>
      %and3A_503 = arith.andi %and3A, %eq3A_502 : vector<16xi1>
      tpu.vector_store_idx %arg8[%broadcast_in_dim3A_427, %select_n3A], %get3A_459 masked %and3A_503 {add = true} : memref<8x15744xf32, #tpu.memory_space<vmem>>[vector<16xi32>, vector<16xi32>], vector<16xf32>, vector<16xi1>
      %eq3A_504 = arith.constant 11 : i32
      %eq3A_505 = vector.broadcast %eq3A_504 : i32 to vector<16xi32>
      %eq3A_506 = arith.cmpi eq, %iota3A, %eq3A_505 : vector<16xi32>
      %and3A_507 = arith.andi %and3A, %eq3A_506 : vector<16xi1>
      tpu.vector_store_idx %arg8[%broadcast_in_dim3A_427, %select_n3A], %get3A_459 masked %and3A_507 {add = true} : memref<8x15744xf32, #tpu.memory_space<vmem>>[vector<16xi32>, vector<16xi32>], vector<16xf32>, vector<16xi1>
      %eq3A_508 = arith.constant 12 : i32
      %eq3A_509 = vector.broadcast %eq3A_508 : i32 to vector<16xi32>
      %eq3A_510 = arith.cmpi eq, %iota3A, %eq3A_509 : vector<16xi32>
      %and3A_511 = arith.andi %and3A, %eq3A_510 : vector<16xi1>
      tpu.vector_store_idx %arg8[%broadcast_in_dim3A_427, %select_n3A], %get3A_459 masked %and3A_511 {add = true} : memref<8x15744xf32, #tpu.memory_space<vmem>>[vector<16xi32>, vector<16xi32>], vector<16xf32>, vector<16xi1>
      %eq3A_512 = arith.constant 13 : i32
      %eq3A_513 = vector.broadcast %eq3A_512 : i32 to vector<16xi32>
      %eq3A_514 = arith.cmpi eq, %iota3A, %eq3A_513 : vector<16xi32>
      %and3A_515 = arith.andi %and3A, %eq3A_514 : vector<16xi1>
      tpu.vector_store_idx %arg8[%broadcast_in_dim3A_427, %select_n3A], %get3A_459 masked %and3A_515 {add = true} : memref<8x15744xf32, #tpu.memory_space<vmem>>[vector<16xi32>, vector<16xi32>], vector<16xf32>, vector<16xi1>
      %eq3A_516 = arith.constant 14 : i32
      %eq3A_517 = vector.broadcast %eq3A_516 : i32 to vector<16xi32>
      %eq3A_518 = arith.cmpi eq, %iota3A, %eq3A_517 : vector<16xi32>
      %and3A_519 = arith.andi %and3A, %eq3A_518 : vector<16xi1>
      tpu.vector_store_idx %arg8[%broadcast_in_dim3A_427, %select_n3A], %get3A_459 masked %and3A_519 {add = true} : memref<8x15744xf32, #tpu.memory_space<vmem>>[vector<16xi32>, vector<16xi32>], vector<16xf32>, vector<16xi1>
      %eq3A_520 = arith.constant 15 : i32
      %eq3A_521 = vector.broadcast %eq3A_520 : i32 to vector<16xi32>
      %eq3A_522 = arith.cmpi eq, %iota3A, %eq3A_521 : vector<16xi32>
      %and3A_523 = arith.andi %and3A, %eq3A_522 : vector<16xi1>
      tpu.vector_store_idx %arg8[%broadcast_in_dim3A_427, %select_n3A], %get3A_459 masked %and3A_523 {add = true} : memref<8x15744xf32, #tpu.memory_space<vmem>>[vector<16xi32>, vector<16xi32>], vector<16xf32>, vector<16xi1>
    }
    %scan3A_433 = arith.constant 32 : i32
    %multiple_of3A_434 = tpu.assume_multiple %mul3A_0, 128 : i32
    %lt3A = arith.constant 15 : i32
    %lt3A_435 = arith.cmpi slt, %arg1, %lt3A : i32
    %convert_element_type3A = arith.extui %lt3A_435 : i1 to i32
    %cond3A = arith.constant 0 : i32
    %cond3A_436 = arith.cmpi ne, %convert_element_type3A, %cond3A : i32
    scf.if %cond3A_436 {
      "tpu.region"() ({
        %run_scoped3A = tpu.sem_alloc : memref<!tpu.dma_semaphore, #tpu.memory_space<semaphore_mem>>
        %dma_start3A_441 = tpu.memref_slice %arg4[%multiple_of3A, %multiple_of3A_434] : memref<16x250002xf32, #tpu.memory_space<hbm>> -> memref<8x15744xf32, #tpu.memory_space<hbm>>
        %dma_start3A_442 = tpu.memref_slice %arg4[%multiple_of3A, %multiple_of3A_434] : memref<16x250002xf32, #tpu.memory_space<hbm>> -> memref<8x15744xf32, #tpu.memory_space<hbm>>
        tpu.enqueue_dma source(%arg8 : memref<8x15744xf32, #tpu.memory_space<vmem>>) target(%dma_start3A_442 : memref<8x15744xf32, #tpu.memory_space<hbm>>) target_semaphore(%run_scoped3A : memref<!tpu.dma_semaphore, #tpu.memory_space<semaphore_mem>>)
        %dma_wait3A_443 = tpu.memref_slice %arg4[%multiple_of3A, %multiple_of3A_434] : memref<16x250002xf32, #tpu.memory_space<hbm>> -> memref<8x15744xf32, #tpu.memory_space<hbm>>
        %dma_wait3A_444 = tpu.memref_slice %arg4[%multiple_of3A, %multiple_of3A_434] : memref<16x250002xf32, #tpu.memory_space<hbm>> -> memref<8x15744xf32, #tpu.memory_space<hbm>>
        tpu.wait_dma2 semaphore(%run_scoped3A : memref<!tpu.dma_semaphore, #tpu.memory_space<semaphore_mem>>) src(%arg8 : memref<8x15744xf32, #tpu.memory_space<vmem>>) dst(%dma_wait3A_444 : memref<8x15744xf32, #tpu.memory_space<hbm>>)
        tpu.yield
      }) : () -> ()
    } else {
    }
    %eq3A = arith.constant 15 : i32
    %eq3A_437 = arith.cmpi eq, %arg1, %eq3A : i32
    %convert_element_type3A_438 = arith.extui %eq3A_437 : i1 to i32
    %cond3A_439 = arith.constant 0 : i32
    %cond3A_440 = arith.cmpi ne, %convert_element_type3A_438, %cond3A_439 : i32
    scf.if %cond3A_440 {
      %dma_start3A_441 = arith.constant 0 : i32
      %dma_start3A_442 = arith.constant 0 : i32
      %dma_start3A_443 = tpu.memref_slice %arg8[%dma_start3A_441, %dma_start3A_442] : memref<8x15744xf32, #tpu.memory_space<vmem>> -> memref<8x13824xf32, #tpu.memory_space<vmem>>
      %dma_start3A_444 = tpu.memref_slice %arg4[%multiple_of3A, %multiple_of3A_434] : memref<16x250002xf32, #tpu.memory_space<hbm>> -> memref<8x13824xf32, #tpu.memory_space<hbm>>
      %dma_start3A_445 = tpu.memref_slice %arg4[%multiple_of3A, %multiple_of3A_434] : memref<16x250002xf32, #tpu.memory_space<hbm>> -> memref<8x13824xf32, #tpu.memory_space<hbm>>
      %dma_start3A_446 = arith.constant 0 : i32
      %dma_start3A_447 = arith.constant 0 : i32
      %dma_start3A_448 = tpu.memref_slice %arg8[%dma_start3A_446, %dma_start3A_447] : memref<8x15744xf32, #tpu.memory_space<vmem>> -> memref<8x13824xf32, #tpu.memory_space<vmem>>
      tpu.enqueue_dma source(%dma_start3A_448 : memref<8x13824xf32, #tpu.memory_space<vmem>>) target(%dma_start3A_445 : memref<8x13824xf32, #tpu.memory_space<hbm>>) target_semaphore(%arg10 : memref<!tpu.dma_semaphore, #tpu.memory_space<semaphore_mem>>)
      %dma_start3A_449 = arith.constant 0 : i32
      %dma_start3A_450 = arith.constant 13824 : i32
      %dma_start3A_451 = tpu.memref_slice %arg8[%dma_start3A_449, %dma_start3A_450] : memref<8x15744xf32, #tpu.memory_space<vmem>> -> memref<8x128xf32, #tpu.memory_space<vmem>>
      %dma_start3A_452 = arith.constant 0 : i32
      %dma_start3A_453 = tpu.memref_slice %arg5[%multiple_of3A, %dma_start3A_452] : memref<16x128xf32, #tpu.memory_space<hbm>> -> memref<8x128xf32, #tpu.memory_space<hbm>>
      %dma_start3A_454 = arith.constant 0 : i32
      %dma_start3A_455 = tpu.memref_slice %arg5[%multiple_of3A, %dma_start3A_454] : memref<16x128xf32, #tpu.memory_space<hbm>> -> memref<8x128xf32, #tpu.memory_space<hbm>>
      %dma_start3A_456 = arith.constant 0 : i32
      %dma_start3A_457 = arith.constant 13824 : i32
      %dma_start3A_458 = tpu.memref_slice %arg8[%dma_start3A_456, %dma_start3A_457] : memref<8x15744xf32, #tpu.memory_space<vmem>> -> memref<8x128xf32, #tpu.memory_space<vmem>>
      tpu.enqueue_dma source(%dma_start3A_458 : memref<8x128xf32, #tpu.memory_space<vmem>>) target(%dma_start3A_455 : memref<8x128xf32, #tpu.memory_space<hbm>>) target_semaphore(%arg10 : memref<!tpu.dma_semaphore, #tpu.memory_space<semaphore_mem>>)
      %dma_wait3A_459 = arith.constant 0 : i32
      %dma_wait3A_460 = arith.constant 0 : i32
      %dma_wait3A_461 = tpu.memref_slice %arg8[%dma_wait3A_459, %dma_wait3A_460] : memref<8x15744xf32, #tpu.memory_space<vmem>> -> memref<8x13824xf32, #tpu.memory_space<vmem>>
      %dma_wait3A_462 = tpu.memref_slice %arg4[%multiple_of3A, %multiple_of3A_434] : memref<16x250002xf32, #tpu.memory_space<hbm>> -> memref<8x13824xf32, #tpu.memory_space<hbm>>
      %dma_wait3A_463 = tpu.memref_slice %arg4[%multiple_of3A, %multiple_of3A_434] : memref<16x250002xf32, #tpu.memory_space<hbm>> -> memref<8x13824xf32, #tpu.memory_space<hbm>>
      %dma_wait3A_464 = arith.constant 0 : i32
      %dma_wait3A_465 = arith.constant 0 : i32
      %dma_wait3A_466 = tpu.memref_slice %arg8[%dma_wait3A_464, %dma_wait3A_465] : memref<8x15744xf32, #tpu.memory_space<vmem>> -> memref<8x13824xf32, #tpu.memory_space<vmem>>
      tpu.wait_dma2 semaphore(%arg10 : memref<!tpu.dma_semaphore, #tpu.memory_space<semaphore_mem>>) src(%dma_wait3A_466 : memref<8x13824xf32, #tpu.memory_space<vmem>>) dst(%dma_wait3A_463 : memref<8x13824xf32, #tpu.memory_space<hbm>>)
      %dma_wait3A_467 = arith.constant 0 : i32
      %dma_wait3A_468 = arith.constant 13824 : i32
      %dma_wait3A_469 = tpu.memref_slice %arg8[%dma_wait3A_467, %dma_wait3A_468] : memref<8x15744xf32, #tpu.memory_space<vmem>> -> memref<8x128xf32, #tpu.memory_space<vmem>>
      %dma_wait3A_470 = arith.constant 0 : i32
      %dma_wait3A_471 = tpu.memref_slice %arg5[%multiple_of3A, %dma_wait3A_470] : memref<16x128xf32, #tpu.memory_space<hbm>> -> memref<8x128xf32, #tpu.memory_space<hbm>>
      %dma_wait3A_472 = arith.constant 0 : i32
      %dma_wait3A_473 = tpu.memref_slice %arg5[%multiple_of3A, %dma_wait3A_472] : memref<16x128xf32, #tpu.memory_space<hbm>> -> memref<8x128xf32, #tpu.memory_space<hbm>>
      %dma_wait3A_474 = arith.constant 0 : i32
      %dma_wait3A_475 = arith.constant 13824 : i32
      %dma_wait3A_476 = tpu.memref_slice %arg8[%dma_wait3A_474, %dma_wait3A_475] : memref<8x15744xf32, #tpu.memory_space<vmem>> -> memref<8x128xf32, #tpu.memory_space<vmem>>
      tpu.wait_dma2 semaphore(%arg10 : memref<!tpu.dma_semaphore, #tpu.memory_space<semaphore_mem>>) src(%dma_wait3A_476 : memref<8x128xf32, #tpu.memory_space<vmem>>) dst(%dma_wait3A_473 : memref<8x128xf32, #tpu.memory_space<hbm>>)
    } else {
    }
    return
  }
}

module attributes {stable_mosaic.version = 14 : i64} {
  func.func @_tw_body(%arg0: i32, %arg1: memref<1x512x1024xf32, #tpu.memory_space<vmem>>, %arg2: memref<1x1024xf32, #tpu.memory_space<vmem>>, %arg3: memref<1x1xf32, #tpu.memory_space<vmem>>, %arg4: memref<1x1x512xf32, #tpu.memory_space<vmem>>, %arg5: memref<1x1x512xf32, #tpu.memory_space<vmem>>) attributes {dimension_semantics = [#tpu.dimension_semantics<arbitrary>], iteration_bounds = array<i64: 16>, scalar_prefetch = 0 : i64, scratch_operands = 0 : i64, tpu.core_type = #tpu.core_type<tc>, window_params = [{transform_indices = @transform_0, window_bounds = array<i64: 1, 512, 1024>}, {pipeline_mode = #tpu.pipeline_mode<synchronous>, transform_indices = @transform_1, window_bounds = array<i64: 1, 1024>}, {pipeline_mode = #tpu.pipeline_mode<synchronous>, transform_indices = @transform_2, window_bounds = array<i64: 1, 1>}, {transform_indices = @transform_3, window_bounds = array<i64: 1, 1, 512>}, {transform_indices = @transform_4, window_bounds = array<i64: 1, 1, 512>}]} {
    %get3A = arith.constant 0 : index
    %get3A_0 = arith.constant 0 : index
    %get3A_1 = arith.constant 0 : index
    %get3A_2 = vector.load %arg1[%get3A, %get3A_0, %get3A_1] : memref<1x512x1024xf32, #tpu.memory_space<vmem>>, vector<1x512x1024xf32>
    %get3A_3 = vector.shape_cast %get3A_2 : vector<1x512x1024xf32> to vector<512x1024xf32>
    %get3A_4 = arith.constant 0 : index
    %get3A_5 = arith.constant 0 : index
    %get3A_6 = vector.load %arg2[%get3A_4, %get3A_5] : memref<1x1024xf32, #tpu.memory_space<vmem>>, vector<1x1024xf32>
    %mul3A = vector.broadcast %get3A_6 : vector<1x1024xf32> to vector<512x1024xf32>
    %mul3A_7 = arith.mulf %get3A_3, %mul3A : vector<512x1024xf32>
    %reduce_sum3A = arith.constant dense<0.000000e+00> : vector<512xf32>
    %reduce_sum3A_8 = vector.multi_reduction <add>, %mul3A_7, %reduce_sum3A [1] : vector<512x1024xf32> to vector<512xf32>
    %get3A_9 = arith.constant 0 : index
    %get3A_10 = arith.constant 0 : index
    %get3A_11 = vector.load %arg3[%get3A_9, %get3A_10] : memref<1x1xf32, #tpu.memory_space<vmem>>, vector<1x1xf32>
    %get3A_12 = vector.extract %get3A_11[0, 0] : f32 from vector<1x1xf32>
    %add3A = vector.broadcast %get3A_12 : f32 to vector<512xf32>
    %add3A_13 = arith.addf %reduce_sum3A_8, %add3A : vector<512xf32>
    %get3A_14 = arith.constant 0 : index
    %get3A_15 = arith.constant 0 : index
    %get3A_16 = arith.constant 0 : index
    %get3A_17 = vector.load %arg4[%get3A_14, %get3A_15, %get3A_16] : memref<1x1x512xf32, #tpu.memory_space<vmem>>, vector<1x1x512xf32>
    %get3A_18 = vector.shape_cast %get3A_17 : vector<1x1x512xf32> to vector<512xf32>
    %mul3A_19 = arith.mulf %add3A_13, %get3A_18 : vector<512xf32>
    %max3A = arith.constant 0.000000e+00 : f32
    %max3A_20 = vector.broadcast %max3A : f32 to vector<512xf32>
    %max3A_21 = arith.maximumf %mul3A_19, %max3A_20 : vector<512xf32>
    %broadcast_in_dim3A = vector.shape_cast %max3A_21 : vector<512xf32> to vector<1x1x512xf32>
    %swap3A = arith.constant 0 : index
    %swap3A_22 = arith.constant 0 : index
    %swap3A_23 = arith.constant 0 : index
    %swap3A_24 = vector.load %arg5[%swap3A, %swap3A_22, %swap3A_23] : memref<1x1x512xf32, #tpu.memory_space<vmem>>, vector<1x1x512xf32>
    tpu.vector_store %arg5[%swap3A, %swap3A_22, %swap3A_23], %broadcast_in_dim3A {strides = array<i32>} : memref<1x1x512xf32, #tpu.memory_space<vmem>>, vector<1x1x512xf32>,
    return
  }
  func.func @transform_0(%arg0: i32) -> (i32, i32, i32) {
    %c0_i32 = arith.constant 0 : i32
    %c0_i32_0 = arith.constant 0 : i32
    %c0_i32_1 = arith.constant 0 : i32
    return %arg0, %c0_i32, %c0_i32_0 : i32, i32, i32
  }
  func.func @transform_1(%arg0: i32) -> (i32, i32) {
    %c0_i32 = arith.constant 0 : i32
    %c0_i32_0 = arith.constant 0 : i32
    %c0_i32_1 = arith.constant 0 : i32
    return %c0_i32, %c0_i32_0 : i32, i32
  }
  func.func @transform_2(%arg0: i32) -> (i32, i32) {
    %c0_i32 = arith.constant 0 : i32
    %c0_i32_0 = arith.constant 0 : i32
    %c0_i32_1 = arith.constant 0 : i32
    return %c0_i32, %c0_i32_0 : i32, i32
  }
  func.func @transform_3(%arg0: i32) -> (i32, i32, i32) {
    %c0_i32 = arith.constant 0 : i32
    %c0_i32_0 = arith.constant 0 : i32
    %c0_i32_1 = arith.constant 0 : i32
    return %arg0, %c0_i32, %c0_i32_0 : i32, i32, i32
  }
  func.func @transform_4(%arg0: i32) -> (i32, i32, i32) {
    %c0_i32 = arith.constant 0 : i32
    %c0_i32_0 = arith.constant 0 : i32
    %c0_i32_1 = arith.constant 0 : i32
    return %arg0, %c0_i32, %c0_i32_0 : i32, i32, i32
  }
}

</mosaic_0001>

<sc_bundles>
// kernel: kernel.4.cloned.1.call-start
scs
__scs_entry_jumppad:
0x0: {  	(pc) =	sbr.rel $0x88, $3  }
0x1: {  	(tag) =	ssettag $0x0;
	lr =	simm.s32 $0x1  }
0x2: {  	[smem:$0x3F9C] =	sst lr;
	_ =	strace $0xD0000000  }
0x3: {  	_ = 	snop  }
0x4: {  	_ = 	snop  }
0x5: {  	_ = 	snop  }
0x6: {  	_ = 	snop  }
0x7: {  	_ = 	snop  }
__scs_overlays_trampoline_lowered:
0x8: {  	[smem:$0x3FAB] =	sst s0  }
0x9: {  	[smem:$0x3FAC] =	sst s1  }
0xa: {  	[smem:$0x3FAD] =	sst s2  }
0xb: {  	[smem:$0x3FAE] =	sst s3  }
0xc: {  	[smem:$0x3FAF] =	sst s4  }
0xd: {  	[smem:$0x3FB0] =	sst s5  }
0xe: {  	[smem:$0x3FB1] =	sst s6  }
0xf: {  	[smem:$0x3FB2] =	sst s7  }
0x10: {  	[smem:$0x3FB3] =	sst s8  }
0x11: {  	[smem:$0x3FB4] =	sst s9;
	s0 =	simm.s32 @!p0 $0x0  }
0x12: {  	s1 =	sld [smem:$0x3F9A];
	s0 =	simm.s32 @p0 $0x1  }
0x13: {  	[smem:$0x3FB5] =	sst s0;
	s0 =	simm.s32 @!p1 $0x0  }
0x14: {  	s2 =	sld [smem:$0x3F99];
	s0 =	simm.s32 @p1 $0x1  }
0x15: {  	[smem:$0x3FB6] =	sst s0;
	s0 =	simm.s32 @!p2 $0x0  }
0x16: {  	s3 =	sld [smem:$0x3FDB];
	s0 =	simm.s32 @p2 $0x1  }
0x17: {  	s4 =	simm.s32 $0x1BF5;
	[smem:$0x3FB8] =	sst s0  }
0x18: {  	s0 =	sld [smem:$0x3F9B];
	_ =	swait.ge [sflag:s4], $0x0  }
0x19: {  	s7 =	sld [smem:$0x3F9C]  }
0x1a: {  	s8 =	sadd.s32 $0xFFFFE003, lr  }
0x1b: {  	s9 =	sadd.s32 $0xFFFFFEF7, lr;
	s5 =	simm.s32 $0xFFFFFFFF;
	p2 =	slt.u32 s8, $0xFFFFF086  }
0x1c: {  	p1 =	slt.u32 s9, $0xF7A;
	s5 =	simm.s32 @!p2 $0x0  }
0x1d: {  	s5 =	simm.s32 @p1 $0x1;
	p0 =	seq.s32 s7, s2  }
0x1e: {  	s7 =	smul.u32 @!p0 $0xF7A, s2;
	p2 =	seq.s32 @!p0 s5, $0x0  }
0x1f: {  	s9 =	smul.u32 $0xF7A, s1;
	s8 =	simm.s32 @!p0 $0x1BF5;
	p2 =	por !p2, p0  }
0x20: {  	[sflag:s8] =	ssyncset.s32 @!p0 $0xFFFFF086;
	s6 =	sadd.s32 @!p0 s3, s7;
	s7 =	simm.s32 @!p0 $0x108  }
0x21: {  	s3 =	sadd.s32 s3, s9;
	s6 =	sadd.s32 @!p0 $0x88, s6;
	s7 =	simm.s32 @p2 $0x1082  }
0x22: {  	[simem:s7], [sflag:s8] =	dma.local @!p0 [hbm:s6], $0xF7A  }
0x23: {  	s9 =	sor.u32 $0xD0000000, s2;
	s6 =	simm.s32 $0x108;
	_ =	swait.ge @!p0 [sflag:s8], $0x0  }
0x24: {  	s3 =	sadd.s32 $0x88, s3;
	s6 =	simm.s32 @!p1 $0x1082;
	[sflag:s4] =	ssyncset.s32 $0xFFFFF086  }
0x25: {  	[simem:s6], [sflag:s4] =	dma.local [hbm:s3], $0xF7A  }
0x26: {  	[smem:$0x3F9C] =	sst s1;
	(tag) =	ssettag s2;
	_ =	strace s9  }
0x27: {  	s1 =	sld [smem:$0x3FAC]  }
0x28: {  	s2 =	sld [smem:$0x3FAD]  }
0x29: {  	s4 =	sld [smem:$0x3FAF]  }
0x2a: {  	p0 =	seq.s32 s5, $0x0;
	s5 =	sld [smem:$0x3FB0]  }
0x2b: {  	s6 =	sld [smem:$0x3FB1]  }
0x2c: {  	s7 =	sld [smem:$0x3FB2]  }
0x2d: {  	s3 =	simm.s32 $0x108;
	s8 =	sld [smem:$0x3FB3]  }
0x2e: {  	s3 =	simm.s32 @!p0 $0x1082;
	s9 =	sld [smem:$0x3FB4]  }
0x2f: {  	lr =	sadd.s32 s0, s3;
	s0 =	sld [smem:$0x3FAB]  }
0x30: {  	s3 =	sld [smem:$0x3FAE]  }
0x31: {  	[smem:$0x3FB7] =	sst s10  }
0x32: {  	s10 =	sld [smem:$0x3FB5];
	_ =	sdelay $0x3  }
0x33: {  	p0 =	seq.s32 s10, $0x1;
	s10 =	sld [smem:$0x3FB7];
	_ =	sdelay $0x3  }
0x34: {  	[smem:$0x3FB7] =	sst s10  }
0x35: {  	s10 =	sld [smem:$0x3FB6];
	_ =	sdelay $0x3  }
0x36: {  	p1 =	seq.s32 s10, $0x1;
	s10 =	sld [smem:$0x3FB7];
	_ =	sdelay $0x3  }
0x37: {  	[smem:$0x3FB7] =	sst s10  }
0x38: {  	s10 =	sld [smem:$0x3FB8]  }
0x39: {  	_ = 	snop;
	(pc) =	sbr.ind lr, $3  }
0x3a: {  	_ = 	snop  }
0x3b: {  	_ = 	snop  }
0x3c: {  	p2 =	seq.s32 s10, $0x1;
	s10 =	sld [smem:$0x3FB7]  }
0x3d: {  	_ =	shalt  }
0x3e: {  	_ =	shalt  }
0x3f: {  	_ =	shalt  }
0x40: {  	_ =	shalt  }
0x41: {  	_ =	shalt  }
0x42: {  	_ =	shalt  }
0x43: {  	_ =	shalt  }
0x44: {  	_ =	shalt  }
0x45: {  	_ =	shalt  }
0x46: {  	_ =	shalt  }
0x47: {  	_ =	shalt  }
0x48: {  	_ =	shalt  }
0x49: {  	_ =	shalt  }
0x4a: {  	_ =	shalt  }
0x4b: {  	_ =	shalt  }
0x4c: {  	_ =	shalt  }
0x4d: {  	_ =	shalt  }
0x4e: {  	_ =	shalt  }
0x4f: {  	_ =	shalt  }
0x50: {  	_ =	shalt  }
0x51: {  	_ =	shalt  }
0x52: {  	_ =	shalt  }
0x53: {  	_ =	shalt  }
0x54: {  	_ =	shalt  }
0x55: {  	_ =	shalt  }
0x56: {  	_ =	shalt  }
0x57: {  	_ =	shalt  }
0x58: {  	_ =	shalt  }
0x59: {  	_ =	shalt  }
0x5a: {  	_ =	shalt  }
0x5b: {  	_ =	shalt  }
0x5c: {  	_ =	shalt  }
0x5d: {  	_ =	shalt  }
0x5e: {  	_ =	shalt  }
0x5f: {  	_ =	shalt  }
0x60: {  	_ =	shalt  }
0x61: {  	_ =	shalt  }
0x62: {  	_ =	shalt  }
0x63: {  	_ =	shalt  }
0x64: {  	_ =	shalt  }
0x65: {  	_ =	shalt  }
0x66: {  	_ =	shalt  }
0x67: {  	_ =	shalt  }
0x68: {  	_ =	shalt  }
0x69: {  	_ =	shalt  }
0x6a: {  	_ =	shalt  }
0x6b: {  	_ =	shalt  }
0x6c: {  	_ =	shalt  }
0x6d: {  	_ =	shalt  }
0x6e: {  	_ =	shalt  }
0x6f: {  	_ =	shalt  }
0x70: {  	_ =	shalt  }
0x71: {  	_ =	shalt  }
0x72: {  	_ =	shalt  }
0x73: {  	_ =	shalt  }
0x74: {  	_ =	shalt  }
0x75: {  	_ =	shalt  }
0x76: {  	_ =	shalt  }
0x77: {  	_ =	shalt  }
0x78: {  	_ =	shalt  }
0x79: {  	_ =	shalt  }
0x7a: {  	_ =	shalt  }
0x7b: {  	_ =	shalt  }
0x7c: {  	_ =	shalt  }
0x7d: {  	_ =	shalt  }
0x7e: {  	_ =	shalt  }
0x7f: {  	_ =	shalt  }
0x80: {  	_ =	shalt  }
0x81: {  	_ =	shalt  }
0x82: {  	_ =	shalt  }
0x83: {  	_ =	shalt  }
0x84: {  	_ =	shalt  }
0x85: {  	_ =	shalt  }
0x86: {  	_ =	shalt  }
0x87: {  	_ =	shalt  }
.Lfunc_end0:
.L_simem_size_0:
called_computation_lowered:
.L_overlay_start_0:
0x88: {  	s2 =	sld [smem:$0x3FD9]  }
0x89: {  	s3 =	sld [smem:$0x3FFE];
	_ =	sdelay $0x1  }
0x8a: {  	s1 =	srdreg.scid  }
0x8b: {  	s0 =	sand.u32 $0x1, s1  }
0x8c: {  	s17 =	sshll.u32 s0, $0xA;
	s2 =	sadd.s32 s3, s2  }
0x8d: {  	s2 =	sadd.s32 s2, s17  }
0x8e: {  	[smem:$0x3FC3] =	sst s2  }
0x8f: {  	_ = 	snop  }
0x90: {  	s2 =	sld [smem:$0x3FD0];
	(tm) =	ssettm $0x1  }
0x91: {  	s18 =	sld [smem:$0x3FFB];
	_ =	sdelay $0x3  }
0x92: {  	_ =	strace s18  }
0x93: {  	s3 =	sld [smem:$0x3FFC];
	_ =	sdelay $0x3  }
0x94: {  	_ =	strace s3  }
0x95: {  	s3 =	sld [smem:$0x3FFD];
	_ =	sdelay $0x3  }
0x96: {  	_ =	strace s3  }
0x97: {  	_ =	strace $0x8FFFFFFF  }
0x98: {  	s19 =	sld [smem:$0x3FDB];
	_ =	sdelay $0x1  }
0x99: {  	s4 =	simm.s32 $_scs_section_size  }
0x9a: {  	s5 =	simm.s32 $_size__tile_overlayer_lowered;
	s6 =	simm.s32 $_tile_overlayer_lowered  }
0x9b: {  	s22 =	simm.s32 $0x1BFF;
	s21 =	sshll.u32 s6, $0x1;
	s3 =	sadd.s32 s4, s19  }
0x9c: {  	s7 =	simm.s32 $0x0;
	s20 =	sshll.u32 s5, $0x1;
	s5 =	sadd.s32 s21, s3  }
0x9d: {  	[timem:s7], [sflag:s22] =	dma.local [hbm:s5], s20  }
0x9e: {  	_ =	swait.ge [sflag:s22], s20  }
0x9f: {  	s4 =	ssub.s32 $0x0, s20;
	[sflag:s22] =	ssyncset.done $0x0  }
0xa0: {  	[sflag:s22] =	ssyncadd.s32 s4;
	_ =	sdelay $0x1  }
0xa1: {  	s23 =	simm.s32 $0x1B8B  }
0xa2: {  	_ =	swait.ge [sflag:s23], $0x1  }
0xa3: {  	[sflag:s23] =	ssyncset.done $0x0  }
0xa4: {  	s25 =	simm.s32 $0x1B8E;
	s24 =	sld [smem:$0x3FFE];
	[sflag:s23] =	ssyncadd.s32 $0xFFFFFFFF  }
0xa5: {  	s26 =	simm.s32 $execute0_lowered;
	[smem:$0x3FD2] =	sst s25  }
0xa6: {  	s5 =	sshll.u32 s26, $0x1;
	_ =	strace $0x80000046;
	[dreg:$0x1] =	wrdreg $0xFFFFFFFF  }
0xa7: {  	s28 =	simm.s32 $_size_execute0_lowered;
	s3 =	sadd.s32 s3, s5;
	[dreg:$0x0] =	wrdreg $0x0  }
0xa8: {  	s5 =	sshll.u32 s28, $0x1;
	[dreg:$0x2] =	wrdreg s3  }
0xa9: {  	[dreg:$0x3] =	wrdreg s5  }
0xaa: {  	[dreg:$0x4] =	wrdreg $0xC0  }
0xab: {  	_ =	task [dreg:s7], $0x5FFFF  }
0xac: {  	[dreg:$0x1] =	wrdreg $0xFFFFFFFF  }
0xad: {  	[dreg:$0x0] =	wrdreg $0x60  }
0xae: {  	[dreg:$0x2] =	wrdreg s24  }
0xaf: {  	[dreg:$0x3] =	wrdreg s2  }
0xb0: {  	[dreg:$0x4] =	wrdreg $0x9  }
0xb1: {  	_ =	task.clear_ibuf [dreg:s7], $0x5FFFF;
	_ =	strace $0x90000046  }
0xb2: {  	s29 =	simm.s32 $0x9;
	_ =	strace $0x80000048  }
0xb3: {  	_ =	swait.ge [sflag:s29], $0x1  }
0xb4: {  	[sflag:s29] =	ssyncadd.s32 $0xFFFFFFFF  }
0xb5: {  	_ =	strace $0x90000048  }
0xb6: {  	_ =	sfence  }
0xb7: {  	s30 =	sld [smem:$0x0];
	_ =	sdelay $0x2  }
0xb8: {  	s31 =	sshll.u32 s1, $0xD;
	s1 =	sshrl.u32 s1, $0x2  }
0xb9: {  	s3 =	sand.u32 $0x4000, s31;
	s1 =	sadd.s32 s1, s30  }
0xba: {  	s0 =	sor.u32 s3, s0;
	s1 =	sshll.u32 s1, $0x11  }
0xbb: {  	s0 =	sor.u32 s1, s0  }
0xbc: {  	s0 =	sadd.s32 $0x8F2B, s0  }
0xbd: {  	[sflag:s0] =	ssyncadd.remote.s32 $0x1  }
0xbe: {  	_ =	sfence.sel $0xFFFF  }
0xbf: {  	[dreg:$0x0] =	wrdreg $0xFFFFFFFF;
	(pc) =	sbr.abs _section_cstart, $3  }
0xc0: {  	[dreg:$0x1] =	wrdreg $0xFFFFFFFF  }
0xc1: {  	_ =	task.clear_ibuf [dreg:s7], $0x2FFFF;
	_ =	strace $0x9FFFFFFF  }
0xc2: {  	(tm) =	ssettm $0x7FFFFFFF  }
0xc3: {  	_ =	shalt  }
tec
execute0_lowered:
.L_overlay_start_1:
0x0: {  	(tag) =	ssettag $0x1  }
0x1: {  	s0 =	rddreg [dreg:$0x0]  }
0x2: {  	s2 =	rddreg [dreg:$0x1];
	s1 =	simm.s32 $0x0  }
0x3: {  	s3 =	srdreg.scid;
	s22 =	stileid.u32;
	s28 =	simm.s32 $0x480  }
0x4: {  	s29 =	simm.s32 $0x580;
	s30 =	simm.s32 $0x800;
	s31 =	simm.s32 $0x0  }
0x5: {  	[smem:$0x7FF] =	sst s1;
	s3 =	sand.u32 $0x1, s3;
	s20 =	smul.u32 $0x3D80, s22  }
0x6: {  	s4 =	sadd.s32 $0x1000, s0;
	s17 =	sadd.s32 $0xC00, s0;
	s21 =	smul.u32 $0x1EC00, s22  }
0x7: {  	p0 =	seq.s32 s22, $0xF;
	_ =	strace $0x80000047;
	s5 =	sshll.u32 s3, $0x7  }
0x8: {  	s25 =	ssub.s32 $0x2, s3;
	s18 =	sshll.u32 s3, $0x9;
	s3 =	smul.u32 $0x1E8800, s3  }
0x9: {  	s0 =	sadd.s32 s5, s0;
	s6 =	sshrl.u32 s25, $0x1;
	s23 =	sadd.s32 s17, s18  }
0xa: {  	s24 =	sadd.s32 s4, s18;
	s26 =	sor.u32 $0x40, s18;
	s8 =	sor.u32 $0x80, s18  }
0xb: {  	s10 =	sor.u32 $0xC0, s18;
	s12 =	sor.u32 $0x100, s18;
	s14 =	sor.u32 $0x140, s18  }
0xc: {  	s16 =	sor.u32 $0x180, s18;
	s18 =	sor.u32 $0x1C0, s18;
	s19 =	ssub.s32 s25, s6  }
0xd: {  	s5 =	sadd.s32 s17, s26;
	s6 =	sadd.s32 s4, s26;
	s7 =	sadd.s32 s17, s8  }
0xe: {  	s8 =	sadd.s32 s4, s8;
	s9 =	sadd.s32 s17, s10;
	s10 =	sadd.s32 s4, s10  }
0xf: {  	s11 =	sadd.s32 s17, s12;
	s12 =	sadd.s32 s4, s12;
	s13 =	sadd.s32 s17, s14  }
0x10: {  	s14 =	sadd.s32 s4, s14;
	s15 =	sadd.s32 s17, s16;
	[dreg:$0x3] =	wrdreg s23  }
0x11: {  	s16 =	sadd.s32 s4, s16;
	s0 =	sadd.s32 $0x1400, s0;
	[dreg:$0x4] =	wrdreg s24  }
0x12: {  	s21 =	sadd.s32 s21, s3;
	s22 =	sadd.s32 $0x30, s23;
	[dreg:$0x7] =	wrdreg s0  }
0x13: {  	s3 =	sshrl.u32 s3, $0x3;
	s25 =	sadd.s32 $0x20, s24;
	[dreg:$0xb] =	wrdreg s22  }
0x14: {  	s17 =	sadd.s32 s17, s18;
	s26 =	sadd.s32 $0x30, s24;
	[dreg:$0xd] =	wrdreg s25  }
0x15: {  	s18 =	sadd.s32 s4, s18;
	s4 =	smax.u32 s19, $0x1;
	[dreg:$0xe] =	wrdreg s26  }
0x16: {  	s21 =	sshrl.u32 s21, $0x3;
	s19 =	sadd.s32 $0x10, s23;
	[dreg:$0x8] =	wrdreg s4  }
0x17: {  	s3 =	sadd.s32 s2, s3;
	s2 =	sadd.s32 s2, s21;
	[dreg:$0x9] =	wrdreg s19  }
0x18: {  	v1 =	vimm.f32 $0.0e+00;
	vm2 =	vmmov $0x1;
	vm8 =	vcmask $0x704;
	s22 =	simm.s32 $0x1;
	s3 =	sadd.s32 $0x39A80, s3;
	[dreg:$0x5] =	wrdreg s2  }
0x19: {  	vm9 =	vcmask $0xB08;
	vm1 =	vcmask $0xF0C;
	vm3 =	vcmask $0x1310;
	s25 =	simm.s32 $0x280;
	s21 =	sadd.s32 $0x20, s23;
	[dreg:$0x6] =	wrdreg s3  }
0x1a: {  	vm14 =	vcmask $0x1714;
	vm4 =	vcmask $0x2320;
	v2 =	vimm.s32 $0x0;
	s26 =	simm.s32 $0x380;
	s23 =	sadd.s32 $0x10, s24;
	[dreg:$0xa] =	wrdreg s21  }
0x1b: {  	vm6 =	vcmask $0x2724;
	vm10 =	vcmask $0x2B28;
	v2 =	vsel vm2, $0xFFFFFFFF, v2;
	s24 =	simm.s32 $0x180;
	s4 =	simm.s32 $0x780;
	[dreg:$0xc] =	wrdreg s23  }
0x1c: {  	vm11 =	vcmask $0x2F2C;
	vm15 =	vcmask $0x3330;
	[tilespmem:$0x1FFF0] =	vst v2;
	v0 =	vmov s20;
	s21 =	simm.s32 $0x700;
	s23 =	simm.s32 $0x80;
	s3 =	simm.s32 $0x680  }
.LBB2_1:
0x1d: {  	s0 =	rddreg [dreg:$0x3]  }
0x1e: {  	[tilespmem:s1], [sflag:$0x1] =	stream.linear.gather [hbm4b:s0+s1], $0x80, $0x38;
	[tilespmem:$0x1F400] =	vst v63  }
0x1f: {  	s20 =	rddreg [dreg:$0x9];
	s2 =	simm.s32 $0x100  }
0x20: {  	[tilespmem:s2], [sflag:$0x1] =	stream.linear.gather [hbm4b:s20+s1], $0x80, $0x38;
	[tilespmem:$0x1F400] =	vst v63  }
0x21: {  	s19 =	rddreg [dreg:$0xa];
	s20 =	simm.s32 $0x200  }
0x22: {  	[tilespmem:s20], [sflag:$0x1] =	stream.linear.gather [hbm4b:s19+s1], $0x80, $0x38;
	[tilespmem:$0x1F400] =	vst v63  }
0x23: {  	s19 =	rddreg [dreg:$0xb];
	s20 =	simm.s32 $0x300  }
0x24: {  	[tilespmem:s20], [sflag:$0x1] =	stream.linear.gather [hbm4b:s19+s1], $0x80, $0x38;
	[tilespmem:$0x1F400] =	vst v63  }
0x25: {  	s19 =	rddreg [dreg:$0x4];
	s20 =	simm.s32 $0x400  }
0x26: {  	[tilespmem:s20], [sflag:$0x1] =	stream.linear.gather [hbm4b:s19+s1], $0x80, $0x38;
	[tilespmem:$0x1F400] =	vst v63  }
0x27: {  	s19 =	rddreg [dreg:$0xc];
	s20 =	simm.s32 $0x500  }
0x28: {  	[tilespmem:s20], [sflag:$0x1] =	stream.linear.gather [hbm4b:s19+s1], $0x80, $0x38;
	[tilespmem:$0x1F400] =	vst v63  }
0x29: {  	s2 =	rddreg [dreg:$0xd];
	s19 =	simm.s32 $0x600  }
0x2a: {  	[tilespmem:s19], [sflag:$0x1] =	stream.linear.gather [hbm4b:s2+s1], $0x80, $0x38;
	[tilespmem:$0x1F400] =	vst v63  }
0x2b: {  	s0 =	simm.s32 $0x0;
	s20 =	rddreg [dreg:$0xe];
	s2 =	simm.s32 $0x1000  }
0x2c: {  	vm13 =	vmmov vm3;
	vm12 =	vmmov vm1;
	[tilespmem:s21], [sflag:$0x1] =	stream.linear.gather [hbm4b:s20+s1], $0x80, $0x38;
	[tilespmem:$0x1F400] =	vst v63  }
.LBB2_2:
0x2d: {  	p1 =	sne.s32 s2, $0x7A000;
	[tilespmem:s0+$0xBF0] =	vst v1  }
0x2e: {  	[tilespmem:s0+$0x800] =	vst v1  }
0x2f: {  	[tilespmem:s0+$0x810] =	vst v1  }
0x30: {  	[tilespmem:s0+$0x820] =	vst v1  }
0x31: {  	[tilespmem:s0+$0x830] =	vst v1  }
0x32: {  	[tilespmem:s0+$0x840] =	vst v1  }
0x33: {  	[tilespmem:s0+$0x850] =	vst v1  }
0x34: {  	[tilespmem:s0+$0x860] =	vst v1  }
0x35: {  	[tilespmem:s0+$0x870] =	vst v1  }
0x36: {  	[tilespmem:s0+$0x880] =	vst v1  }
0x37: {  	[tilespmem:s0+$0x890] =	vst v1  }
0x38: {  	[tilespmem:s0+$0x8A0] =	vst v1  }
0x39: {  	[tilespmem:s0+$0x8B0] =	vst v1  }
0x3a: {  	[tilespmem:s0+$0x8C0] =	vst v1  }
0x3b: {  	[tilespmem:s0+$0x8D0] =	vst v1  }
0x3c: {  	[tilespmem:s0+$0x8E0] =	vst v1  }
0x3d: {  	[tilespmem:s0+$0x8F0] =	vst v1  }
0x3e: {  	[tilespmem:s0+$0x900] =	vst v1  }
0x3f: {  	[tilespmem:s0+$0x910] =	vst v1  }
0x40: {  	[tilespmem:s0+$0x920] =	vst v1  }
0x41: {  	[tilespmem:s0+$0x930] =	vst v1  }
0x42: {  	[tilespmem:s0+$0x940] =	vst v1  }
0x43: {  	[tilespmem:s0+$0x950] =	vst v1  }
0x44: {  	[tilespmem:s0+$0x960] =	vst v1  }
0x45: {  	[tilespmem:s0+$0x970] =	vst v1  }
0x46: {  	[tilespmem:s0+$0x980] =	vst v1  }
0x47: {  	[tilespmem:s0+$0x990] =	vst v1  }
0x48: {  	[tilespmem:s0+$0x9A0] =	vst v1  }
0x49: {  	[tilespmem:s0+$0x9B0] =	vst v1  }
0x4a: {  	[tilespmem:s0+$0x9C0] =	vst v1  }
0x4b: {  	[tilespmem:s0+$0x9D0] =	vst v1  }
0x4c: {  	[tilespmem:s0+$0x9E0] =	vst v1  }
0x4d: {  	[tilespmem:s0+$0x9F0] =	vst v1  }
0x4e: {  	[tilespmem:s0+$0xA00] =	vst v1  }
0x4f: {  	[tilespmem:s0+$0xA10] =	vst v1  }
0x50: {  	[tilespmem:s0+$0xA20] =	vst v1  }
0x51: {  	[tilespmem:s0+$0xA30] =	vst v1  }
0x52: {  	[tilespmem:s0+$0xA40] =	vst v1  }
0x53: {  	[tilespmem:s0+$0xA50] =	vst v1  }
0x54: {  	[tilespmem:s0+$0xA60] =	vst v1  }
0x55: {  	[tilespmem:s0+$0xA70] =	vst v1  }
0x56: {  	[tilespmem:s0+$0xA80] =	vst v1  }
0x57: {  	[tilespmem:s0+$0xA90] =	vst v1  }
0x58: {  	[tilespmem:s0+$0xAA0] =	vst v1  }
0x59: {  	[tilespmem:s0+$0xAB0] =	vst v1  }
0x5a: {  	[tilespmem:s0+$0xAC0] =	vst v1  }
0x5b: {  	[tilespmem:s0+$0xAD0] =	vst v1  }
0x5c: {  	[tilespmem:s0+$0xAE0] =	vst v1  }
0x5d: {  	[tilespmem:s0+$0xAF0] =	vst v1  }
0x5e: {  	[tilespmem:s0+$0xB00] =	vst v1  }
0x5f: {  	[tilespmem:s0+$0xB10] =	vst v1  }
0x60: {  	[tilespmem:s0+$0xB20] =	vst v1  }
0x61: {  	[tilespmem:s0+$0xB30] =	vst v1  }
0x62: {  	[tilespmem:s0+$0xB40] =	vst v1  }
0x63: {  	[tilespmem:s0+$0xB50] =	vst v1  }
0x64: {  	[tilespmem:s0+$0xB60] =	vst v1  }
0x65: {  	[tilespmem:s0+$0xB70] =	vst v1  }
0x66: {  	[tilespmem:s0+$0xB80] =	vst v1  }
0x67: {  	[tilespmem:s0+$0xB90] =	vst v1  }
.Ltmp0:
0x68: {  	[tilespmem:s0+$0xBA0] =	vst v1;
	(pc) =	sbr.rel @p1 .LBB2_2-.Ltmp0, $4  }
0x69: {  	[tilespmem:s0+$0xBB0] =	vst v1  }
0x6a: {  	[tilespmem:s0+$0xBC0] =	vst v1  }
0x6b: {  	[tilespmem:s0+$0xBD0] =	vst v1  }
0x6c: {  	[tilespmem:s0+$0xBE0] =	vst v1;
	s0 =	sshra.s32 s2, $0x2;
	s2 =	sadd.s32 $0x1000, s2  }
0x6d: {  	[tilespmem:s0+$0xBF0] =	vst v1  }
0x6e: {  	[tilespmem:s0+$0x800] =	vst v1  }
0x6f: {  	[tilespmem:s0+$0x810] =	vst v1  }
0x70: {  	[tilespmem:s0+$0x820] =	vst v1  }
0x71: {  	[tilespmem:s0+$0x830] =	vst v1  }
0x72: {  	[tilespmem:s0+$0x840] =	vst v1  }
0x73: {  	[tilespmem:s0+$0x850] =	vst v1  }
0x74: {  	[tilespmem:s0+$0x860] =	vst v1  }
0x75: {  	[tilespmem:s0+$0x870] =	vst v1  }
0x76: {  	[tilespmem:s0+$0x880] =	vst v1  }
0x77: {  	[tilespmem:s0+$0x890] =	vst v1  }
0x78: {  	[tilespmem:s0+$0x8A0] =	vst v1  }
0x79: {  	[tilespmem:s0+$0x8B0] =	vst v1  }
0x7a: {  	[tilespmem:s0+$0x8C0] =	vst v1  }
0x7b: {  	[tilespmem:s0+$0x8D0] =	vst v1  }
0x7c: {  	[tilespmem:s0+$0x8E0] =	vst v1  }
0x7d: {  	[tilespmem:s0+$0x8F0] =	vst v1  }
0x7e: {  	[tilespmem:s0+$0x900] =	vst v1  }
0x7f: {  	[tilespmem:s0+$0x910] =	vst v1  }
0x80: {  	[tilespmem:s0+$0x920] =	vst v1  }
0x81: {  	[tilespmem:s0+$0x930] =	vst v1  }
0x82: {  	[tilespmem:s0+$0x940] =	vst v1  }
0x83: {  	[tilespmem:s0+$0x950] =	vst v1  }
0x84: {  	[tilespmem:s0+$0x960] =	vst v1  }
0x85: {  	[tilespmem:s0+$0x970] =	vst v1  }
0x86: {  	[tilespmem:s0+$0x980] =	vst v1  }
0x87: {  	[tilespmem:s0+$0x990] =	vst v1  }
0x88: {  	[tilespmem:s0+$0x9A0] =	vst v1  }
0x89: {  	[tilespmem:s0+$0x9B0] =	vst v1  }
0x8a: {  	[tilespmem:s0+$0x9C0] =	vst v1  }
0x8b: {  	[tilespmem:s0+$0x9D0] =	vst v1  }
0x8c: {  	[tilespmem:s0+$0x9E0] =	vst v1  }
0x8d: {  	[tilespmem:s0+$0x9F0] =	vst v1  }
0x8e: {  	[tilespmem:s0+$0xA00] =	vst v1  }
0x8f: {  	[tilespmem:s0+$0xA10] =	vst v1  }
0x90: {  	[tilespmem:s0+$0xA20] =	vst v1  }
0x91: {  	[tilespmem:s0+$0xA30] =	vst v1  }
0x92: {  	[tilespmem:s0+$0xA40] =	vst v1  }
0x93: {  	[tilespmem:s0+$0xA50] =	vst v1  }
0x94: {  	[tilespmem:s0+$0xA60] =	vst v1  }
0x95: {  	[tilespmem:s0+$0xA70] =	vst v1  }
0x96: {  	[tilespmem:s0+$0xA80] =	vst v1  }
0x97: {  	[tilespmem:s0+$0xA90] =	vst v1  }
0x98: {  	[tilespmem:s0+$0xAA0] =	vst v1  }
0x99: {  	[tilespmem:s0+$0xAB0] =	vst v1  }
0x9a: {  	[tilespmem:s0+$0xAC0] =	vst v1  }
0x9b: {  	[tilespmem:s0+$0xAD0] =	vst v1  }
0x9c: {  	[tilespmem:s0+$0xAE0] =	vst v1  }
0x9d: {  	[tilespmem:s0+$0xAF0] =	vst v1  }
0x9e: {  	[tilespmem:s0+$0xB00] =	vst v1  }
0x9f: {  	[tilespmem:s0+$0xB10] =	vst v1  }
0xa0: {  	[tilespmem:s0+$0xB20] =	vst v1  }
0xa1: {  	[tilespmem:s0+$0xB30] =	vst v1  }
0xa2: {  	[tilespmem:s0+$0xB40] =	vst v1  }
0xa3: {  	[tilespmem:s0+$0xB50] =	vst v1  }
0xa4: {  	[tilespmem:s0+$0xB60] =	vst v1  }
0xa5: {  	[tilespmem:s0+$0xB70] =	vst v1  }
0xa6: {  	[tilespmem:s0+$0xB80] =	vst v1  }
0xa7: {  	[tilespmem:s0+$0xB90] =	vst v1  }
0xa8: {  	[tilespmem:s0+$0xBA0] =	vst v1  }
0xa9: {  	[tilespmem:s0+$0xBB0] =	vst v1  }
0xaa: {  	[tilespmem:s0+$0xBC0] =	vst v1  }
0xab: {  	[tilespmem:s0+$0xBD0] =	vst v1  }
0xac: {  	[tilespmem:s0+$0xBE0] =	vst v1  }
0xad: {  	_ =	swait.ge [sflag:s22], $0x200  }
0xae: {  	[sflag:s22] =	ssyncset.done $0x0  }
0xaf: {  	[sflag:s22] =	ssyncadd.s32 $0xFFFFFE00  }
0xb0: {  	_ =	swait.ge [sflag:s22], $0x200  }
0xb1: {  	[sflag:s22] =	ssyncset.done $0x0  }
0xb2: {  	s0 =	simm.s32 $0x0;
	[sflag:s22] =	ssyncadd.s32 $0xFFFFFE00  }
0xb3: {  	[tilespmem:s23], [sflag:$0x1] =	stream.linear.gather [hbm4b:s5+s0], $0x80, $0x38;
	[tilespmem:$0x1F400] =	vst v63  }
0xb4: {  	s2 =	sadd.s32 $0x10, s5  }
0xb5: {  	[tilespmem:s24], [sflag:$0x1] =	stream.linear.gather [hbm4b:s2+s0], $0x80, $0x38;
	[tilespmem:$0x1F400] =	vst v63  }
0xb6: {  	s19 =	sadd.s32 $0x20, s5  }
0xb7: {  	[tilespmem:s25], [sflag:$0x1] =	stream.linear.gather [hbm4b:s19+s0], $0x80, $0x38;
	[tilespmem:$0x1F400] =	vst v63  }
0xb8: {  	s20 =	sadd.s32 $0x30, s5  }
0xb9: {  	[tilespmem:s26], [sflag:$0x1] =	stream.linear.gather [hbm4b:s20+s0], $0x80, $0x38;
	[tilespmem:$0x1F400] =	vst v63  }
0xba: {  	_ = 	snop  }
0xbb: {  	[tilespmem:s28], [sflag:$0x1] =	stream.linear.gather [hbm4b:s6+s0], $0x80, $0x38;
	[tilespmem:$0x1F400] =	vst v63  }
0xbc: {  	s19 =	sadd.s32 $0x10, s6  }
0xbd: {  	[tilespmem:s29], [sflag:$0x1] =	stream.linear.gather [hbm4b:s19+s0], $0x80, $0x38;
	[tilespmem:$0x1F400] =	vst v63  }
0xbe: {  	s20 =	sadd.s32 $0x20, s6  }
0xbf: {  	[tilespmem:s3], [sflag:$0x1] =	stream.linear.gather [hbm4b:s20+s0], $0x80, $0x38;
	[tilespmem:$0x1F400] =	vst v63  }
0xc0: {  	s19 =	sadd.s32 $0x30, s6  }
0xc1: {  	[tilespmem:s4], [sflag:$0x1] =	stream.linear.gather [hbm4b:s19+s0], $0x80, $0x38;
	[tilespmem:$0x1F400] =	vst v63  }
0xc2: {  	s20 =	sand.u32 $0x70, s0;
	s0 =	sand.u32 $0x300, s0  }
0xc3: {  	s0 =	sor.u32 s20, s0  }
0xc4: {  	v2 =	vld [tilespmem:s0+$0x0];
	_ =	sdelay $0x4  }
0xc5: {  	v2 =	vsub.s32 v2, v0  }
0xc6: {  	vm1 =	vlt.u32 v2, $0x3D80  }
0xc7: {  	v4 =	vimm.s32 $0x0;
	v2 =	vnsel vm1, $0x0, v2;
	vm0 =	vmand vm1, vm2  }
0xc8: {  	v3 =	vshll.u32 v2, $0x3;
	v4 =	vsel vm0, $0xFFFFFFFF, v4  }
0xc9: {  	[tilespmem:$0x1FFA0] =	vst v4;
	v4 =	vand.u32 $0x7F, v2;
	v3 =	vand.u32 $0xFFFFFC00, v3  }
0xca: {  	vm5 =	vmand vm1, vm12;
	v3 =	vor.u32 v4, v3;
	v4 =	vimm.s32 $0x0  }
0xcb: {  	v4 =	vsel vm5, $0xFFFFFFFF, v4  }
0xcc: {  	vm5 =	vmand vm1, vm13;
	[tilespmem:$0x1FFB0] =	vst v4;
	v4 =	vimm.s32 $0x0  }
0xcd: {  	v4 =	vsel vm5, $0xFFFFFFFF, v4  }
0xce: {  	vm7 =	vmand vm1, vm14;
	[tilespmem:$0x1FFC0] =	vst v4;
	v4 =	vimm.s32 $0x0  }
0xcf: {  	v4 =	vsel vm7, $0xFFFFFFFF, v4  }
0xd0: {  	[tilespmem:$0x1FFD0] =	vst v4;
	v4 =	vld [tilespmem:$0x1FFA0];
	_ =	sdelay $0x4  }
0xd1: {  	vm5 =	vnez.u8 v4  }
0xd2: {  	v2 =	vld [tilespmem:s0+$0x400];
	_ =	sdelay $0x3  }
0xd3: {  	vm7 =	vcmask $0x1B18  }
0xd4: {  	vm3 =	vmand vm1, vm8;
	v4 =	vimm.s32 $0x0;
	[tilespmem:v3+s30+$0x0] =	vst.idx.add.f32.msk vm5, v2;
	vm5 =	vmand vm1, vm7  }
0xd5: {  	vm0 =	vmmov vm2;
	vm2 =	vmand vm1, vm9;
	v4 =	vsel vm5, $0xFFFFFFFF, v4  }
0xd6: {  	[tilespmem:$0x1FFE0] =	vst v4;
	v4 =	vld [tilespmem:$0x1FFB0];
	_ =	sdelay $0x3  }
0xd7: {  	[tilespmem:v3+s30+$0x0] =	vst.idx.add.f32.msk vm3, v2  }
0xd8: {  	[tilespmem:v3+s30+$0x0] =	vst.idx.add.f32.msk vm2, v2;
	vm2 =	vnez.u8 v4  }
0xd9: {  	v4 =	vld [tilespmem:$0x1FFC0];
	_ =	sdelay $0x4  }
0xda: {  	[tilespmem:v3+s30+$0x0] =	vst.idx.add.f32.msk vm2, v2;
	vm2 =	vnez.u8 v4  }
0xdb: {  	v4 =	vld [tilespmem:$0x1FFD0];
	_ =	sdelay $0x4  }
0xdc: {  	[tilespmem:v3+s30+$0x0] =	vst.idx.add.f32.msk vm2, v2;
	vm2 =	vnez.u8 v4  }
0xdd: {  	v4 =	vld [tilespmem:$0x1FFE0];
	_ =	sdelay $0x4  }
0xde: {  	vm3 =	vcmask $0x1F1C;
	[tilespmem:v3+s30+$0x0] =	vst.idx.add.f32.msk vm2, v2;
	vm2 =	vnez.u8 v4  }
0xdf: {  	vm5 =	vmand vm1, vm3  }
0xe0: {  	vm4 =	vmand vm1, vm4  }
0xe1: {  	vm6 =	vmand vm1, vm6  }
0xe2: {  	vm10 =	vmand vm1, vm10  }
0xe3: {  	vm11 =	vmand vm1, vm11  }
0xe4: {  	vm3 =	vmand vm1, vm15;
	[tilespmem:v3+s30+$0x0] =	vst.idx.add.f32.msk vm2, v2;
	vm2 =	vcmask $0x3734  }
0xe5: {  	[tilespmem:v3+s30+$0x0] =	vst.idx.add.f32.msk vm5, v2;
	vm2 =	vmand vm1, vm2  }
0xe6: {  	[tilespmem:v3+s30+$0x0] =	vst.idx.add.f32.msk vm4, v2  }
0xe7: {  	[tilespmem:v3+s30+$0x0] =	vst.idx.add.f32.msk vm6, v2  }
0xe8: {  	[tilespmem:v3+s30+$0x0] =	vst.idx.add.f32.msk vm10, v2  }
0xe9: {  	vm4 =	vcmask $0x3B38;
	[tilespmem:v3+s30+$0x0] =	vst.idx.add.f32.msk vm11, v2  }
0xea: {  	vm4 =	vmand vm1, vm4;
	[tilespmem:v3+s30+$0x0] =	vst.idx.add.f32.msk vm3, v2  }
0xeb: {  	[tilespmem:v3+s30+$0x0] =	vst.idx.add.f32.msk vm2, v2;
	vm2 =	vcmask $0x3F3C  }
0xec: {  	vm1 =	vmand vm1, vm2;
	_ =	sdelay $0x2  }
0xed: {  	s19 =	simm.s32 $0x10;
	s0 =	simm.s32 $0x20  }
0xee: {  	s2 =	simm.s32 $0x20;
	s19 =	sand.u32 $0x70, s19;
	s20 =	sand.u32 $0x300, s0;
	vm15 =	vmmov vm7;
	[tilespmem:v3+s30+$0x0] =	vst.idx.add.f32.msk vm4, v2  }
.LBB2_4:
0xef: {  	p1 =	sne.s32 s2, $0x1F0  }
0xf0: {  	s20 =	sor.u32 s19, s20;
	[tilespmem:v3+s30+$0x0] =	vst.idx.add.f32.msk vm1, v2;
	s19 =	smov.u32 s2;
	s2 =	sadd.s32 $0x10, s2  }
0xf1: {  	v2 =	vld [tilespmem:s20+$0x0];
	_ =	sdelay $0x4  }
0xf2: {  	v2 =	vsub.s32 v2, v0  }
0xf3: {  	vm10 =	vmmov vm8;
	vm1 =	vlt.u32 v2, $0x3D80  }
0xf4: {  	vm2 =	vcmask $0x2B28;
	v2 =	vnsel vm1, $0x0, v2;
	vm4 =	vmand vm1, vm8  }
0xf5: {  	vm5 =	vmand vm1, vm9;
	vm6 =	vmand vm1, vm12;
	vm7 =	vmand vm1, vm13  }
0xf6: {  	vm8 =	vmand vm1, vm0;
	vm3 =	vmand vm1, vm2;
	v3 =	vshll.u32 v2, $0x3  }
0xf7: {  	vm2 =	vcmask $0x2F2C;
	v4 =	vand.u32 $0x7F, v2;
	v3 =	vand.u32 $0xFFFFFC00, v3  }
0xf8: {  	vm2 =	vmand vm1, vm2;
	v2 =	vld [tilespmem:s20+$0x400];
	v3 =	vor.u32 v4, v3;
	_ =	sdelay $0x3  }
0xf9: {  	vm11 =	vmmov vm9;
	vm9 =	vmand vm1, vm14  }
0xfa: {  	[tilespmem:v3+s30+$0x0] =	vst.idx.add.f32.msk vm8, v2;
	vm8 =	vmand vm1, vm15  }
0xfb: {  	[tilespmem:v3+s30+$0x0] =	vst.idx.add.f32.msk vm4, v2;
	vm4 =	vcmask $0x1F1C  }
0xfc: {  	vm4 =	vmand vm1, vm4  }
0xfd: {  	[tilespmem:v3+s30+$0x0] =	vst.idx.add.f32.msk vm5, v2;
	vm5 =	vcmask $0x2320  }
0xfe: {  	vm5 =	vmand vm1, vm5  }
0xff: {  	[tilespmem:v3+s30+$0x0] =	vst.idx.add.f32.msk vm6, v2;
	vm6 =	vcmask $0x2724  }
0x100: {  	vm6 =	vmand vm1, vm6  }
0x101: {  	[tilespmem:v3+s30+$0x0] =	vst.idx.add.f32.msk vm7, v2  }
0x102: {  	vm7 =	vcmask $0x3330;
	[tilespmem:v3+s30+$0x0] =	vst.idx.add.f32.msk vm9, v2;
	vm9 =	vmmov vm11  }
0x103: {  	vm7 =	vmand vm1, vm7;
	[tilespmem:v3+s30+$0x0] =	vst.idx.add.f32.msk vm8, v2;
	vm8 =	vmmov vm10  }
0x104: {  	[tilespmem:v3+s30+$0x0] =	vst.idx.add.f32.msk vm4, v2;
	vm4 =	vcmask $0x3734  }
0x105: {  	vm4 =	vmand vm1, vm4  }
0x106: {  	[tilespmem:v3+s30+$0x0] =	vst.idx.add.f32.msk vm5, v2;
	vm5 =	vcmask $0x3B38  }
0x107: {  	vm5 =	vmand vm1, vm5  }
0x108: {  	[tilespmem:v3+s30+$0x0] =	vst.idx.add.f32.msk vm6, v2;
	vm6 =	vcmask $0x3F3C  }
0x109: {  	vm1 =	vmand vm1, vm6  }
.Ltmp1:
0x10a: {  	[tilespmem:v3+s30+$0x0] =	vst.idx.add.f32.msk vm3, v2;
	(pc) =	sbr.rel @p1 .LBB2_4-.Ltmp1, $4  }
0x10b: {  	[tilespmem:v3+s30+$0x0] =	vst.idx.add.f32.msk vm2, v2  }
0x10c: {  	[tilespmem:v3+s30+$0x0] =	vst.idx.add.f32.msk vm7, v2  }
0x10d: {  	s0 =	sadd.s32 $0x20, s0;
	[tilespmem:v3+s30+$0x0] =	vst.idx.add.f32.msk vm4, v2  }
0x10e: {  	s19 =	sand.u32 $0x70, s19;
	s20 =	sand.u32 $0x300, s0;
	[tilespmem:v3+s30+$0x0] =	vst.idx.add.f32.msk vm5, v2  }
0x10f: {  	_ =	sdelay $0x4  }
0x110: {  	s0 =	sor.u32 s19, s20;
	[tilespmem:v3+s30+$0x0] =	vst.idx.add.f32.msk vm1, v2  }
0x111: {  	v2 =	vld [tilespmem:s0+$0x0];
	_ =	sdelay $0x4  }
0x112: {  	v2 =	vsub.s32 v2, v0  }
0x113: {  	vm1 =	vlt.u32 v2, $0x3D80  }
0x114: {  	v4 =	vimm.s32 $0x0;
	v2 =	vnsel vm1, $0x0, v2;
	vm2 =	vmand vm1, vm0  }
0x115: {  	v3 =	vshll.u32 v2, $0x3;
	v4 =	vsel vm2, $0xFFFFFFFF, v4  }
0x116: {  	v2 =	vand.u32 $0x7F, v2;
	[tilespmem:$0x1FF90] =	vst v4;
	v3 =	vand.u32 $0xFFFFFC00, v3  }
0x117: {  	v2 =	vor.u32 v2, v3;
	v3 =	vld [tilespmem:$0x1FF90];
	_ =	sdelay $0x4  }
0x118: {  	vm2 =	vnez.u8 v3  }
0x119: {  	vm3 =	vmand vm1, vm8;
	v4 =	vld [tilespmem:s0+$0x400]  }
0x11a: {  	vm4 =	vmand vm1, vm9  }
0x11b: {  	vm5 =	vmand vm1, vm12;
	_ =	sdelay $0x1  }
0x11c: {  	vm6 =	vmand vm1, vm13  }
0x11d: {  	vm7 =	vmand vm1, vm14;
	[tilespmem:v2+s30+$0x0] =	vst.idx.add.f32.msk vm2, v4  }
0x11e: {  	vm2 =	vmand vm1, vm15;
	[tilespmem:v2+s30+$0x0] =	vst.idx.add.f32.msk vm3, v4;
	vm3 =	vcmask $0x1F1C  }
0x11f: {  	vm3 =	vmand vm1, vm3;
	[tilespmem:v2+s30+$0x0] =	vst.idx.add.f32.msk vm4, v4;
	vm4 =	vcmask $0x2320  }
0x120: {  	vm4 =	vmand vm1, vm4;
	[tilespmem:v2+s30+$0x0] =	vst.idx.add.f32.msk vm5, v4;
	vm5 =	vcmask $0x2724  }
0x121: {  	vm5 =	vmand vm1, vm5  }
0x122: {  	[tilespmem:v2+s30+$0x0] =	vst.idx.add.f32.msk vm6, v4;
	vm6 =	vcmask $0x2B28  }
0x123: {  	vm6 =	vmand vm1, vm6;
	[tilespmem:v2+s30+$0x0] =	vst.idx.add.f32.msk vm7, v4;
	vm7 =	vcmask $0x2F2C  }
0x124: {  	vm7 =	vmand vm1, vm7;
	[tilespmem:v2+s30+$0x0] =	vst.idx.add.f32.msk vm2, v4;
	vm2 =	vcmask $0x3330  }
0x125: {  	vm2 =	vmand vm1, vm2;
	[tilespmem:v2+s30+$0x0] =	vst.idx.add.f32.msk vm3, v4;
	vm3 =	vcmask $0x3734  }
0x126: {  	vm3 =	vmand vm1, vm3;
	[tilespmem:v2+s30+$0x0] =	vst.idx.add.f32.msk vm4, v4;
	vm4 =	vcmask $0x3B38  }
0x127: {  	vm4 =	vmand vm1, vm4;
	[tilespmem:v2+s30+$0x0] =	vst.idx.add.f32.msk vm5, v4;
	vm5 =	vcmask $0x3F3C  }
0x128: {  	vm1 =	vmand vm1, vm5  }
0x129: {  	[tilespmem:v2+s30+$0x0] =	vst.idx.add.f32.msk vm6, v4  }
0x12a: {  	[tilespmem:v2+s30+$0x0] =	vst.idx.add.f32.msk vm7, v4  }
0x12b: {  	[tilespmem:v2+s30+$0x0] =	vst.idx.add.f32.msk vm2, v4  }
0x12c: {  	[tilespmem:v2+s30+$0x0] =	vst.idx.add.f32.msk vm3, v4  }
0x12d: {  	[tilespmem:v2+s30+$0x0] =	vst.idx.add.f32.msk vm4, v4  }
0x12e: {  	[tilespmem:v2+s30+$0x0] =	vst.idx.add.f32.msk vm1, v4  }
0x12f: {  	_ =	swait.ge [sflag:s22], $0x200  }
0x130: {  	[sflag:s22] =	ssyncset.done $0x0  }
0x131: {  	[sflag:s22] =	ssyncadd.s32 $0xFFFFFE00  }
0x132: {  	_ =	swait.ge [sflag:s22], $0x200  }
0x133: {  	[sflag:s22] =	ssyncset.done $0x0  }
0x134: {  	s0 =	simm.s32 $0x0;
	[sflag:s22] =	ssyncadd.s32 $0xFFFFFE00  }
0x135: {  	[tilespmem:s0], [sflag:$0x1] =	stream.linear.gather [hbm4b:s7+s0], $0x80, $0x38;
	[tilespmem:$0x1F400] =	vst v63  }
0x136: {  	s2 =	sadd.s32 $0x10, s7;
	s20 =	simm.s32 $0x100  }
0x137: {  	[tilespmem:s20], [sflag:$0x1] =	stream.linear.gather [hbm4b:s2+s0], $0x80, $0x38;
	[tilespmem:$0x1F400] =	vst v63  }
0x138: {  	s19 =	sadd.s32 $0x20, s7;
	s20 =	simm.s32 $0x200  }
0x139: {  	[tilespmem:s20], [sflag:$0x1] =	stream.linear.gather [hbm4b:s19+s0], $0x80, $0x38;
	[tilespmem:$0x1F400] =	vst v63  }
0x13a: {  	s19 =	sadd.s32 $0x30, s7;
	s20 =	simm.s32 $0x300  }
0x13b: {  	[tilespmem:s20], [sflag:$0x1] =	stream.linear.gather [hbm4b:s19+s0], $0x80, $0x38;
	[tilespmem:$0x1F400] =	vst v63  }
0x13c: {  	s20 =	simm.s32 $0x400  }
0x13d: {  	[tilespmem:s20], [sflag:$0x1] =	stream.linear.gather [hbm4b:s8+s0], $0x80, $0x38;
	[tilespmem:$0x1F400] =	vst v63  }
0x13e: {  	s19 =	sadd.s32 $0x10, s8;
	s20 =	simm.s32 $0x500  }
0x13f: {  	[tilespmem:s20], [sflag:$0x1] =	stream.linear.gather [hbm4b:s19+s0], $0x80, $0x38;
	[tilespmem:$0x1F400] =	vst v63  }
0x140: {  	s19 =	sadd.s32 $0x20, s8;
	s20 =	simm.s32 $0x600  }
0x141: {  	[tilespmem:s20], [sflag:$0x1] =	stream.linear.gather [hbm4b:s19+s0], $0x80, $0x38;
	[tilespmem:$0x1F400] =	vst v63  }
0x142: {  	s20 =	sadd.s32 $0x30, s8  }
0x143: {  	[tilespmem:s21], [sflag:$0x1] =	stream.linear.gather [hbm4b:s20+s0], $0x80, $0x38;
	[tilespmem:$0x1F400] =	vst v63  }
0x144: {  	s19 =	sand.u32 $0x70, s0;
	s0 =	sand.u32 $0x300, s0  }
0x145: {  	s0 =	sor.u32 s0, s19  }
0x146: {  	v2 =	vld [tilespmem:s0+$0x80];
	_ =	sdelay $0x3  }
0x147: {  	v4 =	vld [tilespmem:$0x1FFF0]  }
0x148: {  	v2 =	vsub.s32 v2, v0  }
0x149: {  	vm1 =	vlt.u32 v2, $0x3D80  }
0x14a: {  	v2 =	vnsel vm1, $0x0, v2  }
0x14b: {  	v3 =	vshll.u32 v2, $0x3  }
0x14c: {  	vm2 =	vnez.u8 v4;
	v2 =	vand.u32 $0x7F, v2;
	v3 =	vand.u32 $0xFFFFFC00, v3  }
0x14d: {  	vm2 =	vmand vm1, vm2;
	v3 =	vor.u32 v3, v2  }
0x14e: {  	v2 =	vld [tilespmem:s0+$0x480];
	v3 =	vor.u32 $0x80, v3  }
0x14f: {  	vm3 =	vmand vm1, vm8  }
0x150: {  	vm5 =	vcmask $0xF0C;
	vm4 =	vmand vm1, vm9  }
0x151: {  	vm6 =	vcmask $0x1310;
	vm5 =	vmand vm1, vm5  }
0x152: {  	vm7 =	vcmask $0x1714;
	vm6 =	vmand vm1, vm6  }
0x153: {  	vm7 =	vmand vm1, vm7;
	[tilespmem:v3+s30+$0x0] =	vst.idx.add.f32.msk vm2, v2;
	vm2 =	vcmask $0x1B18  }
0x154: {  	vm2 =	vmand vm1, vm2  }
0x155: {  	[tilespmem:v3+s30+$0x0] =	vst.idx.add.f32.msk vm3, v2;
	vm3 =	vcmask $0x1F1C  }
0x156: {  	vm3 =	vmand vm1, vm3;
	[tilespmem:v3+s30+$0x0] =	vst.idx.add.f32.msk vm4, v2;
	vm4 =	vcmask $0x2320  }
0x157: {  	vm4 =	vmand vm1, vm4;
	[tilespmem:v3+s30+$0x0] =	vst.idx.add.f32.msk vm5, v2;
	vm5 =	vcmask $0x2724  }
0x158: {  	vm5 =	vmand vm1, vm5;
	[tilespmem:v3+s30+$0x0] =	vst.idx.add.f32.msk vm6, v2;
	vm6 =	vcmask $0x2B28  }
0x159: {  	vm6 =	vmand vm1, vm6;
	[tilespmem:v3+s30+$0x0] =	vst.idx.add.f32.msk vm7, v2;
	vm7 =	vcmask $0x2F2C  }
0x15a: {  	vm7 =	vmand vm1, vm7;
	[tilespmem:v3+s30+$0x0] =	vst.idx.add.f32.msk vm2, v2;
	vm2 =	vcmask $0x3330  }
0x15b: {  	vm2 =	vmand vm1, vm2  }
0x15c: {  	[tilespmem:v3+s30+$0x0] =	vst.idx.add.f32.msk vm3, v2  }
0x15d: {  	[tilespmem:v3+s30+$0x0] =	vst.idx.add.f32.msk vm4, v2  }
0x15e: {  	vm3 =	vcmask $0x3734;
	[tilespmem:v3+s30+$0x0] =	vst.idx.add.f32.msk vm5, v2  }
0x15f: {  	vm3 =	vmand vm1, vm3;
	vm4 =	vcmask $0x3B38;
	[tilespmem:v3+s30+$0x0] =	vst.idx.add.f32.msk vm6, v2  }
0x160: {  	vm4 =	vmand vm1, vm4;
	[tilespmem:v3+s30+$0x0] =	vst.idx.add.f32.msk vm7, v2  }
0x161: {  	[tilespmem:v3+s30+$0x0] =	vst.idx.add.f32.msk vm2, v2;
	vm2 =	vcmask $0x3F3C  }
0x162: {  	vm1 =	vmand vm1, vm2;
	_ =	sdelay $0x2  }
0x163: {  	s20 =	simm.s32 $0x10;
	s0 =	simm.s32 $0x20;
	[tilespmem:v3+s30+$0x0] =	vst.idx.add.f32.msk vm3, v2  }
0x164: {  	s2 =	simm.s32 $0x20;
	s19 =	sand.u32 $0x70, s20;
	s20 =	sand.u32 $0x300, s0;
	[tilespmem:v3+s30+$0x0] =	vst.idx.add.f32.msk vm4, v2  }
.LBB2_6:
0x165: {  	p1 =	sne.s32 s2, $0x1F0  }
0x166: {  	s20 =	sor.u32 s20, s19;
	[tilespmem:v3+s30+$0x0] =	vst.idx.add.f32.msk vm1, v2;
	s19 =	smov.u32 s2;
	s2 =	sadd.s32 $0x10, s2  }
0x167: {  	v2 =	vld [tilespmem:s20+$0x80];
	_ =	sdelay $0x4  }
0x168: {  	v2 =	vsub.s32 v2, v0  }
0x169: {  	vm2 =	vcmask $0x2B28;
	vm3 =	vcmask $0x2F2C;
	vm1 =	vlt.u32 v2, $0x3D80  }
0x16a: {  	v2 =	vnsel vm1, $0x0, v2;
	vm4 =	vmand vm1, vm8;
	vm5 =	vmand vm1, vm9  }
0x16b: {  	vm6 =	vmand vm1, vm12;
	vm7 =	vmand vm1, vm13;
	v3 =	vshll.u32 v2, $0x3  }
0x16c: {  	vm2 =	vmand vm1, vm2;
	v2 =	vand.u32 $0x7F, v2;
	v3 =	vand.u32 $0xFFFFFC00, v3  }
0x16d: {  	vm8 =	vmand vm1, vm0;
	vm3 =	vmand vm1, vm3;
	v3 =	vor.u32 v3, v2  }
0x16e: {  	v2 =	vld [tilespmem:s20+$0x480];
	v3 =	vor.u32 $0x80, v3;
	_ =	sdelay $0x3  }
0x16f: {  	vm9 =	vmand vm1, vm14  }
0x170: {  	[tilespmem:v3+s30+$0x0] =	vst.idx.add.f32.msk vm8, v2;
	vm8 =	vmand vm1, vm15  }
0x171: {  	[tilespmem:v3+s30+$0x0] =	vst.idx.add.f32.msk vm4, v2;
	vm4 =	vcmask $0x1F1C  }
0x172: {  	vm4 =	vmand vm1, vm4  }
0x173: {  	[tilespmem:v3+s30+$0x0] =	vst.idx.add.f32.msk vm5, v2;
	vm5 =	vcmask $0x2320  }
0x174: {  	vm5 =	vmand vm1, vm5  }
0x175: {  	[tilespmem:v3+s30+$0x0] =	vst.idx.add.f32.msk vm6, v2;
	vm6 =	vcmask $0x2724  }
0x176: {  	vm6 =	vmand vm1, vm6  }
0x177: {  	[tilespmem:v3+s30+$0x0] =	vst.idx.add.f32.msk vm7, v2  }
0x178: {  	vm7 =	vcmask $0x3330;
	[tilespmem:v3+s30+$0x0] =	vst.idx.add.f32.msk vm9, v2;
	vm9 =	vmmov vm11  }
0x179: {  	vm7 =	vmand vm1, vm7;
	[tilespmem:v3+s30+$0x0] =	vst.idx.add.f32.msk vm8, v2;
	vm8 =	vmmov vm10  }
0x17a: {  	[tilespmem:v3+s30+$0x0] =	vst.idx.add.f32.msk vm4, v2;
	vm4 =	vcmask $0x3734  }
0x17b: {  	vm4 =	vmand vm1, vm4  }
0x17c: {  	[tilespmem:v3+s30+$0x0] =	vst.idx.add.f32.msk vm5, v2;
	vm5 =	vcmask $0x3B38  }
0x17d: {  	vm5 =	vmand vm1, vm5  }
0x17e: {  	[tilespmem:v3+s30+$0x0] =	vst.idx.add.f32.msk vm6, v2;
	vm6 =	vcmask $0x3F3C  }
0x17f: {  	vm1 =	vmand vm1, vm6  }
.Ltmp2:
0x180: {  	[tilespmem:v3+s30+$0x0] =	vst.idx.add.f32.msk vm2, v2;
	(pc) =	sbr.rel @p1 .LBB2_6-.Ltmp2, $4  }
0x181: {  	[tilespmem:v3+s30+$0x0] =	vst.idx.add.f32.msk vm3, v2  }
0x182: {  	[tilespmem:v3+s30+$0x0] =	vst.idx.add.f32.msk vm7, v2  }
0x183: {  	s0 =	sadd.s32 $0x20, s0;
	[tilespmem:v3+s30+$0x0] =	vst.idx.add.f32.msk vm4, v2  }
0x184: {  	s19 =	sand.u32 $0x70, s19;
	s20 =	sand.u32 $0x300, s0;
	[tilespmem:v3+s30+$0x0] =	vst.idx.add.f32.msk vm5, v2  }
0x185: {  	_ =	sdelay $0x4  }
0x186: {  	s0 =	sor.u32 s20, s19;
	[tilespmem:v3+s30+$0x0] =	vst.idx.add.f32.msk vm1, v2  }
0x187: {  	v2 =	vld [tilespmem:s0+$0x80];
	_ =	sdelay $0x4  }
0x188: {  	v2 =	vsub.s32 v2, v0  }
0x189: {  	vm1 =	vlt.u32 v2, $0x3D80  }
0x18a: {  	v4 =	vimm.s32 $0x0;
	vm2 =	vmand vm1, vm0  }
0x18b: {  	v4 =	vsel vm2, $0xFFFFFFFF, v4  }
0x18c: {  	[tilespmem:$0x1FF80] =	vst v4  }
0x18d: {  	v4 =	vld [tilespmem:$0x1FF80];
	_ =	sdelay $0x1  }
0x18e: {  	v2 =	vnsel vm1, $0x0, v2  }
0x18f: {  	v3 =	vshll.u32 v2, $0x3  }
0x190: {  	v2 =	vand.u32 $0x7F, v2;
	v3 =	vand.u32 $0xFFFFFC00, v3  }
0x191: {  	v2 =	vor.u32 v3, v2;
	vm2 =	vnez.u8 v4  }
0x192: {  	vm3 =	vmand vm1, vm8;
	v3 =	vld [tilespmem:s0+$0x480];
	v2 =	vor.u32 $0x80, v2  }
0x193: {  	vm4 =	vmand vm1, vm9  }
0x194: {  	vm5 =	vmand vm1, vm12;
	_ =	sdelay $0x1  }
0x195: {  	vm6 =	vmand vm1, vm13  }
0x196: {  	vm7 =	vmand vm1, vm14;
	[tilespmem:v2+s30+$0x0] =	vst.idx.add.f32.msk vm2, v3  }
0x197: {  	vm2 =	vmand vm1, vm15;
	[tilespmem:v2+s30+$0x0] =	vst.idx.add.f32.msk vm3, v3;
	vm3 =	vcmask $0x1F1C  }
0x198: {  	vm3 =	vmand vm1, vm3;
	[tilespmem:v2+s30+$0x0] =	vst.idx.add.f32.msk vm4, v3;
	vm4 =	vcmask $0x2320  }
0x199: {  	vm4 =	vmand vm1, vm4;
	[tilespmem:v2+s30+$0x0] =	vst.idx.add.f32.msk vm5, v3;
	vm5 =	vcmask $0x2724  }
0x19a: {  	vm5 =	vmand vm1, vm5  }
0x19b: {  	[tilespmem:v2+s30+$0x0] =	vst.idx.add.f32.msk vm6, v3;
	vm6 =	vcmask $0x2B28  }
0x19c: {  	vm6 =	vmand vm1, vm6;
	[tilespmem:v2+s30+$0x0] =	vst.idx.add.f32.msk vm7, v3;
	vm7 =	vcmask $0x2F2C  }
0x19d: {  	vm7 =	vmand vm1, vm7;
	[tilespmem:v2+s30+$0x0] =	vst.idx.add.f32.msk vm2, v3;
	vm2 =	vcmask $0x3330  }
0x19e: {  	vm2 =	vmand vm1, vm2;
	[tilespmem:v2+s30+$0x0] =	vst.idx.add.f32.msk vm3, v3;
	vm3 =	vcmask $0x3734  }
0x19f: {  	vm3 =	vmand vm1, vm3;
	[tilespmem:v2+s30+$0x0] =	vst.idx.add.f32.msk vm4, v3;
	vm4 =	vcmask $0x3B38  }
0x1a0: {  	vm4 =	vmand vm1, vm4;
	[tilespmem:v2+s30+$0x0] =	vst.idx.add.f32.msk vm5, v3;
	vm5 =	vcmask $0x3F3C  }
0x1a1: {  	vm1 =	vmand vm1, vm5  }
0x1a2: {  	[tilespmem:v2+s30+$0x0] =	vst.idx.add.f32.msk vm6, v3  }
0x1a3: {  	[tilespmem:v2+s30+$0x0] =	vst.idx.add.f32.msk vm7, v3  }
0x1a4: {  	[tilespmem:v2+s30+$0x0] =	vst.idx.add.f32.msk vm2, v3  }
0x1a5: {  	[tilespmem:v2+s30+$0x0] =	vst.idx.add.f32.msk vm3, v3  }
0x1a6: {  	[tilespmem:v2+s30+$0x0] =	vst.idx.add.f32.msk vm4, v3  }
0x1a7: {  	[tilespmem:v2+s30+$0x0] =	vst.idx.add.f32.msk vm1, v3  }
0x1a8: {  	_ =	swait.ge [sflag:s22], $0x200  }
0x1a9: {  	[sflag:s22] =	ssyncset.done $0x0  }
0x1aa: {  	[sflag:s22] =	ssyncadd.s32 $0xFFFFFE00  }
0x1ab: {  	_ =	swait.ge [sflag:s22], $0x200  }
0x1ac: {  	[sflag:s22] =	ssyncset.done $0x0  }
0x1ad: {  	s0 =	simm.s32 $0x0;
	[sflag:s22] =	ssyncadd.s32 $0xFFFFFE00  }
0x1ae: {  	[tilespmem:s23], [sflag:$0x1] =	stream.linear.gather [hbm4b:s9+s0], $0x80, $0x38;
	[tilespmem:$0x1F400] =	vst v63  }
0x1af: {  	s2 =	sadd.s32 $0x10, s9  }
0x1b0: {  	[tilespmem:s24], [sflag:$0x1] =	stream.linear.gather [hbm4b:s2+s0], $0x80, $0x38;
	[tilespmem:$0x1F400] =	vst v63  }
0x1b1: {  	s20 =	sadd.s32 $0x20, s9  }
0x1b2: {  	[tilespmem:s25], [sflag:$0x1] =	stream.linear.gather [hbm4b:s20+s0], $0x80, $0x38;
	[tilespmem:$0x1F400] =	vst v63  }
0x1b3: {  	s19 =	sadd.s32 $0x30, s9  }
0x1b4: {  	[tilespmem:s26], [sflag:$0x1] =	stream.linear.gather [hbm4b:s19+s0], $0x80, $0x38;
	[tilespmem:$0x1F400] =	vst v63  }
0x1b5: {  	_ = 	snop  }
0x1b6: {  	[tilespmem:s28], [sflag:$0x1] =	stream.linear.gather [hbm4b:s10+s0], $0x80, $0x38;
	[tilespmem:$0x1F400] =	vst v63  }
0x1b7: {  	s20 =	sadd.s32 $0x10, s10  }
0x1b8: {  	[tilespmem:s29], [sflag:$0x1] =	stream.linear.gather [hbm4b:s20+s0], $0x80, $0x38;
	[tilespmem:$0x1F400] =	vst v63  }
0x1b9: {  	s19 =	sadd.s32 $0x20, s10  }
0x1ba: {  	[tilespmem:s3], [sflag:$0x1] =	stream.linear.gather [hbm4b:s19+s0], $0x80, $0x38;
	[tilespmem:$0x1F400] =	vst v63  }
0x1bb: {  	s20 =	sadd.s32 $0x30, s10  }
0x1bc: {  	[tilespmem:s4], [sflag:$0x1] =	stream.linear.gather [hbm4b:s20+s0], $0x80, $0x38;
	[tilespmem:$0x1F400] =	vst v63  }
0x1bd: {  	s19 =	sand.u32 $0x70, s0;
	s0 =	sand.u32 $0x300, s0  }
0x1be: {  	s0 =	sor.u32 s19, s0  }
0x1bf: {  	v2 =	vld [tilespmem:s0+$0x0];
	_ =	sdelay $0x3  }
0x1c0: {  	v4 =	vld [tilespmem:$0x1FFF0]  }
0x1c1: {  	v2 =	vsub.s32 v2, v0  }
0x1c2: {  	vm1 =	vlt.u32 v2, $0x3D80  }
0x1c3: {  	v2 =	vnsel vm1, $0x0, v2  }
0x1c4: {  	v3 =	vshll.u32 v2, $0x3  }
0x1c5: {  	vm2 =	vnez.u8 v4;
	v2 =	vand.u32 $0x7F, v2;
	v3 =	vand.u32 $0xFFFFFC00, v3  }
0x1c6: {  	vm2 =	vmand vm1, vm2;
	v3 =	vor.u32 v3, v2  }
0x1c7: {  	v2 =	vld [tilespmem:s0+$0x400];
	v3 =	vor.u32 $0x100, v3  }
0x1c8: {  	vm3 =	vmand vm1, vm8  }
0x1c9: {  	vm5 =	vcmask $0xF0C;
	vm4 =	vmand vm1, vm9  }
0x1ca: {  	vm6 =	vcmask $0x1310;
	vm5 =	vmand vm1, vm5  }
0x1cb: {  	vm7 =	vcmask $0x1714;
	vm6 =	vmand vm1, vm6  }
0x1cc: {  	vm7 =	vmand vm1, vm7;
	[tilespmem:v3+s30+$0x0] =	vst.idx.add.f32.msk vm2, v2;
	vm2 =	vcmask $0x1B18  }
0x1cd: {  	vm2 =	vmand vm1, vm2  }
0x1ce: {  	[tilespmem:v3+s30+$0x0] =	vst.idx.add.f32.msk vm3, v2;
	vm3 =	vcmask $0x1F1C  }
0x1cf: {  	vm3 =	vmand vm1, vm3;
	[tilespmem:v3+s30+$0x0] =	vst.idx.add.f32.msk vm4, v2;
	vm4 =	vcmask $0x2320  }
0x1d0: {  	vm4 =	vmand vm1, vm4;
	[tilespmem:v3+s30+$0x0] =	vst.idx.add.f32.msk vm5, v2;
	vm5 =	vcmask $0x2724  }
0x1d1: {  	vm5 =	vmand vm1, vm5;
	[tilespmem:v3+s30+$0x0] =	vst.idx.add.f32.msk vm6, v2;
	vm6 =	vcmask $0x2B28  }
0x1d2: {  	vm6 =	vmand vm1, vm6;
	[tilespmem:v3+s30+$0x0] =	vst.idx.add.f32.msk vm7, v2;
	vm7 =	vcmask $0x2F2C  }
0x1d3: {  	vm7 =	vmand vm1, vm7;
	[tilespmem:v3+s30+$0x0] =	vst.idx.add.f32.msk vm2, v2;
	vm2 =	vcmask $0x3330  }
0x1d4: {  	vm2 =	vmand vm1, vm2  }
0x1d5: {  	[tilespmem:v3+s30+$0x0] =	vst.idx.add.f32.msk vm3, v2  }
0x1d6: {  	[tilespmem:v3+s30+$0x0] =	vst.idx.add.f32.msk vm4, v2  }
0x1d7: {  	vm3 =	vcmask $0x3734;
	[tilespmem:v3+s30+$0x0] =	vst.idx.add.f32.msk vm5, v2  }
0x1d8: {  	vm3 =	vmand vm1, vm3;
	vm4 =	vcmask $0x3B38;
	[tilespmem:v3+s30+$0x0] =	vst.idx.add.f32.msk vm6, v2  }
0x1d9: {  	vm4 =	vmand vm1, vm4;
	[tilespmem:v3+s30+$0x0] =	vst.idx.add.f32.msk vm7, v2  }
0x1da: {  	[tilespmem:v3+s30+$0x0] =	vst.idx.add.f32.msk vm2, v2;
	vm2 =	vcmask $0x3F3C  }
0x1db: {  	vm1 =	vmand vm1, vm2;
	_ =	sdelay $0x2  }
0x1dc: {  	s20 =	simm.s32 $0x10;
	s0 =	simm.s32 $0x20;
	[tilespmem:v3+s30+$0x0] =	vst.idx.add.f32.msk vm3, v2  }
0x1dd: {  	s2 =	simm.s32 $0x20;
	s19 =	sand.u32 $0x70, s20;
	s20 =	sand.u32 $0x300, s0;
	[tilespmem:v3+s30+$0x0] =	vst.idx.add.f32.msk vm4, v2  }
.LBB2_8:
0x1de: {  	p1 =	sne.s32 s2, $0x1F0  }
0x1df: {  	s20 =	sor.u32 s19, s20;
	[tilespmem:v3+s30+$0x0] =	vst.idx.add.f32.msk vm1, v2;
	s19 =	smov.u32 s2;
	s2 =	sadd.s32 $0x10, s2  }
0x1e0: {  	v2 =	vld [tilespmem:s20+$0x0];
	_ =	sdelay $0x4  }
0x1e1: {  	v2 =	vsub.s32 v2, v0  }
0x1e2: {  	vm2 =	vcmask $0x2B28;
	vm3 =	vcmask $0x2F2C;
	vm1 =	vlt.u32 v2, $0x3D80  }
0x1e3: {  	v2 =	vnsel vm1, $0x0, v2;
	vm4 =	vmand vm1, vm8;
	vm5 =	vmand vm1, vm9  }
0x1e4: {  	vm6 =	vmand vm1, vm12;
	vm7 =	vmand vm1, vm13;
	v3 =	vshll.u32 v2, $0x3  }
0x1e5: {  	vm2 =	vmand vm1, vm2;
	v2 =	vand.u32 $0x7F, v2;
	v3 =	vand.u32 $0xFFFFFC00, v3  }
0x1e6: {  	vm8 =	vmand vm1, vm0;
	vm3 =	vmand vm1, vm3;
	v3 =	vor.u32 v3, v2  }
0x1e7: {  	v2 =	vld [tilespmem:s20+$0x400];
	v3 =	vor.u32 $0x100, v3;
	_ =	sdelay $0x3  }
0x1e8: {  	vm9 =	vmand vm1, vm14  }
0x1e9: {  	[tilespmem:v3+s30+$0x0] =	vst.idx.add.f32.msk vm8, v2;
	vm8 =	vmand vm1, vm15  }
0x1ea: {  	[tilespmem:v3+s30+$0x0] =	vst.idx.add.f32.msk vm4, v2;
	vm4 =	vcmask $0x1F1C  }
0x1eb: {  	vm4 =	vmand vm1, vm4  }
0x1ec: {  	[tilespmem:v3+s30+$0x0] =	vst.idx.add.f32.msk vm5, v2;
	vm5 =	vcmask $0x2320  }
0x1ed: {  	vm5 =	vmand vm1, vm5  }
0x1ee: {  	[tilespmem:v3+s30+$0x0] =	vst.idx.add.f32.msk vm6, v2;
	vm6 =	vcmask $0x2724  }
0x1ef: {  	vm6 =	vmand vm1, vm6  }
0x1f0: {  	[tilespmem:v3+s30+$0x0] =	vst.idx.add.f32.msk vm7, v2  }
0x1f1: {  	vm7 =	vcmask $0x3330;
	[tilespmem:v3+s30+$0x0] =	vst.idx.add.f32.msk vm9, v2;
	vm9 =	vmmov vm11  }
0x1f2: {  	vm7 =	vmand vm1, vm7;
	[tilespmem:v3+s30+$0x0] =	vst.idx.add.f32.msk vm8, v2;
	vm8 =	vmmov vm10  }
0x1f3: {  	[tilespmem:v3+s30+$0x0] =	vst.idx.add.f32.msk vm4, v2;
	vm4 =	vcmask $0x3734  }
0x1f4: {  	vm4 =	vmand vm1, vm4  }
0x1f5: {  	[tilespmem:v3+s30+$0x0] =	vst.idx.add.f32.msk vm5, v2;
	vm5 =	vcmask $0x3B38  }
0x1f6: {  	vm5 =	vmand vm1, vm5  }
0x1f7: {  	[tilespmem:v3+s30+$0x0] =	vst.idx.add.f32.msk vm6, v2;
	vm6 =	vcmask $0x3F3C  }
0x1f8: {  	vm1 =	vmand vm1, vm6  }
.Ltmp3:
0x1f9: {  	[tilespmem:v3+s30+$0x0] =	vst.idx.add.f32.msk vm2, v2;
	(pc) =	sbr.rel @p1 .LBB2_8-.Ltmp3, $4  }
0x1fa: {  	[tilespmem:v3+s30+$0x0] =	vst.idx.add.f32.msk vm3, v2  }
0x1fb: {  	[tilespmem:v3+s30+$0x0] =	vst.idx.add.f32.msk vm7, v2  }
0x1fc: {  	s0 =	sadd.s32 $0x20, s0;
	[tilespmem:v3+s30+$0x0] =	vst.idx.add.f32.msk vm4, v2  }
0x1fd: {  	s19 =	sand.u32 $0x70, s19;
	s20 =	sand.u32 $0x300, s0;
	[tilespmem:v3+s30+$0x0] =	vst.idx.add.f32.msk vm5, v2  }
0x1fe: {  	_ =	sdelay $0x4  }
0x1ff: {  	s0 =	sor.u32 s19, s20;
	[tilespmem:v3+s30+$0x0] =	vst.idx.add.f32.msk vm1, v2  }
0x200: {  	v2 =	vld [tilespmem:s0+$0x0];
	_ =	sdelay $0x4  }
0x201: {  	v2 =	vsub.s32 v2, v0  }
0x202: {  	vm1 =	vlt.u32 v2, $0x3D80  }
0x203: {  	v4 =	vimm.s32 $0x0;
	vm2 =	vmand vm1, vm0  }
0x204: {  	v4 =	vsel vm2, $0xFFFFFFFF, v4  }
0x205: {  	[tilespmem:$0x1FF70] =	vst v4  }
0x206: {  	v4 =	vld [tilespmem:$0x1FF70];
	_ =	sdelay $0x1  }
0x207: {  	v2 =	vnsel vm1, $0x0, v2  }
0x208: {  	v3 =	vshll.u32 v2, $0x3  }
0x209: {  	v2 =	vand.u32 $0x7F, v2;
	v3 =	vand.u32 $0xFFFFFC00, v3  }
0x20a: {  	v2 =	vor.u32 v3, v2;
	vm2 =	vnez.u8 v4  }
0x20b: {  	vm3 =	vmand vm1, vm8;
	v3 =	vld [tilespmem:s0+$0x400];
	v2 =	vor.u32 $0x100, v2  }
0x20c: {  	vm4 =	vmand vm1, vm9  }
0x20d: {  	vm5 =	vmand vm1, vm12;
	_ =	sdelay $0x1  }
0x20e: {  	vm6 =	vmand vm1, vm13  }
0x20f: {  	vm7 =	vmand vm1, vm14;
	[tilespmem:v2+s30+$0x0] =	vst.idx.add.f32.msk vm2, v3  }
0x210: {  	vm2 =	vmand vm1, vm15;
	[tilespmem:v2+s30+$0x0] =	vst.idx.add.f32.msk vm3, v3;
	vm3 =	vcmask $0x1F1C  }
0x211: {  	vm3 =	vmand vm1, vm3;
	[tilespmem:v2+s30+$0x0] =	vst.idx.add.f32.msk vm4, v3;
	vm4 =	vcmask $0x2320  }
0x212: {  	vm4 =	vmand vm1, vm4;
	[tilespmem:v2+s30+$0x0] =	vst.idx.add.f32.msk vm5, v3;
	vm5 =	vcmask $0x2724  }
0x213: {  	vm5 =	vmand vm1, vm5  }
0x214: {  	[tilespmem:v2+s30+$0x0] =	vst.idx.add.f32.msk vm6, v3;
	vm6 =	vcmask $0x2B28  }
0x215: {  	vm6 =	vmand vm1, vm6;
	[tilespmem:v2+s30+$0x0] =	vst.idx.add.f32.msk vm7, v3;
	vm7 =	vcmask $0x2F2C  }
0x216: {  	vm7 =	vmand vm1, vm7;
	[tilespmem:v2+s30+$0x0] =	vst.idx.add.f32.msk vm2, v3;
	vm2 =	vcmask $0x3330  }
0x217: {  	vm2 =	vmand vm1, vm2;
	[tilespmem:v2+s30+$0x0] =	vst.idx.add.f32.msk vm3, v3;
	vm3 =	vcmask $0x3734  }
0x218: {  	vm3 =	vmand vm1, vm3;
	[tilespmem:v2+s30+$0x0] =	vst.idx.add.f32.msk vm4, v3;
	vm4 =	vcmask $0x3B38  }
0x219: {  	vm4 =	vmand vm1, vm4;
	[tilespmem:v2+s30+$0x0] =	vst.idx.add.f32.msk vm5, v3;
	vm5 =	vcmask $0x3F3C  }
0x21a: {  	vm1 =	vmand vm1, vm5  }
0x21b: {  	[tilespmem:v2+s30+$0x0] =	vst.idx.add.f32.msk vm6, v3  }
0x21c: {  	[tilespmem:v2+s30+$0x0] =	vst.idx.add.f32.msk vm7, v3  }
0x21d: {  	[tilespmem:v2+s30+$0x0] =	vst.idx.add.f32.msk vm2, v3  }
0x21e: {  	[tilespmem:v2+s30+$0x0] =	vst.idx.add.f32.msk vm3, v3  }
0x21f: {  	[tilespmem:v2+s30+$0x0] =	vst.idx.add.f32.msk vm4, v3  }
0x220: {  	[tilespmem:v2+s30+$0x0] =	vst.idx.add.f32.msk vm1, v3  }
0x221: {  	_ =	swait.ge [sflag:s22], $0x200  }
0x222: {  	[sflag:s22] =	ssyncset.done $0x0  }
0x223: {  	[sflag:s22] =	ssyncadd.s32 $0xFFFFFE00  }
0x224: {  	_ =	swait.ge [sflag:s22], $0x200  }
0x225: {  	[sflag:s22] =	ssyncset.done $0x0  }
0x226: {  	s0 =	simm.s32 $0x0;
	[sflag:s22] =	ssyncadd.s32 $0xFFFFFE00  }
0x227: {  	[tilespmem:s0], [sflag:$0x1] =	stream.linear.gather [hbm4b:s11+s0], $0x80, $0x38;
	[tilespmem:$0x1F400] =	vst v63  }
0x228: {  	s2 =	sadd.s32 $0x10, s11;
	s20 =	simm.s32 $0x100  }
0x229: {  	[tilespmem:s20], [sflag:$0x1] =	stream.linear.gather [hbm4b:s2+s0], $0x80, $0x38;
	[tilespmem:$0x1F400] =	vst v63  }
0x22a: {  	s19 =	sadd.s32 $0x20, s11;
	s20 =	simm.s32 $0x200  }
0x22b: {  	[tilespmem:s20], [sflag:$0x1] =	stream.linear.gather [hbm4b:s19+s0], $0x80, $0x38;
	[tilespmem:$0x1F400] =	vst v63  }
0x22c: {  	s19 =	sadd.s32 $0x30, s11;
	s20 =	simm.s32 $0x300  }
0x22d: {  	[tilespmem:s20], [sflag:$0x1] =	stream.linear.gather [hbm4b:s19+s0], $0x80, $0x38;
	[tilespmem:$0x1F400] =	vst v63  }
0x22e: {  	s20 =	simm.s32 $0x400  }
0x22f: {  	[tilespmem:s20], [sflag:$0x1] =	stream.linear.gather [hbm4b:s12+s0], $0x80, $0x38;
	[tilespmem:$0x1F400] =	vst v63  }
0x230: {  	s19 =	sadd.s32 $0x10, s12;
	s20 =	simm.s32 $0x500  }
0x231: {  	[tilespmem:s20], [sflag:$0x1] =	stream.linear.gather [hbm4b:s19+s0], $0x80, $0x38;
	[tilespmem:$0x1F400] =	vst v63  }
0x232: {  	s19 =	sadd.s32 $0x20, s12;
	s20 =	simm.s32 $0x600  }
0x233: {  	[tilespmem:s20], [sflag:$0x1] =	stream.linear.gather [hbm4b:s19+s0], $0x80, $0x38;
	[tilespmem:$0x1F400] =	vst v63  }
0x234: {  	s20 =	sadd.s32 $0x30, s12  }
0x235: {  	[tilespmem:s21], [sflag:$0x1] =	stream.linear.gather [hbm4b:s20+s0], $0x80, $0x38;
	[tilespmem:$0x1F400] =	vst v63  }
0x236: {  	s19 =	sand.u32 $0x70, s0;
	s0 =	sand.u32 $0x300, s0  }
0x237: {  	s0 =	sor.u32 s0, s19  }
0x238: {  	v2 =	vld [tilespmem:s0+$0x80];
	_ =	sdelay $0x3  }
0x239: {  	v4 =	vld [tilespmem:$0x1FFF0]  }
0x23a: {  	v2 =	vsub.s32 v2, v0  }
0x23b: {  	vm1 =	vlt.u32 v2, $0x3D80  }
0x23c: {  	v2 =	vnsel vm1, $0x0, v2  }
0x23d: {  	v3 =	vshll.u32 v2, $0x3  }
0x23e: {  	vm2 =	vnez.u8 v4;
	v2 =	vand.u32 $0x7F, v2;
	v3 =	vand.u32 $0xFFFFFC00, v3  }
0x23f: {  	vm2 =	vmand vm1, vm2;
	v3 =	vor.u32 v3, v2  }
0x240: {  	v2 =	vld [tilespmem:s0+$0x480];
	v3 =	vor.u32 $0x180, v3  }
0x241: {  	vm3 =	vmand vm1, vm8  }
0x242: {  	vm5 =	vcmask $0xF0C;
	vm4 =	vmand vm1, vm9  }
0x243: {  	vm6 =	vcmask $0x1310;
	vm5 =	vmand vm1, vm5  }
0x244: {  	vm7 =	vcmask $0x1714;
	vm6 =	vmand vm1, vm6  }
0x245: {  	vm7 =	vmand vm1, vm7;
	[tilespmem:v3+s30+$0x0] =	vst.idx.add.f32.msk vm2, v2;
	vm2 =	vcmask $0x1B18  }
0x246: {  	vm2 =	vmand vm1, vm2  }
0x247: {  	[tilespmem:v3+s30+$0x0] =	vst.idx.add.f32.msk vm3, v2;
	vm3 =	vcmask $0x1F1C  }
0x248: {  	vm3 =	vmand vm1, vm3;
	[tilespmem:v3+s30+$0x0] =	vst.idx.add.f32.msk vm4, v2;
	vm4 =	vcmask $0x2320  }
0x249: {  	vm4 =	vmand vm1, vm4;
	[tilespmem:v3+s30+$0x0] =	vst.idx.add.f32.msk vm5, v2;
	vm5 =	vcmask $0x2724  }
0x24a: {  	vm5 =	vmand vm1, vm5;
	[tilespmem:v3+s30+$0x0] =	vst.idx.add.f32.msk vm6, v2;
	vm6 =	vcmask $0x2B28  }
0x24b: {  	vm6 =	vmand vm1, vm6;
	[tilespmem:v3+s30+$0x0] =	vst.idx.add.f32.msk vm7, v2;
	vm7 =	vcmask $0x2F2C  }
0x24c: {  	vm7 =	vmand vm1, vm7;
	[tilespmem:v3+s30+$0x0] =	vst.idx.add.f32.msk vm2, v2;
	vm2 =	vcmask $0x3330  }
0x24d: {  	vm2 =	vmand vm1, vm2  }
0x24e: {  	[tilespmem:v3+s30+$0x0] =	vst.idx.add.f32.msk vm3, v2  }
0x24f: {  	[tilespmem:v3+s30+$0x0] =	vst.idx.add.f32.msk vm4, v2  }
0x250: {  	vm3 =	vcmask $0x3734;
	[tilespmem:v3+s30+$0x0] =	vst.idx.add.f32.msk vm5, v2  }
0x251: {  	vm3 =	vmand vm1, vm3;
	vm4 =	vcmask $0x3B38;
	[tilespmem:v3+s30+$0x0] =	vst.idx.add.f32.msk vm6, v2  }
0x252: {  	vm4 =	vmand vm1, vm4;
	[tilespmem:v3+s30+$0x0] =	vst.idx.add.f32.msk vm7, v2  }
0x253: {  	[tilespmem:v3+s30+$0x0] =	vst.idx.add.f32.msk vm2, v2;
	vm2 =	vcmask $0x3F3C  }
0x254: {  	vm1 =	vmand vm1, vm2;
	_ =	sdelay $0x2  }
0x255: {  	s20 =	simm.s32 $0x10;
	s0 =	simm.s32 $0x20;
	[tilespmem:v3+s30+$0x0] =	vst.idx.add.f32.msk vm3, v2  }
0x256: {  	s2 =	simm.s32 $0x20;
	s19 =	sand.u32 $0x70, s20;
	s20 =	sand.u32 $0x300, s0;
	[tilespmem:v3+s30+$0x0] =	vst.idx.add.f32.msk vm4, v2  }
.LBB2_10:
0x257: {  	p1 =	sne.s32 s2, $0x1F0  }
0x258: {  	s20 =	sor.u32 s20, s19;
	[tilespmem:v3+s30+$0x0] =	vst.idx.add.f32.msk vm1, v2;
	s19 =	smov.u32 s2;
	s2 =	sadd.s32 $0x10, s2  }
0x259: {  	v2 =	vld [tilespmem:s20+$0x80];
	_ =	sdelay $0x4  }
0x25a: {  	v2 =	vsub.s32 v2, v0  }
0x25b: {  	vm2 =	vcmask $0x2B28;
	vm3 =	vcmask $0x2F2C;
	vm1 =	vlt.u32 v2, $0x3D80  }
0x25c: {  	v2 =	vnsel vm1, $0x0, v2;
	vm4 =	vmand vm1, vm8;
	vm5 =	vmand vm1, vm9  }
0x25d: {  	vm6 =	vmand vm1, vm12;
	vm7 =	vmand vm1, vm13;
	v3 =	vshll.u32 v2, $0x3  }
0x25e: {  	vm2 =	vmand vm1, vm2;
	v2 =	vand.u32 $0x7F, v2;
	v3 =	vand.u32 $0xFFFFFC00, v3  }
0x25f: {  	vm8 =	vmand vm1, vm0;
	vm3 =	vmand vm1, vm3;
	v3 =	vor.u32 v3, v2  }
0x260: {  	v2 =	vld [tilespmem:s20+$0x480];
	v3 =	vor.u32 $0x180, v3;
	_ =	sdelay $0x3  }
0x261: {  	vm9 =	vmand vm1, vm14  }
0x262: {  	[tilespmem:v3+s30+$0x0] =	vst.idx.add.f32.msk vm8, v2;
	vm8 =	vmand vm1, vm15  }
0x263: {  	[tilespmem:v3+s30+$0x0] =	vst.idx.add.f32.msk vm4, v2;
	vm4 =	vcmask $0x1F1C  }
0x264: {  	vm4 =	vmand vm1, vm4  }
0x265: {  	[tilespmem:v3+s30+$0x0] =	vst.idx.add.f32.msk vm5, v2;
	vm5 =	vcmask $0x2320  }
0x266: {  	vm5 =	vmand vm1, vm5  }
0x267: {  	[tilespmem:v3+s30+$0x0] =	vst.idx.add.f32.msk vm6, v2;
	vm6 =	vcmask $0x2724  }
0x268: {  	vm6 =	vmand vm1, vm6  }
0x269: {  	[tilespmem:v3+s30+$0x0] =	vst.idx.add.f32.msk vm7, v2  }
0x26a: {  	vm7 =	vcmask $0x3330;
	[tilespmem:v3+s30+$0x0] =	vst.idx.add.f32.msk vm9, v2;
	vm9 =	vmmov vm11  }
0x26b: {  	vm7 =	vmand vm1, vm7;
	[tilespmem:v3+s30+$0x0] =	vst.idx.add.f32.msk vm8, v2;
	vm8 =	vmmov vm10  }
0x26c: {  	[tilespmem:v3+s30+$0x0] =	vst.idx.add.f32.msk vm4, v2;
	vm4 =	vcmask $0x3734  }
0x26d: {  	vm4 =	vmand vm1, vm4  }
0x26e: {  	[tilespmem:v3+s30+$0x0] =	vst.idx.add.f32.msk vm5, v2;
	vm5 =	vcmask $0x3B38  }
0x26f: {  	vm5 =	vmand vm1, vm5  }
0x270: {  	[tilespmem:v3+s30+$0x0] =	vst.idx.add.f32.msk vm6, v2;
	vm6 =	vcmask $0x3F3C  }
0x271: {  	vm1 =	vmand vm1, vm6  }
.Ltmp4:
0x272: {  	[tilespmem:v3+s30+$0x0] =	vst.idx.add.f32.msk vm2, v2;
	(pc) =	sbr.rel @p1 .LBB2_10-.Ltmp4, $4  }
0x273: {  	[tilespmem:v3+s30+$0x0] =	vst.idx.add.f32.msk vm3, v2  }
0x274: {  	[tilespmem:v3+s30+$0x0] =	vst.idx.add.f32.msk vm7, v2  }
0x275: {  	s0 =	sadd.s32 $0x20, s0;
	[tilespmem:v3+s30+$0x0] =	vst.idx.add.f32.msk vm4, v2  }
0x276: {  	s19 =	sand.u32 $0x70, s19;
	s20 =	sand.u32 $0x300, s0;
	[tilespmem:v3+s30+$0x0] =	vst.idx.add.f32.msk vm5, v2  }
0x277: {  	_ =	sdelay $0x4  }
0x278: {  	s0 =	sor.u32 s20, s19;
	[tilespmem:v3+s30+$0x0] =	vst.idx.add.f32.msk vm1, v2  }
0x279: {  	v2 =	vld [tilespmem:s0+$0x80];
	_ =	sdelay $0x4  }
0x27a: {  	v2 =	vsub.s32 v2, v0  }
0x27b: {  	vm1 =	vlt.u32 v2, $0x3D80  }
0x27c: {  	v4 =	vimm.s32 $0x0;
	vm2 =	vmand vm1, vm0  }
0x27d: {  	v4 =	vsel vm2, $0xFFFFFFFF, v4  }
0x27e: {  	[tilespmem:$0x1FF60] =	vst v4  }
0x27f: {  	v4 =	vld [tilespmem:$0x1FF60];
	_ =	sdelay $0x1  }
0x280: {  	v2 =	vnsel vm1, $0x0, v2  }
0x281: {  	v3 =	vshll.u32 v2, $0x3  }
0x282: {  	v2 =	vand.u32 $0x7F, v2;
	v3 =	vand.u32 $0xFFFFFC00, v3  }
0x283: {  	v2 =	vor.u32 v3, v2;
	vm2 =	vnez.u8 v4  }
0x284: {  	vm3 =	vmand vm1, vm8;
	v3 =	vld [tilespmem:s0+$0x480];
	v2 =	vor.u32 $0x180, v2  }
0x285: {  	vm4 =	vmand vm1, vm9  }
0x286: {  	vm5 =	vmand vm1, vm12;
	_ =	sdelay $0x1  }
0x287: {  	vm6 =	vmand vm1, vm13  }
0x288: {  	vm7 =	vmand vm1, vm14;
	[tilespmem:v2+s30+$0x0] =	vst.idx.add.f32.msk vm2, v3  }
0x289: {  	vm2 =	vmand vm1, vm15;
	[tilespmem:v2+s30+$0x0] =	vst.idx.add.f32.msk vm3, v3;
	vm3 =	vcmask $0x1F1C  }
0x28a: {  	vm3 =	vmand vm1, vm3;
	[tilespmem:v2+s30+$0x0] =	vst.idx.add.f32.msk vm4, v3;
	vm4 =	vcmask $0x2320  }
0x28b: {  	vm4 =	vmand vm1, vm4;
	[tilespmem:v2+s30+$0x0] =	vst.idx.add.f32.msk vm5, v3;
	vm5 =	vcmask $0x2724  }
0x28c: {  	vm5 =	vmand vm1, vm5  }
0x28d: {  	[tilespmem:v2+s30+$0x0] =	vst.idx.add.f32.msk vm6, v3;
	vm6 =	vcmask $0x2B28  }
0x28e: {  	vm6 =	vmand vm1, vm6;
	[tilespmem:v2+s30+$0x0] =	vst.idx.add.f32.msk vm7, v3;
	vm7 =	vcmask $0x2F2C  }
0x28f: {  	vm7 =	vmand vm1, vm7;
	[tilespmem:v2+s30+$0x0] =	vst.idx.add.f32.msk vm2, v3;
	vm2 =	vcmask $0x3330  }
0x290: {  	vm2 =	vmand vm1, vm2;
	[tilespmem:v2+s30+$0x0] =	vst.idx.add.f32.msk vm3, v3;
	vm3 =	vcmask $0x3734  }
0x291: {  	vm3 =	vmand vm1, vm3;
	[tilespmem:v2+s30+$0x0] =	vst.idx.add.f32.msk vm4, v3;
	vm4 =	vcmask $0x3B38  }
0x292: {  	vm4 =	vmand vm1, vm4;
	[tilespmem:v2+s30+$0x0] =	vst.idx.add.f32.msk vm5, v3;
	vm5 =	vcmask $0x3F3C  }
0x293: {  	vm1 =	vmand vm1, vm5  }
0x294: {  	[tilespmem:v2+s30+$0x0] =	vst.idx.add.f32.msk vm6, v3  }
0x295: {  	[tilespmem:v2+s30+$0x0] =	vst.idx.add.f32.msk vm7, v3  }
0x296: {  	[tilespmem:v2+s30+$0x0] =	vst.idx.add.f32.msk vm2, v3  }
0x297: {  	[tilespmem:v2+s30+$0x0] =	vst.idx.add.f32.msk vm3, v3  }
0x298: {  	[tilespmem:v2+s30+$0x0] =	vst.idx.add.f32.msk vm4, v3  }
0x299: {  	[tilespmem:v2+s30+$0x0] =	vst.idx.add.f32.msk vm1, v3  }
0x29a: {  	_ =	swait.ge [sflag:s22], $0x200  }
0x29b: {  	[sflag:s22] =	ssyncset.done $0x0  }
0x29c: {  	[sflag:s22] =	ssyncadd.s32 $0xFFFFFE00  }
0x29d: {  	_ =	swait.ge [sflag:s22], $0x200  }
0x29e: {  	[sflag:s22] =	ssyncset.done $0x0  }
0x29f: {  	s0 =	simm.s32 $0x0;
	[sflag:s22] =	ssyncadd.s32 $0xFFFFFE00  }
0x2a0: {  	[tilespmem:s23], [sflag:$0x1] =	stream.linear.gather [hbm4b:s13+s0], $0x80, $0x38;
	[tilespmem:$0x1F400] =	vst v63  }
0x2a1: {  	s2 =	sadd.s32 $0x10, s13  }
0x2a2: {  	[tilespmem:s24], [sflag:$0x1] =	stream.linear.gather [hbm4b:s2+s0], $0x80, $0x38;
	[tilespmem:$0x1F400] =	vst v63  }
0x2a3: {  	s20 =	sadd.s32 $0x20, s13  }
0x2a4: {  	[tilespmem:s25], [sflag:$0x1] =	stream.linear.gather [hbm4b:s20+s0], $0x80, $0x38;
	[tilespmem:$0x1F400] =	vst v63  }
0x2a5: {  	s19 =	sadd.s32 $0x30, s13  }
0x2a6: {  	[tilespmem:s26], [sflag:$0x1] =	stream.linear.gather [hbm4b:s19+s0], $0x80, $0x38;
	[tilespmem:$0x1F400] =	vst v63  }
0x2a7: {  	_ = 	snop  }
0x2a8: {  	[tilespmem:s28], [sflag:$0x1] =	stream.linear.gather [hbm4b:s14+s0], $0x80, $0x38;
	[tilespmem:$0x1F400] =	vst v63  }
0x2a9: {  	s20 =	sadd.s32 $0x10, s14  }
0x2aa: {  	[tilespmem:s29], [sflag:$0x1] =	stream.linear.gather [hbm4b:s20+s0], $0x80, $0x38;
	[tilespmem:$0x1F400] =	vst v63  }
0x2ab: {  	s19 =	sadd.s32 $0x20, s14  }
0x2ac: {  	[tilespmem:s3], [sflag:$0x1] =	stream.linear.gather [hbm4b:s19+s0], $0x80, $0x38;
	[tilespmem:$0x1F400] =	vst v63  }
0x2ad: {  	s20 =	sadd.s32 $0x30, s14  }
0x2ae: {  	[tilespmem:s4], [sflag:$0x1] =	stream.linear.gather [hbm4b:s20+s0], $0x80, $0x38;
	[tilespmem:$0x1F400] =	vst v63  }
0x2af: {  	s19 =	sand.u32 $0x70, s0;
	s0 =	sand.u32 $0x300, s0  }
0x2b0: {  	s0 =	sor.u32 s19, s0  }
0x2b1: {  	v2 =	vld [tilespmem:s0+$0x0];
	_ =	sdelay $0x3  }
0x2b2: {  	v4 =	vld [tilespmem:$0x1FFF0]  }
0x2b3: {  	v2 =	vsub.s32 v2, v0  }
0x2b4: {  	vm1 =	vlt.u32 v2, $0x3D80  }
0x2b5: {  	v2 =	vnsel vm1, $0x0, v2  }
0x2b6: {  	v3 =	vshll.u32 v2, $0x3  }
0x2b7: {  	vm2 =	vnez.u8 v4;
	v2 =	vand.u32 $0x7F, v2;
	v3 =	vand.u32 $0xFFFFFC00, v3  }
0x2b8: {  	vm2 =	vmand vm1, vm2;
	v3 =	vor.u32 v3, v2  }
0x2b9: {  	v2 =	vld [tilespmem:s0+$0x400];
	v3 =	vor.u32 $0x200, v3  }
0x2ba: {  	vm3 =	vmand vm1, vm8  }
0x2bb: {  	vm5 =	vcmask $0xF0C;
	vm4 =	vmand vm1, vm9  }
0x2bc: {  	vm6 =	vcmask $0x1310;
	vm5 =	vmand vm1, vm5  }
0x2bd: {  	vm7 =	vcmask $0x1714;
	vm6 =	vmand vm1, vm6  }
0x2be: {  	vm7 =	vmand vm1, vm7;
	[tilespmem:v3+s30+$0x0] =	vst.idx.add.f32.msk vm2, v2;
	vm2 =	vcmask $0x1B18  }
0x2bf: {  	vm2 =	vmand vm1, vm2  }
0x2c0: {  	[tilespmem:v3+s30+$0x0] =	vst.idx.add.f32.msk vm3, v2;
	vm3 =	vcmask $0x1F1C  }
0x2c1: {  	vm3 =	vmand vm1, vm3;
	[tilespmem:v3+s30+$0x0] =	vst.idx.add.f32.msk vm4, v2;
	vm4 =	vcmask $0x2320  }
0x2c2: {  	vm4 =	vmand vm1, vm4;
	[tilespmem:v3+s30+$0x0] =	vst.idx.add.f32.msk vm5, v2;
	vm5 =	vcmask $0x2724  }
0x2c3: {  	vm5 =	vmand vm1, vm5;
	[tilespmem:v3+s30+$0x0] =	vst.idx.add.f32.msk vm6, v2;
	vm6 =	vcmask $0x2B28  }
0x2c4: {  	vm6 =	vmand vm1, vm6;
	[tilespmem:v3+s30+$0x0] =	vst.idx.add.f32.msk vm7, v2;
	vm7 =	vcmask $0x2F2C  }
0x2c5: {  	vm7 =	vmand vm1, vm7;
	[tilespmem:v3+s30+$0x0] =	vst.idx.add.f32.msk vm2, v2;
	vm2 =	vcmask $0x3330  }
0x2c6: {  	vm2 =	vmand vm1, vm2  }
0x2c7: {  	[tilespmem:v3+s30+$0x0] =	vst.idx.add.f32.msk vm3, v2  }
0x2c8: {  	[tilespmem:v3+s30+$0x0] =	vst.idx.add.f32.msk vm4, v2  }
0x2c9: {  	vm3 =	vcmask $0x3734;
	[tilespmem:v3+s30+$0x0] =	vst.idx.add.f32.msk vm5, v2  }
0x2ca: {  	vm3 =	vmand vm1, vm3;
	vm4 =	vcmask $0x3B38;
	[tilespmem:v3+s30+$0x0] =	vst.idx.add.f32.msk vm6, v2  }
0x2cb: {  	vm4 =	vmand vm1, vm4;
	[tilespmem:v3+s30+$0x0] =	vst.idx.add.f32.msk vm7, v2  }
0x2cc: {  	[tilespmem:v3+s30+$0x0] =	vst.idx.add.f32.msk vm2, v2;
	vm2 =	vcmask $0x3F3C  }
0x2cd: {  	vm1 =	vmand vm1, vm2;
	_ =	sdelay $0x2  }
0x2ce: {  	s20 =	simm.s32 $0x10;
	s0 =	simm.s32 $0x20;
	[tilespmem:v3+s30+$0x0] =	vst.idx.add.f32.msk vm3, v2  }
0x2cf: {  	s2 =	simm.s32 $0x20;
	s19 =	sand.u32 $0x70, s20;
	s20 =	sand.u32 $0x300, s0;
	[tilespmem:v3+s30+$0x0] =	vst.idx.add.f32.msk vm4, v2  }
.LBB2_12:
0x2d0: {  	p1 =	sne.s32 s2, $0x1F0  }
0x2d1: {  	s20 =	sor.u32 s19, s20;
	[tilespmem:v3+s30+$0x0] =	vst.idx.add.f32.msk vm1, v2;
	s19 =	smov.u32 s2;
	s2 =	sadd.s32 $0x10, s2  }
0x2d2: {  	v2 =	vld [tilespmem:s20+$0x0];
	_ =	sdelay $0x4  }
0x2d3: {  	v2 =	vsub.s32 v2, v0  }
0x2d4: {  	vm2 =	vcmask $0x2B28;
	vm3 =	vcmask $0x2F2C;
	vm1 =	vlt.u32 v2, $0x3D80  }
0x2d5: {  	v2 =	vnsel vm1, $0x0, v2;
	vm4 =	vmand vm1, vm8;
	vm5 =	vmand vm1, vm9  }
0x2d6: {  	vm6 =	vmand vm1, vm12;
	vm7 =	vmand vm1, vm13;
	v3 =	vshll.u32 v2, $0x3  }
0x2d7: {  	vm2 =	vmand vm1, vm2;
	v2 =	vand.u32 $0x7F, v2;
	v3 =	vand.u32 $0xFFFFFC00, v3  }
0x2d8: {  	vm8 =	vmand vm1, vm0;
	vm3 =	vmand vm1, vm3;
	v3 =	vor.u32 v3, v2  }
0x2d9: {  	v2 =	vld [tilespmem:s20+$0x400];
	v3 =	vor.u32 $0x200, v3;
	_ =	sdelay $0x3  }
0x2da: {  	vm9 =	vmand vm1, vm14  }
0x2db: {  	[tilespmem:v3+s30+$0x0] =	vst.idx.add.f32.msk vm8, v2;
	vm8 =	vmand vm1, vm15  }
0x2dc: {  	[tilespmem:v3+s30+$0x0] =	vst.idx.add.f32.msk vm4, v2;
	vm4 =	vcmask $0x1F1C  }
0x2dd: {  	vm4 =	vmand vm1, vm4  }
0x2de: {  	[tilespmem:v3+s30+$0x0] =	vst.idx.add.f32.msk vm5, v2;
	vm5 =	vcmask $0x2320  }
0x2df: {  	vm5 =	vmand vm1, vm5  }
0x2e0: {  	[tilespmem:v3+s30+$0x0] =	vst.idx.add.f32.msk vm6, v2;
	vm6 =	vcmask $0x2724  }
0x2e1: {  	vm6 =	vmand vm1, vm6  }
0x2e2: {  	[tilespmem:v3+s30+$0x0] =	vst.idx.add.f32.msk vm7, v2  }
0x2e3: {  	vm7 =	vcmask $0x3330;
	[tilespmem:v3+s30+$0x0] =	vst.idx.add.f32.msk vm9, v2;
	vm9 =	vmmov vm11  }
0x2e4: {  	vm7 =	vmand vm1, vm7;
	[tilespmem:v3+s30+$0x0] =	vst.idx.add.f32.msk vm8, v2;
	vm8 =	vmmov vm10  }
0x2e5: {  	[tilespmem:v3+s30+$0x0] =	vst.idx.add.f32.msk vm4, v2;
	vm4 =	vcmask $0x3734  }
0x2e6: {  	vm4 =	vmand vm1, vm4  }
0x2e7: {  	[tilespmem:v3+s30+$0x0] =	vst.idx.add.f32.msk vm5, v2;
	vm5 =	vcmask $0x3B38  }
0x2e8: {  	vm5 =	vmand vm1, vm5  }
0x2e9: {  	[tilespmem:v3+s30+$0x0] =	vst.idx.add.f32.msk vm6, v2;
	vm6 =	vcmask $0x3F3C  }
0x2ea: {  	vm1 =	vmand vm1, vm6  }
.Ltmp5:
0x2eb: {  	[tilespmem:v3+s30+$0x0] =	vst.idx.add.f32.msk vm2, v2;
	(pc) =	sbr.rel @p1 .LBB2_12-.Ltmp5, $4  }
0x2ec: {  	[tilespmem:v3+s30+$0x0] =	vst.idx.add.f32.msk vm3, v2  }
0x2ed: {  	[tilespmem:v3+s30+$0x0] =	vst.idx.add.f32.msk vm7, v2  }
0x2ee: {  	s0 =	sadd.s32 $0x20, s0;
	[tilespmem:v3+s30+$0x0] =	vst.idx.add.f32.msk vm4, v2  }
0x2ef: {  	s19 =	sand.u32 $0x70, s19;
	s20 =	sand.u32 $0x300, s0;
	[tilespmem:v3+s30+$0x0] =	vst.idx.add.f32.msk vm5, v2  }
0x2f0: {  	_ =	sdelay $0x4  }
0x2f1: {  	s0 =	sor.u32 s19, s20;
	[tilespmem:v3+s30+$0x0] =	vst.idx.add.f32.msk vm1, v2  }
0x2f2: {  	v2 =	vld [tilespmem:s0+$0x0];
	_ =	sdelay $0x4  }
0x2f3: {  	v2 =	vsub.s32 v2, v0  }
0x2f4: {  	vm1 =	vlt.u32 v2, $0x3D80  }
0x2f5: {  	v4 =	vimm.s32 $0x0;
	vm2 =	vmand vm1, vm0  }
0x2f6: {  	v4 =	vsel vm2, $0xFFFFFFFF, v4  }
0x2f7: {  	[tilespmem:$0x1FF50] =	vst v4  }
0x2f8: {  	v4 =	vld [tilespmem:$0x1FF50];
	_ =	sdelay $0x1  }
0x2f9: {  	v2 =	vnsel vm1, $0x0, v2  }
0x2fa: {  	v3 =	vshll.u32 v2, $0x3  }
0x2fb: {  	v2 =	vand.u32 $0x7F, v2;
	v3 =	vand.u32 $0xFFFFFC00, v3  }
0x2fc: {  	v2 =	vor.u32 v3, v2;
	vm2 =	vnez.u8 v4  }
0x2fd: {  	vm3 =	vmand vm1, vm8;
	v3 =	vld [tilespmem:s0+$0x400];
	v2 =	vor.u32 $0x200, v2  }
0x2fe: {  	vm4 =	vmand vm1, vm9  }
0x2ff: {  	vm5 =	vmand vm1, vm12;
	_ =	sdelay $0x1  }
0x300: {  	vm6 =	vmand vm1, vm13  }
0x301: {  	vm7 =	vmand vm1, vm14;
	[tilespmem:v2+s30+$0x0] =	vst.idx.add.f32.msk vm2, v3  }
0x302: {  	vm2 =	vmand vm1, vm15;
	[tilespmem:v2+s30+$0x0] =	vst.idx.add.f32.msk vm3, v3;
	vm3 =	vcmask $0x1F1C  }
0x303: {  	vm3 =	vmand vm1, vm3;
	[tilespmem:v2+s30+$0x0] =	vst.idx.add.f32.msk vm4, v3;
	vm4 =	vcmask $0x2320  }
0x304: {  	vm4 =	vmand vm1, vm4;
	[tilespmem:v2+s30+$0x0] =	vst.idx.add.f32.msk vm5, v3;
	vm5 =	vcmask $0x2724  }
0x305: {  	vm5 =	vmand vm1, vm5  }
0x306: {  	[tilespmem:v2+s30+$0x0] =	vst.idx.add.f32.msk vm6, v3;
	vm6 =	vcmask $0x2B28  }
0x307: {  	vm6 =	vmand vm1, vm6;
	[tilespmem:v2+s30+$0x0] =	vst.idx.add.f32.msk vm7, v3;
	vm7 =	vcmask $0x2F2C  }
0x308: {  	vm7 =	vmand vm1, vm7;
	[tilespmem:v2+s30+$0x0] =	vst.idx.add.f32.msk vm2, v3;
	vm2 =	vcmask $0x3330  }
0x309: {  	vm2 =	vmand vm1, vm2;
	[tilespmem:v2+s30+$0x0] =	vst.idx.add.f32.msk vm3, v3;
	vm3 =	vcmask $0x3734  }
0x30a: {  	vm3 =	vmand vm1, vm3;
	[tilespmem:v2+s30+$0x0] =	vst.idx.add.f32.msk vm4, v3;
	vm4 =	vcmask $0x3B38  }
0x30b: {  	vm4 =	vmand vm1, vm4;
	[tilespmem:v2+s30+$0x0] =	vst.idx.add.f32.msk vm5, v3;
	vm5 =	vcmask $0x3F3C  }
0x30c: {  	vm1 =	vmand vm1, vm5  }
0x30d: {  	[tilespmem:v2+s30+$0x0] =	vst.idx.add.f32.msk vm6, v3  }
0x30e: {  	[tilespmem:v2+s30+$0x0] =	vst.idx.add.f32.msk vm7, v3  }
0x30f: {  	[tilespmem:v2+s30+$0x0] =	vst.idx.add.f32.msk vm2, v3  }
0x310: {  	[tilespmem:v2+s30+$0x0] =	vst.idx.add.f32.msk vm3, v3  }
0x311: {  	[tilespmem:v2+s30+$0x0] =	vst.idx.add.f32.msk vm4, v3  }
0x312: {  	[tilespmem:v2+s30+$0x0] =	vst.idx.add.f32.msk vm1, v3  }
0x313: {  	_ =	swait.ge [sflag:s22], $0x200  }
0x314: {  	[sflag:s22] =	ssyncset.done $0x0  }
0x315: {  	[sflag:s22] =	ssyncadd.s32 $0xFFFFFE00  }
0x316: {  	_ =	swait.ge [sflag:s22], $0x200  }
0x317: {  	[sflag:s22] =	ssyncset.done $0x0  }
0x318: {  	s0 =	simm.s32 $0x0;
	[sflag:s22] =	ssyncadd.s32 $0xFFFFFE00  }
0x319: {  	[tilespmem:s0], [sflag:$0x1] =	stream.linear.gather [hbm4b:s15+s0], $0x80, $0x38;
	[tilespmem:$0x1F400] =	vst v63  }
0x31a: {  	s2 =	sadd.s32 $0x10, s15;
	s20 =	simm.s32 $0x100  }
0x31b: {  	[tilespmem:s20], [sflag:$0x1] =	stream.linear.gather [hbm4b:s2+s0], $0x80, $0x38;
	[tilespmem:$0x1F400] =	vst v63  }
0x31c: {  	s19 =	sadd.s32 $0x20, s15;
	s20 =	simm.s32 $0x200  }
0x31d: {  	[tilespmem:s20], [sflag:$0x1] =	stream.linear.gather [hbm4b:s19+s0], $0x80, $0x38;
	[tilespmem:$0x1F400] =	vst v63  }
0x31e: {  	s19 =	sadd.s32 $0x30, s15;
	s20 =	simm.s32 $0x300  }
0x31f: {  	[tilespmem:s20], [sflag:$0x1] =	stream.linear.gather [hbm4b:s19+s0], $0x80, $0x38;
	[tilespmem:$0x1F400] =	vst v63  }
0x320: {  	s20 =	simm.s32 $0x400  }
0x321: {  	[tilespmem:s20], [sflag:$0x1] =	stream.linear.gather [hbm4b:s16+s0], $0x80, $0x38;
	[tilespmem:$0x1F400] =	vst v63  }
0x322: {  	s19 =	sadd.s32 $0x10, s16;
	s20 =	simm.s32 $0x500  }
0x323: {  	[tilespmem:s20], [sflag:$0x1] =	stream.linear.gather [hbm4b:s19+s0], $0x80, $0x38;
	[tilespmem:$0x1F400] =	vst v63  }
0x324: {  	s19 =	sadd.s32 $0x20, s16;
	s20 =	simm.s32 $0x600  }
0x325: {  	[tilespmem:s20], [sflag:$0x1] =	stream.linear.gather [hbm4b:s19+s0], $0x80, $0x38;
	[tilespmem:$0x1F400] =	vst v63  }
0x326: {  	s20 =	sadd.s32 $0x30, s16  }
0x327: {  	[tilespmem:s21], [sflag:$0x1] =	stream.linear.gather [hbm4b:s20+s0], $0x80, $0x38;
	[tilespmem:$0x1F400] =	vst v63  }
0x328: {  	s19 =	sand.u32 $0x70, s0;
	s0 =	sand.u32 $0x300, s0  }
0x329: {  	s0 =	sor.u32 s0, s19  }
0x32a: {  	v2 =	vld [tilespmem:s0+$0x80];
	_ =	sdelay $0x3  }
0x32b: {  	v4 =	vld [tilespmem:$0x1FFF0]  }
0x32c: {  	v2 =	vsub.s32 v2, v0  }
0x32d: {  	vm1 =	vlt.u32 v2, $0x3D80  }
0x32e: {  	v2 =	vnsel vm1, $0x0, v2  }
0x32f: {  	v3 =	vshll.u32 v2, $0x3  }
0x330: {  	vm2 =	vnez.u8 v4;
	v2 =	vand.u32 $0x7F, v2;
	v3 =	vand.u32 $0xFFFFFC00, v3  }
0x331: {  	vm2 =	vmand vm1, vm2;
	v3 =	vor.u32 v3, v2  }
0x332: {  	v2 =	vld [tilespmem:s0+$0x480];
	v3 =	vor.u32 $0x280, v3  }
0x333: {  	vm3 =	vmand vm1, vm8  }
0x334: {  	vm5 =	vcmask $0xF0C;
	vm4 =	vmand vm1, vm9  }
0x335: {  	vm6 =	vcmask $0x1310;
	vm5 =	vmand vm1, vm5  }
0x336: {  	vm7 =	vcmask $0x1714;
	vm6 =	vmand vm1, vm6  }
0x337: {  	vm7 =	vmand vm1, vm7;
	[tilespmem:v3+s30+$0x0] =	vst.idx.add.f32.msk vm2, v2;
	vm2 =	vcmask $0x1B18  }
0x338: {  	vm2 =	vmand vm1, vm2  }
0x339: {  	[tilespmem:v3+s30+$0x0] =	vst.idx.add.f32.msk vm3, v2;
	vm3 =	vcmask $0x1F1C  }
0x33a: {  	vm3 =	vmand vm1, vm3;
	[tilespmem:v3+s30+$0x0] =	vst.idx.add.f32.msk vm4, v2;
	vm4 =	vcmask $0x2320  }
0x33b: {  	vm4 =	vmand vm1, vm4;
	[tilespmem:v3+s30+$0x0] =	vst.idx.add.f32.msk vm5, v2;
	vm5 =	vcmask $0x2724  }
0x33c: {  	vm5 =	vmand vm1, vm5;
	[tilespmem:v3+s30+$0x0] =	vst.idx.add.f32.msk vm6, v2;
	vm6 =	vcmask $0x2B28  }
0x33d: {  	vm6 =	vmand vm1, vm6;
	[tilespmem:v3+s30+$0x0] =	vst.idx.add.f32.msk vm7, v2;
	vm7 =	vcmask $0x2F2C  }
0x33e: {  	vm7 =	vmand vm1, vm7;
	[tilespmem:v3+s30+$0x0] =	vst.idx.add.f32.msk vm2, v2;
	vm2 =	vcmask $0x3330  }
0x33f: {  	vm2 =	vmand vm1, vm2  }
0x340: {  	[tilespmem:v3+s30+$0x0] =	vst.idx.add.f32.msk vm3, v2  }
0x341: {  	[tilespmem:v3+s30+$0x0] =	vst.idx.add.f32.msk vm4, v2  }
0x342: {  	vm3 =	vcmask $0x3734;
	[tilespmem:v3+s30+$0x0] =	vst.idx.add.f32.msk vm5, v2  }
0x343: {  	vm3 =	vmand vm1, vm3;
	vm4 =	vcmask $0x3B38;
	[tilespmem:v3+s30+$0x0] =	vst.idx.add.f32.msk vm6, v2  }
0x344: {  	vm4 =	vmand vm1, vm4;
	[tilespmem:v3+s30+$0x0] =	vst.idx.add.f32.msk vm7, v2  }
0x345: {  	[tilespmem:v3+s30+$0x0] =	vst.idx.add.f32.msk vm2, v2;
	vm2 =	vcmask $0x3F3C  }
0x346: {  	vm1 =	vmand vm1, vm2;
	_ =	sdelay $0x2  }
0x347: {  	s20 =	simm.s32 $0x10;
	s0 =	simm.s32 $0x20;
	[tilespmem:v3+s30+$0x0] =	vst.idx.add.f32.msk vm3, v2  }
0x348: {  	s2 =	simm.s32 $0x20;
	s19 =	sand.u32 $0x70, s20;
	s20 =	sand.u32 $0x300, s0;
	[tilespmem:v3+s30+$0x0] =	vst.idx.add.f32.msk vm4, v2  }
.LBB2_14:
0x349: {  	p1 =	sne.s32 s2, $0x1F0  }
0x34a: {  	s20 =	sor.u32 s20, s19;
	[tilespmem:v3+s30+$0x0] =	vst.idx.add.f32.msk vm1, v2;
	s19 =	smov.u32 s2;
	s2 =	sadd.s32 $0x10, s2  }
0x34b: {  	v2 =	vld [tilespmem:s20+$0x80];
	_ =	sdelay $0x4  }
0x34c: {  	v2 =	vsub.s32 v2, v0  }
0x34d: {  	vm2 =	vcmask $0x2B28;
	vm3 =	vcmask $0x2F2C;
	vm1 =	vlt.u32 v2, $0x3D80  }
0x34e: {  	v2 =	vnsel vm1, $0x0, v2;
	vm4 =	vmand vm1, vm8;
	vm5 =	vmand vm1, vm9  }
0x34f: {  	vm6 =	vmand vm1, vm12;
	vm7 =	vmand vm1, vm13;
	v3 =	vshll.u32 v2, $0x3  }
0x350: {  	vm2 =	vmand vm1, vm2;
	v2 =	vand.u32 $0x7F, v2;
	v3 =	vand.u32 $0xFFFFFC00, v3  }
0x351: {  	vm8 =	vmand vm1, vm0;
	vm3 =	vmand vm1, vm3;
	v3 =	vor.u32 v3, v2  }
0x352: {  	v2 =	vld [tilespmem:s20+$0x480];
	v3 =	vor.u32 $0x280, v3;
	_ =	sdelay $0x3  }
0x353: {  	vm9 =	vmand vm1, vm14  }
0x354: {  	[tilespmem:v3+s30+$0x0] =	vst.idx.add.f32.msk vm8, v2;
	vm8 =	vmand vm1, vm15  }
0x355: {  	[tilespmem:v3+s30+$0x0] =	vst.idx.add.f32.msk vm4, v2;
	vm4 =	vcmask $0x1F1C  }
0x356: {  	vm4 =	vmand vm1, vm4  }
0x357: {  	[tilespmem:v3+s30+$0x0] =	vst.idx.add.f32.msk vm5, v2;
	vm5 =	vcmask $0x2320  }
0x358: {  	vm5 =	vmand vm1, vm5  }
0x359: {  	[tilespmem:v3+s30+$0x0] =	vst.idx.add.f32.msk vm6, v2;
	vm6 =	vcmask $0x2724  }
0x35a: {  	vm6 =	vmand vm1, vm6  }
0x35b: {  	[tilespmem:v3+s30+$0x0] =	vst.idx.add.f32.msk vm7, v2  }
0x35c: {  	vm7 =	vcmask $0x3330;
	[tilespmem:v3+s30+$0x0] =	vst.idx.add.f32.msk vm9, v2;
	vm9 =	vmmov vm11  }
0x35d: {  	vm7 =	vmand vm1, vm7;
	[tilespmem:v3+s30+$0x0] =	vst.idx.add.f32.msk vm8, v2;
	vm8 =	vmmov vm10  }
0x35e: {  	[tilespmem:v3+s30+$0x0] =	vst.idx.add.f32.msk vm4, v2;
	vm4 =	vcmask $0x3734  }
0x35f: {  	vm4 =	vmand vm1, vm4  }
0x360: {  	[tilespmem:v3+s30+$0x0] =	vst.idx.add.f32.msk vm5, v2;
	vm5 =	vcmask $0x3B38  }
0x361: {  	vm5 =	vmand vm1, vm5  }
0x362: {  	[tilespmem:v3+s30+$0x0] =	vst.idx.add.f32.msk vm6, v2;
	vm6 =	vcmask $0x3F3C  }
0x363: {  	vm1 =	vmand vm1, vm6  }
.Ltmp6:
0x364: {  	[tilespmem:v3+s30+$0x0] =	vst.idx.add.f32.msk vm2, v2;
	(pc) =	sbr.rel @p1 .LBB2_14-.Ltmp6, $4  }
0x365: {  	[tilespmem:v3+s30+$0x0] =	vst.idx.add.f32.msk vm3, v2  }
0x366: {  	[tilespmem:v3+s30+$0x0] =	vst.idx.add.f32.msk vm7, v2  }
0x367: {  	s0 =	sadd.s32 $0x20, s0;
	[tilespmem:v3+s30+$0x0] =	vst.idx.add.f32.msk vm4, v2  }
0x368: {  	s19 =	sand.u32 $0x70, s19;
	s20 =	sand.u32 $0x300, s0;
	[tilespmem:v3+s30+$0x0] =	vst.idx.add.f32.msk vm5, v2  }
0x369: {  	_ =	sdelay $0x4  }
0x36a: {  	s0 =	sor.u32 s20, s19;
	[tilespmem:v3+s30+$0x0] =	vst.idx.add.f32.msk vm1, v2  }
0x36b: {  	v2 =	vld [tilespmem:s0+$0x80];
	_ =	sdelay $0x4  }
0x36c: {  	v2 =	vsub.s32 v2, v0  }
0x36d: {  	vm1 =	vlt.u32 v2, $0x3D80  }
0x36e: {  	v4 =	vimm.s32 $0x0;
	vm2 =	vmand vm1, vm0  }
0x36f: {  	v4 =	vsel vm2, $0xFFFFFFFF, v4  }
0x370: {  	[tilespmem:$0x1FF40] =	vst v4  }
0x371: {  	v4 =	vld [tilespmem:$0x1FF40];
	_ =	sdelay $0x1  }
0x372: {  	v2 =	vnsel vm1, $0x0, v2  }
0x373: {  	v3 =	vshll.u32 v2, $0x3  }
0x374: {  	v2 =	vand.u32 $0x7F, v2;
	v3 =	vand.u32 $0xFFFFFC00, v3  }
0x375: {  	v2 =	vor.u32 v3, v2;
	vm2 =	vnez.u8 v4  }
0x376: {  	vm3 =	vmand vm1, vm8;
	v3 =	vld [tilespmem:s0+$0x480];
	v2 =	vor.u32 $0x280, v2  }
0x377: {  	vm4 =	vmand vm1, vm9  }
0x378: {  	vm5 =	vmand vm1, vm12;
	_ =	sdelay $0x1  }
0x379: {  	vm6 =	vmand vm1, vm13  }
0x37a: {  	vm7 =	vmand vm1, vm14;
	[tilespmem:v2+s30+$0x0] =	vst.idx.add.f32.msk vm2, v3  }
0x37b: {  	vm2 =	vmand vm1, vm15;
	[tilespmem:v2+s30+$0x0] =	vst.idx.add.f32.msk vm3, v3;
	vm3 =	vcmask $0x1F1C  }
0x37c: {  	vm3 =	vmand vm1, vm3;
	[tilespmem:v2+s30+$0x0] =	vst.idx.add.f32.msk vm4, v3;
	vm4 =	vcmask $0x2320  }
0x37d: {  	vm4 =	vmand vm1, vm4;
	[tilespmem:v2+s30+$0x0] =	vst.idx.add.f32.msk vm5, v3;
	vm5 =	vcmask $0x2724  }
0x37e: {  	vm5 =	vmand vm1, vm5  }
0x37f: {  	[tilespmem:v2+s30+$0x0] =	vst.idx.add.f32.msk vm6, v3;
	vm6 =	vcmask $0x2B28  }
0x380: {  	vm6 =	vmand vm1, vm6;
	[tilespmem:v2+s30+$0x0] =	vst.idx.add.f32.msk vm7, v3;
	vm7 =	vcmask $0x2F2C  }
0x381: {  	vm7 =	vmand vm1, vm7;
	[tilespmem:v2+s30+$0x0] =	vst.idx.add.f32.msk vm2, v3;
	vm2 =	vcmask $0x3330  }
0x382: {  	vm2 =	vmand vm1, vm2;
	[tilespmem:v2+s30+$0x0] =	vst.idx.add.f32.msk vm3, v3;
	vm3 =	vcmask $0x3734  }
0x383: {  	vm3 =	vmand vm1, vm3;
	[tilespmem:v2+s30+$0x0] =	vst.idx.add.f32.msk vm4, v3;
	vm4 =	vcmask $0x3B38  }
0x384: {  	vm4 =	vmand vm1, vm4;
	[tilespmem:v2+s30+$0x0] =	vst.idx.add.f32.msk vm5, v3;
	vm5 =	vcmask $0x3F3C  }
0x385: {  	vm1 =	vmand vm1, vm5  }
0x386: {  	[tilespmem:v2+s30+$0x0] =	vst.idx.add.f32.msk vm6, v3  }
0x387: {  	[tilespmem:v2+s30+$0x0] =	vst.idx.add.f32.msk vm7, v3  }
0x388: {  	[tilespmem:v2+s30+$0x0] =	vst.idx.add.f32.msk vm2, v3  }
0x389: {  	[tilespmem:v2+s30+$0x0] =	vst.idx.add.f32.msk vm3, v3  }
0x38a: {  	[tilespmem:v2+s30+$0x0] =	vst.idx.add.f32.msk vm4, v3  }
0x38b: {  	[tilespmem:v2+s30+$0x0] =	vst.idx.add.f32.msk vm1, v3  }
0x38c: {  	_ =	swait.ge [sflag:s22], $0x200  }
0x38d: {  	[sflag:s22] =	ssyncset.done $0x0  }
0x38e: {  	[sflag:s22] =	ssyncadd.s32 $0xFFFFFE00  }
0x38f: {  	_ =	swait.ge [sflag:s22], $0x200  }
0x390: {  	[sflag:s22] =	ssyncset.done $0x0  }
0x391: {  	s0 =	simm.s32 $0x0;
	[sflag:s22] =	ssyncadd.s32 $0xFFFFFE00  }
0x392: {  	[tilespmem:s23], [sflag:$0x1] =	stream.linear.gather [hbm4b:s17+s0], $0x80, $0x38;
	[tilespmem:$0x1F400] =	vst v63  }
0x393: {  	s2 =	sadd.s32 $0x10, s17  }
0x394: {  	[tilespmem:s24], [sflag:$0x1] =	stream.linear.gather [hbm4b:s2+s0], $0x80, $0x38;
	[tilespmem:$0x1F400] =	vst v63  }
0x395: {  	s20 =	sadd.s32 $0x20, s17  }
0x396: {  	[tilespmem:s25], [sflag:$0x1] =	stream.linear.gather [hbm4b:s20+s0], $0x80, $0x38;
	[tilespmem:$0x1F400] =	vst v63  }
0x397: {  	s19 =	sadd.s32 $0x30, s17  }
0x398: {  	[tilespmem:s26], [sflag:$0x1] =	stream.linear.gather [hbm4b:s19+s0], $0x80, $0x38;
	[tilespmem:$0x1F400] =	vst v63  }
0x399: {  	_ = 	snop  }
0x39a: {  	[tilespmem:s28], [sflag:$0x1] =	stream.linear.gather [hbm4b:s18+s0], $0x80, $0x38;
	[tilespmem:$0x1F400] =	vst v63  }
0x39b: {  	s20 =	sadd.s32 $0x10, s18  }
0x39c: {  	[tilespmem:s29], [sflag:$0x1] =	stream.linear.gather [hbm4b:s20+s0], $0x80, $0x38;
	[tilespmem:$0x1F400] =	vst v63  }
0x39d: {  	s19 =	sadd.s32 $0x20, s18  }
0x39e: {  	[tilespmem:s3], [sflag:$0x1] =	stream.linear.gather [hbm4b:s19+s0], $0x80, $0x38;
	[tilespmem:$0x1F400] =	vst v63  }
0x39f: {  	s20 =	sadd.s32 $0x30, s18  }
0x3a0: {  	[tilespmem:s4], [sflag:$0x1] =	stream.linear.gather [hbm4b:s20+s0], $0x80, $0x38;
	[tilespmem:$0x1F400] =	vst v63  }
0x3a1: {  	s19 =	sand.u32 $0x70, s0;
	s0 =	sand.u32 $0x300, s0  }
0x3a2: {  	s0 =	sor.u32 s19, s0  }
0x3a3: {  	v2 =	vld [tilespmem:s0+$0x0];
	_ =	sdelay $0x3  }
0x3a4: {  	v4 =	vld [tilespmem:$0x1FFF0]  }
0x3a5: {  	v2 =	vsub.s32 v2, v0  }
0x3a6: {  	vm1 =	vlt.u32 v2, $0x3D80  }
0x3a7: {  	v2 =	vnsel vm1, $0x0, v2  }
0x3a8: {  	v3 =	vshll.u32 v2, $0x3  }
0x3a9: {  	vm2 =	vnez.u8 v4;
	v2 =	vand.u32 $0x7F, v2;
	v3 =	vand.u32 $0xFFFFFC00, v3  }
0x3aa: {  	vm2 =	vmand vm1, vm2;
	v3 =	vor.u32 v3, v2  }
0x3ab: {  	v2 =	vld [tilespmem:s0+$0x400];
	v3 =	vor.u32 $0x300, v3  }
0x3ac: {  	vm3 =	vmand vm1, vm8  }
0x3ad: {  	vm5 =	vcmask $0xF0C;
	vm4 =	vmand vm1, vm9  }
0x3ae: {  	vm6 =	vcmask $0x1310;
	vm5 =	vmand vm1, vm5  }
0x3af: {  	vm7 =	vcmask $0x1714;
	vm6 =	vmand vm1, vm6  }
0x3b0: {  	vm7 =	vmand vm1, vm7;
	[tilespmem:v3+s30+$0x0] =	vst.idx.add.f32.msk vm2, v2;
	vm2 =	vcmask $0x1B18  }
0x3b1: {  	vm2 =	vmand vm1, vm2  }
0x3b2: {  	[tilespmem:v3+s30+$0x0] =	vst.idx.add.f32.msk vm3, v2;
	vm3 =	vcmask $0x1F1C  }
0x3b3: {  	vm3 =	vmand vm1, vm3;
	[tilespmem:v3+s30+$0x0] =	vst.idx.add.f32.msk vm4, v2;
	vm4 =	vcmask $0x2320  }
0x3b4: {  	vm4 =	vmand vm1, vm4;
	[tilespmem:v3+s30+$0x0] =	vst.idx.add.f32.msk vm5, v2;
	vm5 =	vcmask $0x2724  }
0x3b5: {  	vm5 =	vmand vm1, vm5;
	[tilespmem:v3+s30+$0x0] =	vst.idx.add.f32.msk vm6, v2;
	vm6 =	vcmask $0x2B28  }
0x3b6: {  	vm6 =	vmand vm1, vm6;
	[tilespmem:v3+s30+$0x0] =	vst.idx.add.f32.msk vm7, v2;
	vm7 =	vcmask $0x2F2C  }
0x3b7: {  	vm7 =	vmand vm1, vm7;
	[tilespmem:v3+s30+$0x0] =	vst.idx.add.f32.msk vm2, v2;
	vm2 =	vcmask $0x3330  }
0x3b8: {  	vm2 =	vmand vm1, vm2  }
0x3b9: {  	[tilespmem:v3+s30+$0x0] =	vst.idx.add.f32.msk vm3, v2  }
0x3ba: {  	[tilespmem:v3+s30+$0x0] =	vst.idx.add.f32.msk vm4, v2  }
0x3bb: {  	vm3 =	vcmask $0x3734;
	[tilespmem:v3+s30+$0x0] =	vst.idx.add.f32.msk vm5, v2  }
0x3bc: {  	vm3 =	vmand vm1, vm3;
	vm4 =	vcmask $0x3B38;
	[tilespmem:v3+s30+$0x0] =	vst.idx.add.f32.msk vm6, v2  }
0x3bd: {  	vm4 =	vmand vm1, vm4;
	[tilespmem:v3+s30+$0x0] =	vst.idx.add.f32.msk vm7, v2  }
0x3be: {  	[tilespmem:v3+s30+$0x0] =	vst.idx.add.f32.msk vm2, v2;
	vm2 =	vcmask $0x3F3C  }
0x3bf: {  	vm1 =	vmand vm1, vm2;
	_ =	sdelay $0x2  }
0x3c0: {  	s20 =	simm.s32 $0x10;
	s0 =	simm.s32 $0x20;
	[tilespmem:v3+s30+$0x0] =	vst.idx.add.f32.msk vm3, v2  }
0x3c1: {  	s2 =	simm.s32 $0x20;
	s19 =	sand.u32 $0x70, s20;
	s20 =	sand.u32 $0x300, s0;
	[tilespmem:v3+s30+$0x0] =	vst.idx.add.f32.msk vm4, v2  }
.LBB2_16:
0x3c2: {  	p1 =	sne.s32 s2, $0x1F0  }
0x3c3: {  	s20 =	sor.u32 s19, s20;
	[tilespmem:v3+s30+$0x0] =	vst.idx.add.f32.msk vm1, v2;
	s19 =	smov.u32 s2;
	s2 =	sadd.s32 $0x10, s2  }
0x3c4: {  	v2 =	vld [tilespmem:s20+$0x0];
	_ =	sdelay $0x4  }
0x3c5: {  	v2 =	vsub.s32 v2, v0  }
0x3c6: {  	vm2 =	vcmask $0x2B28;
	vm3 =	vcmask $0x2F2C;
	vm1 =	vlt.u32 v2, $0x3D80  }
0x3c7: {  	v2 =	vnsel vm1, $0x0, v2;
	vm4 =	vmand vm1, vm8;
	vm5 =	vmand vm1, vm9  }
0x3c8: {  	vm6 =	vmand vm1, vm12;
	vm7 =	vmand vm1, vm13;
	v3 =	vshll.u32 v2, $0x3  }
0x3c9: {  	vm2 =	vmand vm1, vm2;
	v2 =	vand.u32 $0x7F, v2;
	v3 =	vand.u32 $0xFFFFFC00, v3  }
0x3ca: {  	vm8 =	vmand vm1, vm0;
	vm3 =	vmand vm1, vm3;
	v3 =	vor.u32 v3, v2  }
0x3cb: {  	v2 =	vld [tilespmem:s20+$0x400];
	v3 =	vor.u32 $0x300, v3;
	_ =	sdelay $0x3  }
0x3cc: {  	vm9 =	vmand vm1, vm14  }
0x3cd: {  	[tilespmem:v3+s30+$0x0] =	vst.idx.add.f32.msk vm8, v2;
	vm8 =	vmand vm1, vm15  }
0x3ce: {  	[tilespmem:v3+s30+$0x0] =	vst.idx.add.f32.msk vm4, v2;
	vm4 =	vcmask $0x1F1C  }
0x3cf: {  	vm4 =	vmand vm1, vm4  }
0x3d0: {  	[tilespmem:v3+s30+$0x0] =	vst.idx.add.f32.msk vm5, v2;
	vm5 =	vcmask $0x2320  }
0x3d1: {  	vm5 =	vmand vm1, vm5  }
0x3d2: {  	[tilespmem:v3+s30+$0x0] =	vst.idx.add.f32.msk vm6, v2;
	vm6 =	vcmask $0x2724  }
0x3d3: {  	vm6 =	vmand vm1, vm6  }
0x3d4: {  	[tilespmem:v3+s30+$0x0] =	vst.idx.add.f32.msk vm7, v2  }
0x3d5: {  	vm7 =	vcmask $0x3330;
	[tilespmem:v3+s30+$0x0] =	vst.idx.add.f32.msk vm9, v2;
	vm9 =	vmmov vm11  }
0x3d6: {  	vm7 =	vmand vm1, vm7;
	[tilespmem:v3+s30+$0x0] =	vst.idx.add.f32.msk vm8, v2;
	vm8 =	vmmov vm10  }
0x3d7: {  	[tilespmem:v3+s30+$0x0] =	vst.idx.add.f32.msk vm4, v2;
	vm4 =	vcmask $0x3734  }
0x3d8: {  	vm4 =	vmand vm1, vm4  }
0x3d9: {  	[tilespmem:v3+s30+$0x0] =	vst.idx.add.f32.msk vm5, v2;
	vm5 =	vcmask $0x3B38  }
0x3da: {  	vm5 =	vmand vm1, vm5  }
0x3db: {  	[tilespmem:v3+s30+$0x0] =	vst.idx.add.f32.msk vm6, v2;
	vm6 =	vcmask $0x3F3C  }
0x3dc: {  	vm1 =	vmand vm1, vm6  }
.Ltmp7:
0x3dd: {  	[tilespmem:v3+s30+$0x0] =	vst.idx.add.f32.msk vm2, v2;
	(pc) =	sbr.rel @p1 .LBB2_16-.Ltmp7, $4  }
0x3de: {  	[tilespmem:v3+s30+$0x0] =	vst.idx.add.f32.msk vm3, v2  }
0x3df: {  	[tilespmem:v3+s30+$0x0] =	vst.idx.add.f32.msk vm7, v2  }
0x3e0: {  	s0 =	sadd.s32 $0x20, s0;
	[tilespmem:v3+s30+$0x0] =	vst.idx.add.f32.msk vm4, v2  }
0x3e1: {  	s19 =	sand.u32 $0x70, s19;
	s20 =	sand.u32 $0x300, s0;
	[tilespmem:v3+s30+$0x0] =	vst.idx.add.f32.msk vm5, v2  }
0x3e2: {  	_ =	sdelay $0x4  }
0x3e3: {  	s0 =	sor.u32 s19, s20;
	[tilespmem:v3+s30+$0x0] =	vst.idx.add.f32.msk vm1, v2  }
0x3e4: {  	v2 =	vld [tilespmem:s0+$0x0];
	_ =	sdelay $0x4  }
0x3e5: {  	v2 =	vsub.s32 v2, v0  }
0x3e6: {  	vm1 =	vlt.u32 v2, $0x3D80  }
0x3e7: {  	v4 =	vimm.s32 $0x0;
	vm2 =	vmand vm1, vm0  }
0x3e8: {  	v4 =	vsel vm2, $0xFFFFFFFF, v4  }
0x3e9: {  	[tilespmem:$0x1FF30] =	vst v4  }
0x3ea: {  	v4 =	vld [tilespmem:$0x1FF30];
	_ =	sdelay $0x1  }
0x3eb: {  	v2 =	vnsel vm1, $0x0, v2  }
0x3ec: {  	v3 =	vshll.u32 v2, $0x3  }
0x3ed: {  	v2 =	vand.u32 $0x7F, v2;
	v3 =	vand.u32 $0xFFFFFC00, v3  }
0x3ee: {  	v2 =	vor.u32 v3, v2;
	vm2 =	vnez.u8 v4  }
0x3ef: {  	vm3 =	vmand vm1, vm8;
	v3 =	vld [tilespmem:s0+$0x400];
	v2 =	vor.u32 $0x300, v2  }
0x3f0: {  	vm4 =	vmand vm1, vm9  }
0x3f1: {  	vm5 =	vmand vm1, vm12;
	_ =	sdelay $0x1  }
0x3f2: {  	vm6 =	vmand vm1, vm13  }
0x3f3: {  	vm7 =	vmand vm1, vm14;
	[tilespmem:v2+s30+$0x0] =	vst.idx.add.f32.msk vm2, v3  }
0x3f4: {  	vm2 =	vmand vm1, vm15;
	[tilespmem:v2+s30+$0x0] =	vst.idx.add.f32.msk vm3, v3;
	vm3 =	vcmask $0x1F1C  }
0x3f5: {  	vm3 =	vmand vm1, vm3;
	[tilespmem:v2+s30+$0x0] =	vst.idx.add.f32.msk vm4, v3;
	vm4 =	vcmask $0x2320  }
0x3f6: {  	vm4 =	vmand vm1, vm4;
	[tilespmem:v2+s30+$0x0] =	vst.idx.add.f32.msk vm5, v3;
	vm5 =	vcmask $0x2724  }
0x3f7: {  	vm5 =	vmand vm1, vm5  }
0x3f8: {  	[tilespmem:v2+s30+$0x0] =	vst.idx.add.f32.msk vm6, v3;
	vm6 =	vcmask $0x2B28  }
0x3f9: {  	vm6 =	vmand vm1, vm6;
	[tilespmem:v2+s30+$0x0] =	vst.idx.add.f32.msk vm7, v3;
	vm7 =	vcmask $0x2F2C  }
0x3fa: {  	vm7 =	vmand vm1, vm7;
	[tilespmem:v2+s30+$0x0] =	vst.idx.add.f32.msk vm2, v3;
	vm2 =	vcmask $0x3330  }
0x3fb: {  	vm2 =	vmand vm1, vm2;
	[tilespmem:v2+s30+$0x0] =	vst.idx.add.f32.msk vm3, v3;
	vm3 =	vcmask $0x3734  }
0x3fc: {  	vm3 =	vmand vm1, vm3;
	[tilespmem:v2+s30+$0x0] =	vst.idx.add.f32.msk vm4, v3;
	vm4 =	vcmask $0x3B38  }
0x3fd: {  	vm4 =	vmand vm1, vm4;
	[tilespmem:v2+s30+$0x0] =	vst.idx.add.f32.msk vm5, v3;
	vm5 =	vcmask $0x3F3C  }
0x3fe: {  	vm1 =	vmand vm1, vm5  }
0x3ff: {  	[tilespmem:v2+s30+$0x0] =	vst.idx.add.f32.msk vm6, v3  }
0x400: {  	[tilespmem:v2+s30+$0x0] =	vst.idx.add.f32.msk vm7, v3  }
0x401: {  	[tilespmem:v2+s30+$0x0] =	vst.idx.add.f32.msk vm2, v3  }
0x402: {  	[tilespmem:v2+s30+$0x0] =	vst.idx.add.f32.msk vm3, v3  }
0x403: {  	[tilespmem:v2+s30+$0x0] =	vst.idx.add.f32.msk vm4, v3  }
0x404: {  	[tilespmem:v2+s30+$0x0] =	vst.idx.add.f32.msk vm1, v3  }
0x405: {  	_ =	swait.ge [sflag:s22], $0x200  }
0x406: {  	[sflag:s22] =	ssyncset.done $0x0  }
0x407: {  	[sflag:s22] =	ssyncadd.s32 $0xFFFFFE00  }
0x408: {  	s19 =	simm.s32 $0x0;
	_ =	swait.ge [sflag:s22], $0x200  }
0x409: {  	s2 =	sand.u32 $0x70, s19;
	s0 =	sand.u32 $0x300, s19;
	[sflag:s22] =	ssyncset.done $0x0  }
0x40a: {  	s0 =	sor.u32 s0, s2;
	[sflag:s22] =	ssyncadd.s32 $0xFFFFFE00  }
0x40b: {  	v2 =	vld [tilespmem:s0+$0x80];
	_ =	sdelay $0x3  }
0x40c: {  	v4 =	vld [tilespmem:$0x1FFF0]  }
0x40d: {  	v2 =	vsub.s32 v2, v0  }
0x40e: {  	vm1 =	vlt.u32 v2, $0x3D80  }
0x40f: {  	v2 =	vnsel vm1, $0x0, v2  }
0x410: {  	v3 =	vshll.u32 v2, $0x3  }
0x411: {  	vm2 =	vnez.u8 v4;
	v2 =	vand.u32 $0x7F, v2;
	v3 =	vand.u32 $0xFFFFFC00, v3  }
0x412: {  	vm2 =	vmand vm1, vm2;
	v3 =	vor.u32 v3, v2  }
0x413: {  	v2 =	vld [tilespmem:s0+$0x480];
	v3 =	vor.u32 $0x380, v3  }
0x414: {  	vm3 =	vmand vm1, vm8  }
0x415: {  	vm5 =	vcmask $0xF0C;
	vm4 =	vmand vm1, vm9  }
0x416: {  	vm6 =	vcmask $0x1310;
	vm5 =	vmand vm1, vm5  }
0x417: {  	vm7 =	vcmask $0x1714;
	vm6 =	vmand vm1, vm6  }
0x418: {  	vm7 =	vmand vm1, vm7;
	[tilespmem:v3+s30+$0x0] =	vst.idx.add.f32.msk vm2, v2;
	vm2 =	vcmask $0x1B18  }
0x419: {  	vm2 =	vmand vm1, vm2  }
0x41a: {  	[tilespmem:v3+s30+$0x0] =	vst.idx.add.f32.msk vm3, v2;
	vm3 =	vcmask $0x1F1C  }
0x41b: {  	vm3 =	vmand vm1, vm3;
	[tilespmem:v3+s30+$0x0] =	vst.idx.add.f32.msk vm4, v2;
	vm4 =	vcmask $0x2320  }
0x41c: {  	vm4 =	vmand vm1, vm4;
	[tilespmem:v3+s30+$0x0] =	vst.idx.add.f32.msk vm5, v2;
	vm5 =	vcmask $0x2724  }
0x41d: {  	vm5 =	vmand vm1, vm5;
	[tilespmem:v3+s30+$0x0] =	vst.idx.add.f32.msk vm6, v2;
	vm6 =	vcmask $0x2B28  }
0x41e: {  	vm6 =	vmand vm1, vm6;
	[tilespmem:v3+s30+$0x0] =	vst.idx.add.f32.msk vm7, v2;
	vm7 =	vcmask $0x2F2C  }
0x41f: {  	vm7 =	vmand vm1, vm7;
	[tilespmem:v3+s30+$0x0] =	vst.idx.add.f32.msk vm2, v2;
	vm2 =	vcmask $0x3330  }
0x420: {  	vm2 =	vmand vm1, vm2  }
0x421: {  	[tilespmem:v3+s30+$0x0] =	vst.idx.add.f32.msk vm3, v2  }
0x422: {  	[tilespmem:v3+s30+$0x0] =	vst.idx.add.f32.msk vm4, v2  }
0x423: {  	vm3 =	vcmask $0x3734;
	[tilespmem:v3+s30+$0x0] =	vst.idx.add.f32.msk vm5, v2  }
0x424: {  	vm3 =	vmand vm1, vm3;
	vm4 =	vcmask $0x3B38;
	[tilespmem:v3+s30+$0x0] =	vst.idx.add.f32.msk vm6, v2  }
0x425: {  	vm4 =	vmand vm1, vm4;
	[tilespmem:v3+s30+$0x0] =	vst.idx.add.f32.msk vm7, v2  }
0x426: {  	[tilespmem:v3+s30+$0x0] =	vst.idx.add.f32.msk vm2, v2;
	vm2 =	vcmask $0x3F3C  }
0x427: {  	vm1 =	vmand vm1, vm2;
	_ =	sdelay $0x2  }
0x428: {  	s20 =	simm.s32 $0x10;
	s0 =	simm.s32 $0x20;
	[tilespmem:v3+s30+$0x0] =	vst.idx.add.f32.msk vm3, v2  }
0x429: {  	s19 =	sand.u32 $0x70, s20;
	s2 =	simm.s32 $0x20;
	s20 =	sand.u32 $0x300, s0;
	[tilespmem:v3+s30+$0x0] =	vst.idx.add.f32.msk vm4, v2  }
.LBB2_18:
0x42a: {  	p1 =	sne.s32 s2, $0x1F0  }
0x42b: {  	s20 =	sor.u32 s20, s19;
	[tilespmem:v3+s30+$0x0] =	vst.idx.add.f32.msk vm1, v2;
	s19 =	smov.u32 s2;
	s2 =	sadd.s32 $0x10, s2  }
0x42c: {  	v2 =	vld [tilespmem:s20+$0x80];
	_ =	sdelay $0x4  }
0x42d: {  	v2 =	vsub.s32 v2, v0  }
0x42e: {  	vm2 =	vcmask $0x2B28;
	vm3 =	vcmask $0x2F2C;
	vm1 =	vlt.u32 v2, $0x3D80  }
0x42f: {  	v2 =	vnsel vm1, $0x0, v2;
	vm4 =	vmand vm1, vm8;
	vm5 =	vmand vm1, vm9  }
0x430: {  	vm6 =	vmand vm1, vm12;
	vm7 =	vmand vm1, vm13;
	v3 =	vshll.u32 v2, $0x3  }
0x431: {  	vm2 =	vmand vm1, vm2;
	v2 =	vand.u32 $0x7F, v2;
	v3 =	vand.u32 $0xFFFFFC00, v3  }
0x432: {  	vm8 =	vmand vm1, vm0;
	vm3 =	vmand vm1, vm3;
	v3 =	vor.u32 v3, v2  }
0x433: {  	v2 =	vld [tilespmem:s20+$0x480];
	v3 =	vor.u32 $0x380, v3;
	_ =	sdelay $0x3  }
0x434: {  	vm9 =	vmand vm1, vm14  }
0x435: {  	[tilespmem:v3+s30+$0x0] =	vst.idx.add.f32.msk vm8, v2;
	vm8 =	vmand vm1, vm15  }
0x436: {  	[tilespmem:v3+s30+$0x0] =	vst.idx.add.f32.msk vm4, v2;
	vm4 =	vcmask $0x1F1C  }
0x437: {  	vm4 =	vmand vm1, vm4  }
0x438: {  	[tilespmem:v3+s30+$0x0] =	vst.idx.add.f32.msk vm5, v2;
	vm5 =	vcmask $0x2320  }
0x439: {  	vm5 =	vmand vm1, vm5  }
0x43a: {  	[tilespmem:v3+s30+$0x0] =	vst.idx.add.f32.msk vm6, v2;
	vm6 =	vcmask $0x2724  }
0x43b: {  	vm6 =	vmand vm1, vm6  }
0x43c: {  	[tilespmem:v3+s30+$0x0] =	vst.idx.add.f32.msk vm7, v2  }
0x43d: {  	vm7 =	vcmask $0x3330;
	[tilespmem:v3+s30+$0x0] =	vst.idx.add.f32.msk vm9, v2;
	vm9 =	vmmov vm11  }
0x43e: {  	vm7 =	vmand vm1, vm7;
	[tilespmem:v3+s30+$0x0] =	vst.idx.add.f32.msk vm8, v2;
	vm8 =	vmmov vm10  }
0x43f: {  	[tilespmem:v3+s30+$0x0] =	vst.idx.add.f32.msk vm4, v2;
	vm4 =	vcmask $0x3734  }
0x440: {  	vm4 =	vmand vm1, vm4  }
0x441: {  	[tilespmem:v3+s30+$0x0] =	vst.idx.add.f32.msk vm5, v2;
	vm5 =	vcmask $0x3B38  }
0x442: {  	vm5 =	vmand vm1, vm5  }
0x443: {  	[tilespmem:v3+s30+$0x0] =	vst.idx.add.f32.msk vm6, v2;
	vm6 =	vcmask $0x3F3C  }
0x444: {  	vm1 =	vmand vm1, vm6  }
.Ltmp8:
0x445: {  	[tilespmem:v3+s30+$0x0] =	vst.idx.add.f32.msk vm2, v2;
	(pc) =	sbr.rel @p1 .LBB2_18-.Ltmp8, $4  }
0x446: {  	[tilespmem:v3+s30+$0x0] =	vst.idx.add.f32.msk vm3, v2  }
0x447: {  	[tilespmem:v3+s30+$0x0] =	vst.idx.add.f32.msk vm7, v2  }
0x448: {  	s0 =	sadd.s32 $0x20, s0;
	[tilespmem:v3+s30+$0x0] =	vst.idx.add.f32.msk vm4, v2  }
0x449: {  	s19 =	sand.u32 $0x70, s19;
	s20 =	sand.u32 $0x300, s0;
	[tilespmem:v3+s30+$0x0] =	vst.idx.add.f32.msk vm5, v2  }
0x44a: {  	_ =	sdelay $0x4  }
0x44b: {  	s0 =	sor.u32 s20, s19;
	[tilespmem:v3+s30+$0x0] =	vst.idx.add.f32.msk vm1, v2  }
0x44c: {  	v2 =	vld [tilespmem:s0+$0x80];
	_ =	sdelay $0x4  }
0x44d: {  	v2 =	vsub.s32 v2, v0  }
0x44e: {  	vm1 =	vlt.u32 v2, $0x3D80  }
0x44f: {  	v2 =	vnsel vm1, $0x0, v2  }
0x450: {  	v3 =	vshll.u32 v2, $0x3  }
0x451: {  	v2 =	vand.u32 $0x7F, v2;
	v3 =	vand.u32 $0xFFFFFC00, v3  }
0x452: {  	vm2 =	vmand vm1, vm0;
	v2 =	vor.u32 v3, v2  }
0x453: {  	vm3 =	vmand vm1, vm8;
	v3 =	vld [tilespmem:s0+$0x480];
	v2 =	vor.u32 $0x380, v2  }
0x454: {  	vm4 =	vmand vm1, vm9  }
0x455: {  	vm5 =	vmand vm1, vm12  }
0x456: {  	vm6 =	vmand vm1, vm13  }
0x457: {  	vm7 =	vmand vm1, vm14  }
0x458: {  	vm0 =	vcmask $0x1F1C;
	[tilespmem:v2+s30+$0x0] =	vst.idx.add.f32.msk vm2, v3;
	vm2 =	vmand vm1, vm15  }
0x459: {  	vm13 =	vcmask $0x2320;
	[tilespmem:v2+s30+$0x0] =	vst.idx.add.f32.msk vm3, v3;
	vm3 =	vmand vm1, vm0  }
0x45a: {  	vm12 =	vcmask $0x2724;
	[tilespmem:v2+s30+$0x0] =	vst.idx.add.f32.msk vm4, v3;
	vm4 =	vmand vm1, vm13  }
0x45b: {  	[tilespmem:v2+s30+$0x0] =	vst.idx.add.f32.msk vm5, v3;
	vm5 =	vmand vm1, vm12  }
0x45c: {  	vm10 =	vcmask $0x2B28;
	[tilespmem:v2+s30+$0x0] =	vst.idx.add.f32.msk vm6, v3  }
0x45d: {  	vm11 =	vcmask $0x2F2C;
	vm6 =	vmand vm1, vm10;
	[tilespmem:v2+s30+$0x0] =	vst.idx.add.f32.msk vm7, v3  }
0x45e: {  	vm15 =	vcmask $0x3330;
	vm7 =	vmand vm1, vm11;
	[tilespmem:v2+s30+$0x0] =	vst.idx.add.f32.msk vm2, v3  }
0x45f: {  	vm2 =	vmand vm1, vm15;
	[tilespmem:v2+s30+$0x0] =	vst.idx.add.f32.msk vm3, v3;
	vm3 =	vcmask $0x3734  }
0x460: {  	vm3 =	vmand vm1, vm3;
	[tilespmem:v2+s30+$0x0] =	vst.idx.add.f32.msk vm4, v3;
	vm4 =	vcmask $0x3B38  }
0x461: {  	vm4 =	vmand vm1, vm4;
	[tilespmem:v2+s30+$0x0] =	vst.idx.add.f32.msk vm5, v3;
	vm5 =	vcmask $0x3F3C  }
0x462: {  	vm1 =	vmand vm1, vm5  }
0x463: {  	[tilespmem:v2+s30+$0x0] =	vst.idx.add.f32.msk vm6, v3  }
0x464: {  	[tilespmem:v2+s30+$0x0] =	vst.idx.add.f32.msk vm7, v3  }
0x465: {  	[tilespmem:v2+s30+$0x0] =	vst.idx.add.f32.msk vm2, v3  }
0x466: {  	[tilespmem:v2+s30+$0x0] =	vst.idx.add.f32.msk vm3, v3  }
0x467: {  	[tilespmem:v2+s30+$0x0] =	vst.idx.add.f32.msk vm4, v3  }
0x468: {  	s2 =	simm.s32 @p0 $0x800;
	s19 =	rddreg [dreg:$0x6];
	s0 =	simm.s32 @p0 $0x0;
	[tilespmem:v2+s30+$0x0] =	vst.idx.add.f32.msk vm1, v3  }
0x469: {  	[hbm4b:s19+s0] =	stream.linear.scatter @p0 [tilespmem:s2], [sflag:$0x2], $0x1B000, $0x38;
	[tilespmem:$0x1F400] =	vst v63  }
0x46a: {  	s2 =	simm.s32 @p0 $0x1B800;
	s19 =	rddreg [dreg:$0x7]  }
0x46b: {  	[hbm4b:s19+s0] =	stream.linear.scatter @p0 [tilespmem:s2], [sflag:$0x2], $0x400, $0x38;
	[tilespmem:$0x1F400] =	vst v63  }
0x46c: {  	s0 =	simm.s32 @p0 $0x2  }
0x46d: {  	_ =	swait.ge @p0 [sflag:s0], $0x1B000  }
0x46e: {  	[sflag:s0] =	ssyncset.done @p0 $0x0  }
0x46f: {  	[sflag:s0] =	ssyncadd.s32 @p0 $0xFFFE5000  }
0x470: {  	_ =	swait.ge @p0 [sflag:s0], $0x400  }
0x471: {  	s2 =	simm.s32 @!p0 $0x800;
	[sflag:s0] =	ssyncset.done @p0 $0x0  }
0x472: {  	s19 =	rddreg [dreg:$0x5];
	[sflag:s0] =	ssyncadd.s32 @p0 $0xFFFFFC00;
	s0 =	simm.s32 @!p0 $0x0  }
0x473: {  	[hbm4b:s19+s0] =	stream.linear.scatter @!p0 [tilespmem:s2], [sflag:$0x3], $0x1EC00, $0x38;
	[tilespmem:$0x1F400] =	vst v63  }
0x474: {  	s0 =	simm.s32 @!p0 $0x3  }
0x475: {  	_ =	swait.ge @!p0 [sflag:s0], $0x1EC00  }
0x476: {  	s31 =	sadd.s32 $0x1, s31;
	s20 =	rddreg [dreg:$0x8]  }
0x477: {  	v2 =	vld [tilespmem:$0x1FFF0];
	p1 =	sne.s32 s31, s20  }
.Ltmp9:
0x478: {  	_ = 	snop;
	(pc) =	sbr.rel @p1 .LBB2_1-.Ltmp9, $3  }
0x479: {  	_ =	sdelay $0x1  }
0x47a: {  	vm14 =	vcmask $0x1714;
	vm6 =	vmmov vm12;
	vm3 =	vcmask $0x1310;
	[sflag:s0] =	ssyncset.done @!p0 $0x0  }
0x47b: {  	vm4 =	vmmov vm13;
	vm1 =	vcmask $0xF0C;
	[sflag:s0] =	ssyncadd.s32 @!p0 $0xFFFE1400;
	vm2 =	vnez.u8 v2  }
0x47c: {  	_ =	sfence.sel $0x180000  }
0x47d: {  	[bflag:$0x0] =	sbarrier.arrive $0xFFFF  }
0x47e: {  	_ =	strace $0x90000047  }
0x47f: {  	s0 =	stileid.u32;
	[bflag:$0x2] =	sbarrier.arrive $0xFFFF  }
0x480: {  	p0 =	sne.s32 s0, $0x0;
	s0 =	rddreg [dreg:$0x2]  }
0x481: {  	s0 =	sadd.s32 @!p0 $0x100000, s0  }
0x482: {  	[sflag:s0] =	ssyncadd.tile.s32 @!p0 $0x1;
	_ =	shalt  }
.Lfunc_end2:
_tile_overlayer_lowered:
.L_overlay_start_2:
0x483: {  	(tag) =	ssettag $0x2  }
0x484: {  	s0 =	rddreg [dreg:$0x0];
	s2 =	stileid.u32  }
0x485: {  	s1 =	rddreg [dreg:$0x1];
	p0 =	sne.s32 s2, $0x0  }
0x486: {  	s3 =	rddreg [dreg:$0x2];
	[bflag:$0x3] =	sbarrier.arrive $0xFFFF;
	s2 =	simm.s32 @!p0 $0x1C03  }
0x487: {  	[timem:s3], [sflag:s2] =	dma.local @!p0 [hbm:s0], s1  }
0x488: {  	s0 =	simm.s32 @!p0 $0x3  }
0x489: {  	_ =	swait.ge @!p0 [sflag:s0], s1  }
0x48a: {  	s1 =	ssub.s32 @!p0 $0x0, s1;
	[sflag:s0] =	ssyncset.done @!p0 $0x0  }
0x48b: {  	[sflag:s0] =	ssyncadd.s32 @!p0 s1  }
0x48c: {  	[bflag:$0x3] =	sbarrier.arrive $0xFFFF  }
0x48d: {  	_ =	shalt  }

</sc_bundles>
